<compile_context>
chip_gen: v7x
topology: tpu7x:2x2x1
jax: 0.10.2.dev20260603
libtpu: 0.0.44.dev20260713+nightly
codegen_flags: <defaults>
</compile_context>

<pallas_src>
import functools

import jax
import jax.numpy as jnp
from jax import lax
from jax.experimental import pallas as pl
from jax.experimental.pallas import tpu as pltpu
from jax.experimental.pallas import tpu_sc as plsc

_B = 8
_N = 20000
_M = 256
_S = 512
_R = 1.0
_D = 8
_LANES = 16
_BLK = 25
_IDX_CAP = 928


def _box_prep_body(bx_ref, bo_ref, out_ref):
    bx = bx_ref[...]
    o = bo_ref[...]
    c = jnp.cos(o)[..., None]
    s = jnp.sin(o)[..., None]
    z = jnp.zeros_like(c)
    out_ref[...] = jnp.concatenate([bx, c, s] + [z] * 11, axis=-1)


def _box_prep(box_xyz, box_orientations):
    return pl.pallas_call(
        _box_prep_body,
        out_shape=jax.ShapeDtypeStruct((_B, _M, _LANES), jnp.float32),
    )(box_xyz, box_orientations)


def _make_sc_kernel():
    info = plsc.get_sparse_core_info()
    num_cores, num_subcores = info.num_cores, info.num_subcores
    nw = num_cores * num_subcores
    tiles_per_batch = nw // _B
    m_per_tile = _M // tiles_per_batch
    n_chunks = _N // _LANES

    mesh = plsc.VectorSubcoreMesh(core_axis_name="c", subcore_axis_name="s")

    @functools.partial(
        pl.kernel,
        mesh=mesh,
        compiler_params=pltpu.CompilerParams(needs_layout_passes=False,
                                             use_tc_tiling_on_sc=False),
        out_type=(
            jax.ShapeDtypeStruct((_M * _B * _S * 3,), jnp.float32),
            jax.ShapeDtypeStruct((_B * 5 * _M * _S,), jnp.float32),
        ),
        scratch_types=[
            pltpu.VMEM((_N,), jnp.float32),
            pltpu.VMEM((_N,), jnp.float32),
            pltpu.VMEM((_N,), jnp.float32),
            pltpu.VMEM((m_per_tile * _LANES,), jnp.float32),
            pltpu.VMEM((_IDX_CAP,), jnp.int32),
            pltpu.VMEM((2 * _S,), jnp.int32),
            pltpu.VMEM((2 * _S, _D), jnp.float32),
            pltpu.VMEM((2 * _S * 3,), jnp.float32),
            pltpu.VMEM((2 * 5 * _S,), jnp.float32),
            pltpu.SemaphoreType.DMA,
            pltpu.SemaphoreType.DMA,
            pltpu.SemaphoreType.DMA,
        ],
    )
    def sc_group(table_hbm, soa_hbm, boxp_hbm, oxyz_hbm, ofeat_hbm,
                 xs, ys, zs, boxq, idxl, idxg, rows, obx, obf,
                 sem_in0, sem_in1, sem_out):
        cid = lax.axis_index("c")
        sid = lax.axis_index("s")
        wid = sid * num_cores + cid
        b = wid // tiles_per_batch
        m0 = (wid % tiles_per_batch) * m_per_tile

        pltpu.sync_copy(soa_hbm.at[pl.ds((b * 3 + 0) * _N, _N)], xs)
        pltpu.sync_copy(soa_hbm.at[pl.ds((b * 3 + 1) * _N, _N)], ys)
        pltpu.sync_copy(soa_hbm.at[pl.ds((b * 3 + 2) * _N, _N)], zs)
        pltpu.sync_copy(
            boxp_hbm.at[pl.ds((b * _M + m0) * _LANES, m_per_tile * _LANES)],
            boxq)

        iota = lax.iota(jnp.int32, _LANES)
        base_g = b * _N

        def q_body(q, carry):
            p = q % 2

            @pl.when(q < m_per_tile)
            def _scan_fire():
                prm = boxq[pl.ds(q * _LANES, _LANES)]
                cx = prm[0]
                cy = prm[1]
                cz = prm[2]
                _scan_query(cx, cy, cz, p)

            @pl.when(q > 1)
            def _drain_outs():
                pltpu.make_async_copy(
                    oxyz_hbm.at[pl.ds(0, _S * 3)],
                    obx.at[pl.ds(p * _S * 3, _S * 3)], sem_out).wait()
                pltpu.make_async_copy(
                    ofeat_hbm.at[pl.ds(0, 5 * _S)],
                    obf.at[pl.ds(p * 5 * _S, 5 * _S)], sem_out).wait()

            @pl.when(q > 0)
            def _finish_prev():
                pp = (q - 1) % 2
                @pl.when(pp == 0)
                def _():
                    pltpu.make_async_copy(
                        table_hbm.at[pl.ds(0, _S)],
                        rows.at[pl.ds(0, _S)], sem_in0).wait()

                @pl.when(pp == 1)
                def _():
                    pltpu.make_async_copy(
                        table_hbm.at[pl.ds(0, _S)],
                        rows.at[pl.ds(_S, _S)], sem_in1).wait()

                _transform_fire(q - 1, pp)

            return carry

        def _scan_query(cx, cy, cz, p):
            def scan_cond(st):
                i, cnt = st
                return jnp.logical_and(i < n_chunks // _BLK, cnt < _S)

            def scan_step(st):
                i, cnt = st
                off = i * (_BLK * _LANES)
                mks = []
                for j in range(_BLK):
                    o2 = off + j * _LANES
                    dx = xs[pl.ds(o2, _LANES)] - cx
                    dy = ys[pl.ds(o2, _LANES)] - cy
                    dz = zs[pl.ds(o2, _LANES)] - cz
                    d2 = dx * dx + dy * dy + dz * dz
                    mks.append(d2 < (_R * _R))
                pcs = [plsc.all_reduce_population_count(mk)[0] for mk in mks]
                for j in range(_BLK):
                    vals = (base_g + off + j * _LANES) + iota
                    plsc.store_compressed(idxl.at[pl.ds(cnt, _LANES)], vals,
                                          mask=mks[j])
                    cnt = cnt + pcs[j]
                return (i + jnp.int32(1), cnt)

            _, cnt = lax.while_loop(
                scan_cond, scan_step, (jnp.int32(0), jnp.int32(0)))

            first = jnp.where(cnt > 0, idxl[pl.ds(0, _LANES)][0], base_g)
            fvec = jnp.broadcast_to(first, (_LANES,))

            def fire(bank, sem):
                for j in range(4):
                    def fill(t, _, j=j):
                        pos = j * 128 + t * _LANES
                        v = idxl[pl.ds(pos, _LANES)]
                        v = jnp.where((pos + iota) < cnt, v, fvec)
                        idxg[pl.ds(bank * _S + pos, _LANES)] = v
                        return 0

                    lax.fori_loop(0, 128 // _LANES, fill, 0)
                    pltpu.async_copy(
                        table_hbm.at[
                            idxg.at[pl.ds(bank * _S + j * 128, 128)]],
                        rows.at[pl.ds(bank * _S + j * 128, 128)],
                        sem)

            @pl.when(p == 0)
            def _():
                fire(0, sem_in0)

            @pl.when(p == 1)
            def _():
                fire(1, sem_in1)

        def _transform_fire(qq, pp):
            prm = boxq[pl.ds(qq * _LANES, _LANES)]
            cx = prm[0]
            cy = prm[1]
            cz = prm[2]
            co = prm[3]
            si = prm[4]
            rbase = pp * _S
            xbase = pp * _S * 3
            fbase = pp * 5 * _S

            def transform(t, _):
                rid = t * _LANES + iota
                col = [
                    plsc.load_gather(
                        rows,
                        [rbase + rid, jnp.full((_LANES,), c, jnp.int32)])
                    for c in range(_D)
                ]
                inv_r = 1.0 / _R
                gx = (col[0] - cx) * inv_r
                gy = (col[1] - cy) * inv_r
                gz = (col[2] - cz) * inv_r
                xr = co * gx + si * gy
                yr = co * gy - si * gx
                tgt = xbase + rid * 3
                plsc.store_scatter(obx, [tgt], xr)
                plsc.store_scatter(obx, [tgt + 1], yr)
                plsc.store_scatter(obx, [tgt + 2], gz)
                for c in range(5):
                    obf[pl.ds(fbase + c * _S + t * _LANES, _LANES)] = \
                        col[3 + c]
                return 0

            lax.fori_loop(0, _S // _LANES, transform, 0)

            m = m0 + qq
            pltpu.async_copy(
                obx.at[pl.ds(xbase, _S * 3)],
                oxyz_hbm.at[pl.ds((m * _B + b) * _S * 3, _S * 3)],
                sem_out)
            for c in range(5):
                pltpu.async_copy(
                    obf.at[pl.ds(fbase + c * _S, _S)],
                    ofeat_hbm.at[pl.ds(((b * 5 + c) * _M + m) * _S, _S)],
                    sem_out)

        lax.fori_loop(0, m_per_tile + 1, q_body, 0)

        lastp = (m_per_tile - 1) % 2
        pltpu.make_async_copy(
            oxyz_hbm.at[pl.ds(0, _S * 3)],
            obx.at[pl.ds(lastp * _S * 3, _S * 3)], sem_out).wait()
        pltpu.make_async_copy(
            ofeat_hbm.at[pl.ds(0, 5 * _S)],
            obf.at[pl.ds(lastp * 5 * _S, 5 * _S)], sem_out).wait()

    return sc_group


_sc_group = None


def kernel(box_xyz, box_orientations, box_feature, input_point_cloud,
           point_instance_labels, proposal_instance_labels):
    global _sc_group
    if _sc_group is None:
        _sc_group = _make_sc_kernel()

    pc = input_point_cloud.astype(jnp.float32)
    table = jnp.concatenate(
        [pc, point_instance_labels.astype(jnp.float32)[..., None]], axis=-1)
    soa = jnp.transpose(table[..., :3], (0, 2, 1)).reshape(-1)
    table_flat = table.reshape(_B * _N, _D)
    boxp = _box_prep(box_xyz.astype(jnp.float32),
                     box_orientations.astype(jnp.float32)).reshape(-1)

    xyz_flat, feat_flat = _sc_group(table_flat, soa, boxp)
    xyz_out = xyz_flat.reshape(_M, _B, _S, 3)
    feat_out = feat_flat.reshape(_B, 5, _M, _S)
    return xyz_out, feat_out

# --- scband reference (transcript-rebuilt; emitter-appended) ---
"""Pipeline reference for scband-group-and-align-43817256354257 (READ-ONLY COPY).

The authoritative reference and input builder live on the scoring server;
editing this copy changes nothing except your own understanding.
"""

import jax, jax.numpy as jnp
import numpy as np

B = 8
N = 20000
M = 256
NSAMPLE = 512
RADIUS = 1.0
FEAT_DIM = 4  # use_color_completion(3) + height(1)


def setup_inputs(seed: int = 0) -> dict:
    key = jax.random.key(seed)
    ks = jax.random.split(key, 6)
    box_xyz = jax.random.normal(ks[0], (B, M, 3), dtype=jnp.float32)
    box_orientations = jax.random.uniform(ks[1], (B, M), dtype=jnp.float32) * 2.0 * np.pi
    box_feature = jax.random.normal(ks[2], (B, 128, M), dtype=jnp.float32)
    input_point_cloud = jax.random.normal(ks[3], (B, N, 3 + FEAT_DIM), dtype=jnp.float32)
    point_instance_labels = jax.random.randint(ks[4], (B, N), 0, 64).astype(jnp.float32)
    proposal_instance_labels = jax.random.randint(ks[5], (B, M), 0, 64).astype(jnp.int64)
    return {
        "box_xyz": box_xyz,
        "box_orientations": box_orientations,
        "box_feature": box_feature,
        "input_point_cloud": input_point_cloud,
        "point_instance_labels": point_instance_labels,
        "proposal_instance_labels": proposal_instance_labels,
    }


def _ball_query(xyz, new_xyz):
    # xyz: [B, N, 3], new_xyz: [B, M, 3] -> idx [B, M, NSAMPLE]
    d2 = jnp.sum((new_xyz[:, :, None, :] - xyz[:, None, :, :]) ** 2, axis=-1)  # [B, M, N]
    mask = d2 < RADIUS ** 2
    iota = jnp.arange(N, dtype=jnp.int32)[None, None, :]
    order = jnp.where(mask, iota, N + iota)
    idx_sorted = jnp.argsort(order, axis=-1)[..., :NSAMPLE]  # [B, M, NSAMPLE]
    valid = jnp.take_along_axis(mask, idx_sorted, axis=-1)
    # pointnet2 ball_query convention: pad empty slots with the first valid index
    idx = jnp.where(valid, idx_sorted, idx_sorted[..., :1])
    return idx


def _forward(box_xyz, box_orientations, box_feature, input_point_cloud, point_instance_labels, proposal_instance_labels):
    # _break_up_pc
    xyz = input_point_cloud[..., 0:3]  # [B, N, 3]
    features = jnp.transpose(input_point_cloud[..., 3:3 + FEAT_DIM], (0, 2, 1))  # [B, C, N]
    features = jnp.concatenate([features, point_instance_labels[:, None, :]], axis=1)  # [B, C+1, N]

    # STN_Group: ball query + group + normalize_xyz + rotate into box canonical frame
    idx = _ball_query(xyz, box_xyz)  # [B, M, S]
    b_idx = jnp.arange(B)[:, None, None]
    grouped_xyz = xyz[b_idx, idx]  # [B, M, S, 3]
    grouped_xyz = (grouped_xyz - box_xyz[:, :, None, :]) / RADIUS

    c = jnp.cos(box_orientations)[:, :, None]  # [B, M, 1]
    s = jnp.sin(box_orientations)[:, :, None]
    gx = grouped_xyz[..., 0]
    gy = grouped_xyz[..., 1]
    gz = grouped_xyz[..., 2]
    xr = c * gx + s * gy
    yr = -s * gx + c * gy
    grouped_xyz = jnp.stack([xr, yr, gz], axis=-1)  # [B, M, S, 3]
    grouped_xyz_t = jnp.transpose(grouped_xyz, (0, 3, 1, 2))  # [B, 3, M, S] (torch layout)

    feats_t = jnp.transpose(features, (0, 2, 1))  # [B, N, C]
    grouped_features = feats_t[b_idx, idx]  # [B, M, S, C]
    grouped_features = jnp.transpose(grouped_features, (0, 3, 1, 2))  # [B, C, M, S]

    # final permute([2, 0, 3, 1]) of [B, 3, M, S] -> [M, B, S, 3]
    xyz_out = jnp.transpose(grouped_xyz_t, (2, 0, 3, 1))
    return xyz_out, grouped_features


def reference(box_xyz, box_orientations, box_feature, input_point_cloud, point_instance_labels, proposal_instance_labels):
    return _forward(box_xyz, box_orientations, box_feature, input_point_cloud, point_instance_labels, proposal_instance_labels)

if __name__ == "__main__":
    import jax
    _d = setup_inputs()
    print(jax.jit(kernel)(*tuple(_d.values())))

</pallas_src>

<mosaic_0001>
#map = affine_map<(d0, d1) -> (0, 0)>
#map1 = affine_map<(d0, d1) -> (0)>
module attributes {stable_mosaic.version = 14 : i64} {
  func.func @sc_group(%arg0: i32, %arg1: i32, %arg2: memref<160000x8xf32, #tpu.memory_space<hbm>>, %arg3: memref<480000xf32, #tpu.memory_space<hbm>>, %arg4: memref<32768xf32, #tpu.memory_space<hbm>>, %arg5: memref<3145728xf32, #tpu.memory_space<hbm>>, %arg6: memref<5242880xf32, #tpu.memory_space<hbm>>, %arg7: memref<20000xf32, #tpu.memory_space<vmem>>, %arg8: memref<20000xf32, #tpu.memory_space<vmem>>, %arg9: memref<20000xf32, #tpu.memory_space<vmem>>, %arg10: memref<1024xf32, #tpu.memory_space<vmem>>, %arg11: memref<928xi32, #tpu.memory_space<vmem>>, %arg12: memref<1024xi32, #tpu.memory_space<vmem>>, %arg13: memref<1024x8xf32, #tpu.memory_space<vmem>>, %arg14: memref<3072xf32, #tpu.memory_space<vmem>>, %arg15: memref<5120xf32, #tpu.memory_space<vmem>>, %arg16: memref<!tpu.dma_semaphore, #tpu.memory_space<semaphore_mem>>, %arg17: memref<!tpu.dma_semaphore, #tpu.memory_space<semaphore_mem>>, %arg18: memref<!tpu.dma_semaphore, #tpu.memory_space<semaphore_mem>>) attributes {dimension_semantics = [#tpu.dimension_semantics<core_parallel>, #tpu.dimension_semantics<subcore_parallel>], iteration_bounds = array<i64: 2, 16>, scalar_prefetch = 0 : i64, scratch_operands = 12 : i64, tpu.core_type = #tpu.core_type<sc_vector_subcore>, window_params = [{transform_indices = #map}, {transform_indices = #map1}, {transform_indices = #map1}, {transform_indices = #map1}, {transform_indices = #map1}]} {
    %mul3A = arith.constant 2 : i32
    %mul3A_0 = arith.muli %arg1, %mul3A : i32
    %add3A = arith.addi %mul3A_0, %arg0 : i32
    %jit3A = arith.constant 4 : i32
    %div3A = arith.divsi %add3A, %jit3A : i32
    %sign3A = arith.constant 0 : i32
    %sign3A_1 = arith.cmpi sgt, %add3A, %sign3A : i32
    %sign3A_2 = arith.extui %sign3A_1 : i1 to i32
    %sign3A_3 = arith.constant 0 : i32
    %sign3A_4 = arith.cmpi slt, %add3A, %sign3A_3 : i32
    %sign3A_5 = arith.extui %sign3A_4 : i1 to i32
    %sign3A_6 = arith.subi %sign3A_2, %sign3A_5 : i32
    %sign3A_7 = arith.constant 0 : i32
    %sign3A_8 = arith.cmpi sgt, %jit3A, %sign3A_7 : i32
    %sign3A_9 = arith.extui %sign3A_8 : i1 to i32
    %sign3A_10 = arith.constant 0 : i32
    %sign3A_11 = arith.cmpi slt, %jit3A, %sign3A_10 : i32
    %sign3A_12 = arith.extui %sign3A_11 : i1 to i32
    %sign3A_13 = arith.subi %sign3A_9, %sign3A_12 : i32
    %ne3A = arith.cmpi ne, %sign3A_6, %sign3A_13 : i32
    %rem3A = arith.remsi %add3A, %jit3A : i32
    %ne3A_14 = arith.constant 0 : i32
    %ne3A_15 = arith.cmpi ne, %rem3A, %ne3A_14 : i32
    %and3A = arith.andi %ne3A, %ne3A_15 : i1
    %sub3A = arith.constant 1 : i32
    %sub3A_16 = arith.subi %div3A, %sub3A : i32
    %select_n3A = arith.select %and3A, %sub3A_16, %div3A : i32
    %jit3A_17 = arith.constant 4 : i32
    %eq3A = arith.constant 0 : i32
    %eq3A_18 = arith.cmpi eq, %jit3A_17, %eq3A : i32
    %jit3A_19 = arith.constant 1 : i32
    %select_n3A_20 = arith.select %eq3A_18, %jit3A_19, %jit3A_17 : i32
    %rem3A_21 = arith.remsi %add3A, %select_n3A_20 : i32
    %ne3A_22 = arith.constant 0 : i32
    %ne3A_23 = arith.cmpi ne, %rem3A_21, %ne3A_22 : i32
    %lt3A = arith.constant 0 : i32
    %lt3A_24 = arith.cmpi slt, %rem3A_21, %lt3A : i32
    %lt3A_25 = arith.constant 0 : i32
    %lt3A_26 = arith.cmpi slt, %select_n3A_20, %lt3A_25 : i32
    %ne3A_27 = arith.xori %lt3A_24, %lt3A_26 : i1
    %and3A_28 = arith.andi %ne3A_27, %ne3A_23 : i1
    %add3A_29 = arith.addi %rem3A_21, %select_n3A_20 : i32
    %select_n3A_30 = arith.select %and3A_28, %add3A_29, %rem3A_21 : i32
    %mul3A_31 = arith.constant 64 : i32
    %mul3A_32 = arith.muli %select_n3A_30, %mul3A_31 : i32
    %mul3A_33 = arith.constant 3 : i32
    %mul3A_34 = arith.muli %select_n3A, %mul3A_33 : i32
    %add3A_35 = arith.constant 0 : i32
    %add3A_36 = arith.addi %mul3A_34, %add3A_35 : i32
    %mul3A_37 = arith.constant 20000 : i32
    %mul3A_38 = arith.muli %add3A_36, %mul3A_37 : i32
    "tpu.region"() ({
      %run_scoped3A = tpu.sem_alloc : memref<!tpu.dma_semaphore, #tpu.memory_space<semaphore_mem>>
      %dma_start3A = tpu.memref_slice %arg3[%mul3A_38] : memref<480000xf32, #tpu.memory_space<hbm>> -> memref<20000xf32, #tpu.memory_space<hbm>>
      %dma_start3A_78 = tpu.memref_slice %arg3[%mul3A_38] : memref<480000xf32, #tpu.memory_space<hbm>> -> memref<20000xf32, #tpu.memory_space<hbm>>
      tpu.enqueue_dma source(%dma_start3A_78 : memref<20000xf32, #tpu.memory_space<hbm>>) target(%arg7 : memref<20000xf32, #tpu.memory_space<vmem>>) target_semaphore(%run_scoped3A : memref<!tpu.dma_semaphore, #tpu.memory_space<semaphore_mem>>)
      %dma_wait3A_79 = tpu.memref_slice %arg3[%mul3A_38] : memref<480000xf32, #tpu.memory_space<hbm>> -> memref<20000xf32, #tpu.memory_space<hbm>>
      %dma_wait3A_80 = tpu.memref_slice %arg3[%mul3A_38] : memref<480000xf32, #tpu.memory_space<hbm>> -> memref<20000xf32, #tpu.memory_space<hbm>>
      tpu.wait_dma2 semaphore(%run_scoped3A : memref<!tpu.dma_semaphore, #tpu.memory_space<semaphore_mem>>) src(%dma_wait3A_80 : memref<20000xf32, #tpu.memory_space<hbm>>) dst(%arg7 : memref<20000xf32, #tpu.memory_space<vmem>>)
      tpu.yield
    }) : () -> ()
    %mul3A_39 = arith.constant 3 : i32
    %mul3A_40 = arith.muli %select_n3A, %mul3A_39 : i32
    %add3A_41 = arith.constant 1 : i32
    %add3A_42 = arith.addi %mul3A_40, %add3A_41 : i32
    %mul3A_43 = arith.constant 20000 : i32
    %mul3A_44 = arith.muli %add3A_42, %mul3A_43 : i32
    "tpu.region"() ({
      %run_scoped3A = tpu.sem_alloc : memref<!tpu.dma_semaphore, #tpu.memory_space<semaphore_mem>>
      %dma_start3A = tpu.memref_slice %arg3[%mul3A_44] : memref<480000xf32, #tpu.memory_space<hbm>> -> memref<20000xf32, #tpu.memory_space<hbm>>
      %dma_start3A_78 = tpu.memref_slice %arg3[%mul3A_44] : memref<480000xf32, #tpu.memory_space<hbm>> -> memref<20000xf32, #tpu.memory_space<hbm>>
      tpu.enqueue_dma source(%dma_start3A_78 : memref<20000xf32, #tpu.memory_space<hbm>>) target(%arg8 : memref<20000xf32, #tpu.memory_space<vmem>>) target_semaphore(%run_scoped3A : memref<!tpu.dma_semaphore, #tpu.memory_space<semaphore_mem>>)
      %dma_wait3A_79 = tpu.memref_slice %arg3[%mul3A_44] : memref<480000xf32, #tpu.memory_space<hbm>> -> memref<20000xf32, #tpu.memory_space<hbm>>
      %dma_wait3A_80 = tpu.memref_slice %arg3[%mul3A_44] : memref<480000xf32, #tpu.memory_space<hbm>> -> memref<20000xf32, #tpu.memory_space<hbm>>
      tpu.wait_dma2 semaphore(%run_scoped3A : memref<!tpu.dma_semaphore, #tpu.memory_space<semaphore_mem>>) src(%dma_wait3A_80 : memref<20000xf32, #tpu.memory_space<hbm>>) dst(%arg8 : memref<20000xf32, #tpu.memory_space<vmem>>)
      tpu.yield
    }) : () -> ()
    %mul3A_45 = arith.constant 3 : i32
    %mul3A_46 = arith.muli %select_n3A, %mul3A_45 : i32
    %add3A_47 = arith.constant 2 : i32
    %add3A_48 = arith.addi %mul3A_46, %add3A_47 : i32
    %mul3A_49 = arith.constant 20000 : i32
    %mul3A_50 = arith.muli %add3A_48, %mul3A_49 : i32
    "tpu.region"() ({
      %run_scoped3A = tpu.sem_alloc : memref<!tpu.dma_semaphore, #tpu.memory_space<semaphore_mem>>
      %dma_start3A = tpu.memref_slice %arg3[%mul3A_50] : memref<480000xf32, #tpu.memory_space<hbm>> -> memref<20000xf32, #tpu.memory_space<hbm>>
      %dma_start3A_78 = tpu.memref_slice %arg3[%mul3A_50] : memref<480000xf32, #tpu.memory_space<hbm>> -> memref<20000xf32, #tpu.memory_space<hbm>>
      tpu.enqueue_dma source(%dma_start3A_78 : memref<20000xf32, #tpu.memory_space<hbm>>) target(%arg9 : memref<20000xf32, #tpu.memory_space<vmem>>) target_semaphore(%run_scoped3A : memref<!tpu.dma_semaphore, #tpu.memory_space<semaphore_mem>>)
      %dma_wait3A_79 = tpu.memref_slice %arg3[%mul3A_50] : memref<480000xf32, #tpu.memory_space<hbm>> -> memref<20000xf32, #tpu.memory_space<hbm>>
      %dma_wait3A_80 = tpu.memref_slice %arg3[%mul3A_50] : memref<480000xf32, #tpu.memory_space<hbm>> -> memref<20000xf32, #tpu.memory_space<hbm>>
      tpu.wait_dma2 semaphore(%run_scoped3A : memref<!tpu.dma_semaphore, #tpu.memory_space<semaphore_mem>>) src(%dma_wait3A_80 : memref<20000xf32, #tpu.memory_space<hbm>>) dst(%arg9 : memref<20000xf32, #tpu.memory_space<vmem>>)
      tpu.yield
    }) : () -> ()
    %mul3A_51 = arith.constant 256 : i32
    %mul3A_52 = arith.muli %select_n3A, %mul3A_51 : i32
    %add3A_53 = arith.addi %mul3A_52, %mul3A_32 : i32
    %mul3A_54 = arith.constant 16 : i32
    %mul3A_55 = arith.muli %add3A_53, %mul3A_54 : i32
    "tpu.region"() ({
      %run_scoped3A = tpu.sem_alloc : memref<!tpu.dma_semaphore, #tpu.memory_space<semaphore_mem>>
      %dma_start3A = tpu.memref_slice %arg4[%mul3A_55] : memref<32768xf32, #tpu.memory_space<hbm>> -> memref<1024xf32, #tpu.memory_space<hbm>>
      %dma_start3A_78 = tpu.memref_slice %arg4[%mul3A_55] : memref<32768xf32, #tpu.memory_space<hbm>> -> memref<1024xf32, #tpu.memory_space<hbm>>
      tpu.enqueue_dma source(%dma_start3A_78 : memref<1024xf32, #tpu.memory_space<hbm>>) target(%arg10 : memref<1024xf32, #tpu.memory_space<vmem>>) target_semaphore(%run_scoped3A : memref<!tpu.dma_semaphore, #tpu.memory_space<semaphore_mem>>)
      %dma_wait3A_79 = tpu.memref_slice %arg4[%mul3A_55] : memref<32768xf32, #tpu.memory_space<hbm>> -> memref<1024xf32, #tpu.memory_space<hbm>>
      %dma_wait3A_80 = tpu.memref_slice %arg4[%mul3A_55] : memref<32768xf32, #tpu.memory_space<hbm>> -> memref<1024xf32, #tpu.memory_space<hbm>>
      tpu.wait_dma2 semaphore(%run_scoped3A : memref<!tpu.dma_semaphore, #tpu.memory_space<semaphore_mem>>) src(%dma_wait3A_80 : memref<1024xf32, #tpu.memory_space<hbm>>) dst(%arg10 : memref<1024xf32, #tpu.memory_space<vmem>>)
      tpu.yield
    }) : () -> ()
    %iota3A = tpu.iota {dimensions = array<i32: 0>} : vector<16xi32>
    %mul3A_56 = arith.constant 20000 : i32
    %mul3A_57 = arith.muli %select_n3A, %mul3A_56 : i32
    %scan3A = arith.constant 0 : i32
    %scan3A_58 = arith.constant 0 : i32
    %scan3A_59 = arith.constant 65 : i32
    %scan3A_60 = arith.addi %scan3A_58, %scan3A_59 : i32
    %scan3A_61 = arith.constant 1 : i32
    scf.for %scan3A_78 = %scan3A_58 to %scan3A_60 step %scan3A_61  : i32 {
      %jit3A_79 = arith.constant 2 : i32
      %eq3A_80 = arith.constant 0 : i32
      %eq3A_81 = arith.cmpi eq, %jit3A_79, %eq3A_80 : i32
      %jit3A_82 = arith.constant 1 : i32
      %select_n3A_83 = arith.select %eq3A_81, %jit3A_82, %jit3A_79 : i32
      %rem3A_84 = arith.remsi %scan3A_78, %select_n3A_83 : i32
      %ne3A_85 = arith.constant 0 : i32
      %ne3A_86 = arith.cmpi ne, %rem3A_84, %ne3A_85 : i32
      %lt3A_87 = arith.constant 0 : i32
      %lt3A_88 = arith.cmpi slt, %rem3A_84, %lt3A_87 : i32
      %lt3A_89 = arith.constant 0 : i32
      %lt3A_90 = arith.cmpi slt, %select_n3A_83, %lt3A_89 : i32
      %ne3A_91 = arith.xori %lt3A_88, %lt3A_90 : i1
      %and3A_92 = arith.andi %ne3A_91, %ne3A_86 : i1
      %add3A_93 = arith.addi %rem3A_84, %select_n3A_83 : i32
      %select_n3A_94 = arith.select %and3A_92, %add3A_93, %rem3A_84 : i32
      %lt3A_95 = arith.constant 64 : i32
      %lt3A_96 = arith.cmpi slt, %scan3A_78, %lt3A_95 : i32
      %convert_element_type3A = arith.extui %lt3A_96 : i1 to i32
      %cond3A = arith.constant 0 : i32
      %cond3A_97 = arith.cmpi ne, %convert_element_type3A, %cond3A : i32
      scf.if %cond3A_97 {
        %mul3A_107 = arith.constant 16 : i32
        %mul3A_108 = arith.muli %scan3A_78, %mul3A_107 : i32
        %get3A = arith.index_cast %mul3A_108 : i32 to index
        %get3A_109 = tpu.vector_load %arg10[%get3A] {strides = array<i32>} : memref<1024xf32, #tpu.memory_space<vmem>>, vector<16xf32>,
        %slice3A = vector.extract_strided_slice %get3A_109 {offsets = [0], sizes = [1], strides = [1]} : vector<16xf32> to vector<1xf32>
        %squeeze3A = vector.extract %slice3A[0] : f32 from vector<1xf32>
        %slice3A_110 = vector.extract_strided_slice %get3A_109 {offsets = [1], sizes = [1], strides = [1]} : vector<16xf32> to vector<1xf32>
        %squeeze3A_111 = vector.extract %slice3A_110[0] : f32 from vector<1xf32>
        %slice3A_112 = vector.extract_strided_slice %get3A_109 {offsets = [2], sizes = [1], strides = [1]} : vector<16xf32> to vector<1xf32>
        %squeeze3A_113 = vector.extract %slice3A_112[0] : f32 from vector<1xf32>
        %while3A = arith.constant 0 : i32
        %while3A_114 = arith.constant 0 : i32
        %while3A_115:2 = scf.while (%while3A_133 = %while3A, %while3A_134 = %while3A_114) : (i32, i32) -> (i32, i32) {
          %lt3A_135 = arith.constant 50 : i32
          %lt3A_136 = arith.cmpi slt, %while3A_133, %lt3A_135 : i32
          %lt3A_137 = arith.constant 512 : i32
          %lt3A_138 = arith.cmpi slt, %while3A_134, %lt3A_137 : i32
          %and3A_139 = arith.andi %lt3A_136, %lt3A_138 : i1
          scf.condition(%and3A_139) %while3A_133, %while3A_134 : i32, i32
        } do {
        ^bb0(%while3A_133: i32, %while3A_134: i32):
          %mul3A_135 = arith.constant 400 : i32
          %mul3A_136 = arith.muli %while3A_133, %mul3A_135 : i32
          %add3A_137 = arith.constant 0 : i32
          %add3A_138 = arith.addi %mul3A_136, %add3A_137 : i32
          %get3A_139 = arith.index_cast %add3A_138 : i32 to index
          %get3A_140 = tpu.vector_load %arg7[%get3A_139] {strides = array<i32>} : memref<20000xf32, #tpu.memory_space<vmem>>, vector<16xf32>,
          %sub3A_141 = vector.broadcast %squeeze3A : f32 to vector<16xf32>
          %sub3A_142 = arith.subf %get3A_140, %sub3A_141 : vector<16xf32>
          %get3A_143 = arith.index_cast %add3A_138 : i32 to index
          %get3A_144 = tpu.vector_load %arg8[%get3A_143] {strides = array<i32>} : memref<20000xf32, #tpu.memory_space<vmem>>, vector<16xf32>,
          %sub3A_145 = vector.broadcast %squeeze3A_111 : f32 to vector<16xf32>
          %sub3A_146 = arith.subf %get3A_144, %sub3A_145 : vector<16xf32>
          %get3A_147 = arith.index_cast %add3A_138 : i32 to index
          %get3A_148 = tpu.vector_load %arg9[%get3A_147] {strides = array<i32>} : memref<20000xf32, #tpu.memory_space<vmem>>, vector<16xf32>,
          %sub3A_149 = vector.broadcast %squeeze3A_113 : f32 to vector<16xf32>
          %sub3A_150 = arith.subf %get3A_148, %sub3A_149 : vector<16xf32>
          %mul3A_151 = arith.mulf %sub3A_142, %sub3A_142 : vector<16xf32>
          %mul3A_152 = arith.mulf %sub3A_146, %sub3A_146 : vector<16xf32>
          %add3A_153 = arith.addf %mul3A_151, %mul3A_152 : vector<16xf32>
          %mul3A_154 = arith.mulf %sub3A_150, %sub3A_150 : vector<16xf32>
          %add3A_155 = arith.addf %add3A_153, %mul3A_154 : vector<16xf32>
          %lt3A_156 = arith.constant 1.000000e+00 : f32
          %lt3A_157 = vector.broadcast %lt3A_156 : f32 to vector<16xf32>
          %lt3A_158 = arith.cmpf olt, %add3A_155, %lt3A_157 : vector<16xf32>
          %add3A_159 = arith.constant 16 : i32
          %add3A_160 = arith.addi %mul3A_136, %add3A_159 : i32
          %get3A_161 = arith.index_cast %add3A_160 : i32 to index
          %get3A_162 = tpu.vector_load %arg7[%get3A_161] {strides = array<i32>} : memref<20000xf32, #tpu.memory_space<vmem>>, vector<16xf32>,
          %sub3A_163 = vector.broadcast %squeeze3A : f32 to vector<16xf32>
          %sub3A_164 = arith.subf %get3A_162, %sub3A_163 : vector<16xf32>
          %get3A_165 = arith.index_cast %add3A_160 : i32 to index
          %get3A_166 = tpu.vector_load %arg8[%get3A_165] {strides = array<i32>} : memref<20000xf32, #tpu.memory_space<vmem>>, vector<16xf32>,
          %sub3A_167 = vector.broadcast %squeeze3A_111 : f32 to vector<16xf32>
          %sub3A_168 = arith.subf %get3A_166, %sub3A_167 : vector<16xf32>
          %get3A_169 = arith.index_cast %add3A_160 : i32 to index
          %get3A_170 = tpu.vector_load %arg9[%get3A_169] {strides = array<i32>} : memref<20000xf32, #tpu.memory_space<vmem>>, vector<16xf32>,
          %sub3A_171 = vector.broadcast %squeeze3A_113 : f32 to vector<16xf32>
          %sub3A_172 = arith.subf %get3A_170, %sub3A_171 : vector<16xf32>
          %mul3A_173 = arith.mulf %sub3A_164, %sub3A_164 : vector<16xf32>
          %mul3A_174 = arith.mulf %sub3A_168, %sub3A_168 : vector<16xf32>
          %add3A_175 = arith.addf %mul3A_173, %mul3A_174 : vector<16xf32>
          %mul3A_176 = arith.mulf %sub3A_172, %sub3A_172 : vector<16xf32>
          %add3A_177 = arith.addf %add3A_175, %mul3A_176 : vector<16xf32>
          %lt3A_178 = arith.constant 1.000000e+00 : f32
          %lt3A_179 = vector.broadcast %lt3A_178 : f32 to vector<16xf32>
          %lt3A_180 = arith.cmpf olt, %add3A_177, %lt3A_179 : vector<16xf32>
          %add3A_181 = arith.constant 32 : i32
          %add3A_182 = arith.addi %mul3A_136, %add3A_181 : i32
          %get3A_183 = arith.index_cast %add3A_182 : i32 to index
          %get3A_184 = tpu.vector_load %arg7[%get3A_183] {strides = array<i32>} : memref<20000xf32, #tpu.memory_space<vmem>>, vector<16xf32>,
          %sub3A_185 = vector.broadcast %squeeze3A : f32 to vector<16xf32>
          %sub3A_186 = arith.subf %get3A_184, %sub3A_185 : vector<16xf32>
          %get3A_187 = arith.index_cast %add3A_182 : i32 to index
          %get3A_188 = tpu.vector_load %arg8[%get3A_187] {strides = array<i32>} : memref<20000xf32, #tpu.memory_space<vmem>>, vector<16xf32>,
          %sub3A_189 = vector.broadcast %squeeze3A_111 : f32 to vector<16xf32>
          %sub3A_190 = arith.subf %get3A_188, %sub3A_189 : vector<16xf32>
          %get3A_191 = arith.index_cast %add3A_182 : i32 to index
          %get3A_192 = tpu.vector_load %arg9[%get3A_191] {strides = array<i32>} : memref<20000xf32, #tpu.memory_space<vmem>>, vector<16xf32>,
          %sub3A_193 = vector.broadcast %squeeze3A_113 : f32 to vector<16xf32>
          %sub3A_194 = arith.subf %get3A_192, %sub3A_193 : vector<16xf32>
          %mul3A_195 = arith.mulf %sub3A_186, %sub3A_186 : vector<16xf32>
          %mul3A_196 = arith.mulf %sub3A_190, %sub3A_190 : vector<16xf32>
          %add3A_197 = arith.addf %mul3A_195, %mul3A_196 : vector<16xf32>
          %mul3A_198 = arith.mulf %sub3A_194, %sub3A_194 : vector<16xf32>
          %add3A_199 = arith.addf %add3A_197, %mul3A_198 : vector<16xf32>
          %lt3A_200 = arith.constant 1.000000e+00 : f32
          %lt3A_201 = vector.broadcast %lt3A_200 : f32 to vector<16xf32>
          %lt3A_202 = arith.cmpf olt, %add3A_199, %lt3A_201 : vector<16xf32>
          %add3A_203 = arith.constant 48 : i32
          %add3A_204 = arith.addi %mul3A_136, %add3A_203 : i32
          %get3A_205 = arith.index_cast %add3A_204 : i32 to index
          %get3A_206 = tpu.vector_load %arg7[%get3A_205] {strides = array<i32>} : memref<20000xf32, #tpu.memory_space<vmem>>, vector<16xf32>,
          %sub3A_207 = vector.broadcast %squeeze3A : f32 to vector<16xf32>
          %sub3A_208 = arith.subf %get3A_206, %sub3A_207 : vector<16xf32>
          %get3A_209 = arith.index_cast %add3A_204 : i32 to index
          %get3A_210 = tpu.vector_load %arg8[%get3A_209] {strides = array<i32>} : memref<20000xf32, #tpu.memory_space<vmem>>, vector<16xf32>,
          %sub3A_211 = vector.broadcast %squeeze3A_111 : f32 to vector<16xf32>
          %sub3A_212 = arith.subf %get3A_210, %sub3A_211 : vector<16xf32>
          %get3A_213 = arith.index_cast %add3A_204 : i32 to index
          %get3A_214 = tpu.vector_load %arg9[%get3A_213] {strides = array<i32>} : memref<20000xf32, #tpu.memory_space<vmem>>, vector<16xf32>,
          %sub3A_215 = vector.broadcast %squeeze3A_113 : f32 to vector<16xf32>
          %sub3A_216 = arith.subf %get3A_214, %sub3A_215 : vector<16xf32>
          %mul3A_217 = arith.mulf %sub3A_208, %sub3A_208 : vector<16xf32>
          %mul3A_218 = arith.mulf %sub3A_212, %sub3A_212 : vector<16xf32>
          %add3A_219 = arith.addf %mul3A_217, %mul3A_218 : vector<16xf32>
          %mul3A_220 = arith.mulf %sub3A_216, %sub3A_216 : vector<16xf32>
          %add3A_221 = arith.addf %add3A_219, %mul3A_220 : vector<16xf32>
          %lt3A_222 = arith.constant 1.000000e+00 : f32
          %lt3A_223 = vector.broadcast %lt3A_222 : f32 to vector<16xf32>
          %lt3A_224 = arith.cmpf olt, %add3A_221, %lt3A_223 : vector<16xf32>
          %add3A_225 = arith.constant 64 : i32
          %add3A_226 = arith.addi %mul3A_136, %add3A_225 : i32
          %get3A_227 = arith.index_cast %add3A_226 : i32 to index
          %get3A_228 = tpu.vector_load %arg7[%get3A_227] {strides = array<i32>} : memref<20000xf32, #tpu.memory_space<vmem>>, vector<16xf32>,
          %sub3A_229 = vector.broadcast %squeeze3A : f32 to vector<16xf32>
          %sub3A_230 = arith.subf %get3A_228, %sub3A_229 : vector<16xf32>
          %get3A_231 = arith.index_cast %add3A_226 : i32 to index
          %get3A_232 = tpu.vector_load %arg8[%get3A_231] {strides = array<i32>} : memref<20000xf32, #tpu.memory_space<vmem>>, vector<16xf32>,
          %sub3A_233 = vector.broadcast %squeeze3A_111 : f32 to vector<16xf32>
          %sub3A_234 = arith.subf %get3A_232, %sub3A_233 : vector<16xf32>
          %get3A_235 = arith.index_cast %add3A_226 : i32 to index
          %get3A_236 = tpu.vector_load %arg9[%get3A_235] {strides = array<i32>} : memref<20000xf32, #tpu.memory_space<vmem>>, vector<16xf32>,
          %sub3A_237 = vector.broadcast %squeeze3A_113 : f32 to vector<16xf32>
          %sub3A_238 = arith.subf %get3A_236, %sub3A_237 : vector<16xf32>
          %mul3A_239 = arith.mulf %sub3A_230, %sub3A_230 : vector<16xf32>
          %mul3A_240 = arith.mulf %sub3A_234, %sub3A_234 : vector<16xf32>
          %add3A_241 = arith.addf %mul3A_239, %mul3A_240 : vector<16xf32>
          %mul3A_242 = arith.mulf %sub3A_238, %sub3A_238 : vector<16xf32>
          %add3A_243 = arith.addf %add3A_241, %mul3A_242 : vector<16xf32>
          %lt3A_244 = arith.constant 1.000000e+00 : f32
          %lt3A_245 = vector.broadcast %lt3A_244 : f32 to vector<16xf32>
          %lt3A_246 = arith.cmpf olt, %add3A_243, %lt3A_245 : vector<16xf32>
          %add3A_247 = arith.constant 80 : i32
          %add3A_248 = arith.addi %mul3A_136, %add3A_247 : i32
          %get3A_249 = arith.index_cast %add3A_248 : i32 to index
          %get3A_250 = tpu.vector_load %arg7[%get3A_249] {strides = array<i32>} : memref<20000xf32, #tpu.memory_space<vmem>>, vector<16xf32>,
          %sub3A_251 = vector.broadcast %squeeze3A : f32 to vector<16xf32>
          %sub3A_252 = arith.subf %get3A_250, %sub3A_251 : vector<16xf32>
          %get3A_253 = arith.index_cast %add3A_248 : i32 to index
          %get3A_254 = tpu.vector_load %arg8[%get3A_253] {strides = array<i32>} : memref<20000xf32, #tpu.memory_space<vmem>>, vector<16xf32>,
          %sub3A_255 = vector.broadcast %squeeze3A_111 : f32 to vector<16xf32>
          %sub3A_256 = arith.subf %get3A_254, %sub3A_255 : vector<16xf32>
          %get3A_257 = arith.index_cast %add3A_248 : i32 to index
          %get3A_258 = tpu.vector_load %arg9[%get3A_257] {strides = array<i32>} : memref<20000xf32, #tpu.memory_space<vmem>>, vector<16xf32>,
          %sub3A_259 = vector.broadcast %squeeze3A_113 : f32 to vector<16xf32>
          %sub3A_260 = arith.subf %get3A_258, %sub3A_259 : vector<16xf32>
          %mul3A_261 = arith.mulf %sub3A_252, %sub3A_252 : vector<16xf32>
          %mul3A_262 = arith.mulf %sub3A_256, %sub3A_256 : vector<16xf32>
          %add3A_263 = arith.addf %mul3A_261, %mul3A_262 : vector<16xf32>
          %mul3A_264 = arith.mulf %sub3A_260, %sub3A_260 : vector<16xf32>
          %add3A_265 = arith.addf %add3A_263, %mul3A_264 : vector<16xf32>
          %lt3A_266 = arith.constant 1.000000e+00 : f32
          %lt3A_267 = vector.broadcast %lt3A_266 : f32 to vector<16xf32>
          %lt3A_268 = arith.cmpf olt, %add3A_265, %lt3A_267 : vector<16xf32>
          %add3A_269 = arith.constant 96 : i32
          %add3A_270 = arith.addi %mul3A_136, %add3A_269 : i32
          %get3A_271 = arith.index_cast %add3A_270 : i32 to index
          %get3A_272 = tpu.vector_load %arg7[%get3A_271] {strides = array<i32>} : memref<20000xf32, #tpu.memory_space<vmem>>, vector<16xf32>,
          %sub3A_273 = vector.broadcast %squeeze3A : f32 to vector<16xf32>
          %sub3A_274 = arith.subf %get3A_272, %sub3A_273 : vector<16xf32>
          %get3A_275 = arith.index_cast %add3A_270 : i32 to index
          %get3A_276 = tpu.vector_load %arg8[%get3A_275] {strides = array<i32>} : memref<20000xf32, #tpu.memory_space<vmem>>, vector<16xf32>,
          %sub3A_277 = vector.broadcast %squeeze3A_111 : f32 to vector<16xf32>
          %sub3A_278 = arith.subf %get3A_276, %sub3A_277 : vector<16xf32>
          %get3A_279 = arith.index_cast %add3A_270 : i32 to index
          %get3A_280 = tpu.vector_load %arg9[%get3A_279] {strides = array<i32>} : memref<20000xf32, #tpu.memory_space<vmem>>, vector<16xf32>,
          %sub3A_281 = vector.broadcast %squeeze3A_113 : f32 to vector<16xf32>
          %sub3A_282 = arith.subf %get3A_280, %sub3A_281 : vector<16xf32>
          %mul3A_283 = arith.mulf %sub3A_274, %sub3A_274 : vector<16xf32>
          %mul3A_284 = arith.mulf %sub3A_278, %sub3A_278 : vector<16xf32>
          %add3A_285 = arith.addf %mul3A_283, %mul3A_284 : vector<16xf32>
          %mul3A_286 = arith.mulf %sub3A_282, %sub3A_282 : vector<16xf32>
          %add3A_287 = arith.addf %add3A_285, %mul3A_286 : vector<16xf32>
          %lt3A_288 = arith.constant 1.000000e+00 : f32
          %lt3A_289 = vector.broadcast %lt3A_288 : f32 to vector<16xf32>
          %lt3A_290 = arith.cmpf olt, %add3A_287, %lt3A_289 : vector<16xf32>
          %add3A_291 = arith.constant 112 : i32
          %add3A_292 = arith.addi %mul3A_136, %add3A_291 : i32
          %get3A_293 = arith.index_cast %add3A_292 : i32 to index
          %get3A_294 = tpu.vector_load %arg7[%get3A_293] {strides = array<i32>} : memref<20000xf32, #tpu.memory_space<vmem>>, vector<16xf32>,
          %sub3A_295 = vector.broadcast %squeeze3A : f32 to vector<16xf32>
          %sub3A_296 = arith.subf %get3A_294, %sub3A_295 : vector<16xf32>
          %get3A_297 = arith.index_cast %add3A_292 : i32 to index
          %get3A_298 = tpu.vector_load %arg8[%get3A_297] {strides = array<i32>} : memref<20000xf32, #tpu.memory_space<vmem>>, vector<16xf32>,
          %sub3A_299 = vector.broadcast %squeeze3A_111 : f32 to vector<16xf32>
          %sub3A_300 = arith.subf %get3A_298, %sub3A_299 : vector<16xf32>
          %get3A_301 = arith.index_cast %add3A_292 : i32 to index
          %get3A_302 = tpu.vector_load %arg9[%get3A_301] {strides = array<i32>} : memref<20000xf32, #tpu.memory_space<vmem>>, vector<16xf32>,
          %sub3A_303 = vector.broadcast %squeeze3A_113 : f32 to vector<16xf32>
          %sub3A_304 = arith.subf %get3A_302, %sub3A_303 : vector<16xf32>
          %mul3A_305 = arith.mulf %sub3A_296, %sub3A_296 : vector<16xf32>
          %mul3A_306 = arith.mulf %sub3A_300, %sub3A_300 : vector<16xf32>
          %add3A_307 = arith.addf %mul3A_305, %mul3A_306 : vector<16xf32>
          %mul3A_308 = arith.mulf %sub3A_304, %sub3A_304 : vector<16xf32>
          %add3A_309 = arith.addf %add3A_307, %mul3A_308 : vector<16xf32>
          %lt3A_310 = arith.constant 1.000000e+00 : f32
          %lt3A_311 = vector.broadcast %lt3A_310 : f32 to vector<16xf32>
          %lt3A_312 = arith.cmpf olt, %add3A_309, %lt3A_311 : vector<16xf32>
          %add3A_313 = arith.constant 128 : i32
          %add3A_314 = arith.addi %mul3A_136, %add3A_313 : i32
          %get3A_315 = arith.index_cast %add3A_314 : i32 to index
          %get3A_316 = tpu.vector_load %arg7[%get3A_315] {strides = array<i32>} : memref<20000xf32, #tpu.memory_space<vmem>>, vector<16xf32>,
          %sub3A_317 = vector.broadcast %squeeze3A : f32 to vector<16xf32>
          %sub3A_318 = arith.subf %get3A_316, %sub3A_317 : vector<16xf32>
          %get3A_319 = arith.index_cast %add3A_314 : i32 to index
          %get3A_320 = tpu.vector_load %arg8[%get3A_319] {strides = array<i32>} : memref<20000xf32, #tpu.memory_space<vmem>>, vector<16xf32>,
          %sub3A_321 = vector.broadcast %squeeze3A_111 : f32 to vector<16xf32>
          %sub3A_322 = arith.subf %get3A_320, %sub3A_321 : vector<16xf32>
          %get3A_323 = arith.index_cast %add3A_314 : i32 to index
          %get3A_324 = tpu.vector_load %arg9[%get3A_323] {strides = array<i32>} : memref<20000xf32, #tpu.memory_space<vmem>>, vector<16xf32>,
          %sub3A_325 = vector.broadcast %squeeze3A_113 : f32 to vector<16xf32>
          %sub3A_326 = arith.subf %get3A_324, %sub3A_325 : vector<16xf32>
          %mul3A_327 = arith.mulf %sub3A_318, %sub3A_318 : vector<16xf32>
          %mul3A_328 = arith.mulf %sub3A_322, %sub3A_322 : vector<16xf32>
          %add3A_329 = arith.addf %mul3A_327, %mul3A_328 : vector<16xf32>
          %mul3A_330 = arith.mulf %sub3A_326, %sub3A_326 : vector<16xf32>
          %add3A_331 = arith.addf %add3A_329, %mul3A_330 : vector<16xf32>
          %lt3A_332 = arith.constant 1.000000e+00 : f32
          %lt3A_333 = vector.broadcast %lt3A_332 : f32 to vector<16xf32>
          %lt3A_334 = arith.cmpf olt, %add3A_331, %lt3A_333 : vector<16xf32>
          %add3A_335 = arith.constant 144 : i32
          %add3A_336 = arith.addi %mul3A_136, %add3A_335 : i32
          %get3A_337 = arith.index_cast %add3A_336 : i32 to index
          %get3A_338 = tpu.vector_load %arg7[%get3A_337] {strides = array<i32>} : memref<20000xf32, #tpu.memory_space<vmem>>, vector<16xf32>,
          %sub3A_339 = vector.broadcast %squeeze3A : f32 to vector<16xf32>
          %sub3A_340 = arith.subf %get3A_338, %sub3A_339 : vector<16xf32>
          %get3A_341 = arith.index_cast %add3A_336 : i32 to index
          %get3A_342 = tpu.vector_load %arg8[%get3A_341] {strides = array<i32>} : memref<20000xf32, #tpu.memory_space<vmem>>, vector<16xf32>,
          %sub3A_343 = vector.broadcast %squeeze3A_111 : f32 to vector<16xf32>
          %sub3A_344 = arith.subf %get3A_342, %sub3A_343 : vector<16xf32>
          %get3A_345 = arith.index_cast %add3A_336 : i32 to index
          %get3A_346 = tpu.vector_load %arg9[%get3A_345] {strides = array<i32>} : memref<20000xf32, #tpu.memory_space<vmem>>, vector<16xf32>,
          %sub3A_347 = vector.broadcast %squeeze3A_113 : f32 to vector<16xf32>
          %sub3A_348 = arith.subf %get3A_346, %sub3A_347 : vector<16xf32>
          %mul3A_349 = arith.mulf %sub3A_340, %sub3A_340 : vector<16xf32>
          %mul3A_350 = arith.mulf %sub3A_344, %sub3A_344 : vector<16xf32>
          %add3A_351 = arith.addf %mul3A_349, %mul3A_350 : vector<16xf32>
          %mul3A_352 = arith.mulf %sub3A_348, %sub3A_348 : vector<16xf32>
          %add3A_353 = arith.addf %add3A_351, %mul3A_352 : vector<16xf32>
          %lt3A_354 = arith.constant 1.000000e+00 : f32
          %lt3A_355 = vector.broadcast %lt3A_354 : f32 to vector<16xf32>
          %lt3A_356 = arith.cmpf olt, %add3A_353, %lt3A_355 : vector<16xf32>
          %add3A_357 = arith.constant 160 : i32
          %add3A_358 = arith.addi %mul3A_136, %add3A_357 : i32
          %get3A_359 = arith.index_cast %add3A_358 : i32 to index
          %get3A_360 = tpu.vector_load %arg7[%get3A_359] {strides = array<i32>} : memref<20000xf32, #tpu.memory_space<vmem>>, vector<16xf32>,
          %sub3A_361 = vector.broadcast %squeeze3A : f32 to vector<16xf32>
          %sub3A_362 = arith.subf %get3A_360, %sub3A_361 : vector<16xf32>
          %get3A_363 = arith.index_cast %add3A_358 : i32 to index
          %get3A_364 = tpu.vector_load %arg8[%get3A_363] {strides = array<i32>} : memref<20000xf32, #tpu.memory_space<vmem>>, vector<16xf32>,
          %sub3A_365 = vector.broadcast %squeeze3A_111 : f32 to vector<16xf32>
          %sub3A_366 = arith.subf %get3A_364, %sub3A_365 : vector<16xf32>
          %get3A_367 = arith.index_cast %add3A_358 : i32 to index
          %get3A_368 = tpu.vector_load %arg9[%get3A_367] {strides = array<i32>} : memref<20000xf32, #tpu.memory_space<vmem>>, vector<16xf32>,
          %sub3A_369 = vector.broadcast %squeeze3A_113 : f32 to vector<16xf32>
          %sub3A_370 = arith.subf %get3A_368, %sub3A_369 : vector<16xf32>
          %mul3A_371 = arith.mulf %sub3A_362, %sub3A_362 : vector<16xf32>
          %mul3A_372 = arith.mulf %sub3A_366, %sub3A_366 : vector<16xf32>
          %add3A_373 = arith.addf %mul3A_371, %mul3A_372 : vector<16xf32>
          %mul3A_374 = arith.mulf %sub3A_370, %sub3A_370 : vector<16xf32>
          %add3A_375 = arith.addf %add3A_373, %mul3A_374 : vector<16xf32>
          %lt3A_376 = arith.constant 1.000000e+00 : f32
          %lt3A_377 = vector.broadcast %lt3A_376 : f32 to vector<16xf32>
          %lt3A_378 = arith.cmpf olt, %add3A_375, %lt3A_377 : vector<16xf32>
          %add3A_379 = arith.constant 176 : i32
          %add3A_380 = arith.addi %mul3A_136, %add3A_379 : i32
          %get3A_381 = arith.index_cast %add3A_380 : i32 to index
          %get3A_382 = tpu.vector_load %arg7[%get3A_381] {strides = array<i32>} : memref<20000xf32, #tpu.memory_space<vmem>>, vector<16xf32>,
          %sub3A_383 = vector.broadcast %squeeze3A : f32 to vector<16xf32>
          %sub3A_384 = arith.subf %get3A_382, %sub3A_383 : vector<16xf32>
          %get3A_385 = arith.index_cast %add3A_380 : i32 to index
          %get3A_386 = tpu.vector_load %arg8[%get3A_385] {strides = array<i32>} : memref<20000xf32, #tpu.memory_space<vmem>>, vector<16xf32>,
          %sub3A_387 = vector.broadcast %squeeze3A_111 : f32 to vector<16xf32>
          %sub3A_388 = arith.subf %get3A_386, %sub3A_387 : vector<16xf32>
          %get3A_389 = arith.index_cast %add3A_380 : i32 to index
          %get3A_390 = tpu.vector_load %arg9[%get3A_389] {strides = array<i32>} : memref<20000xf32, #tpu.memory_space<vmem>>, vector<16xf32>,
          %sub3A_391 = vector.broadcast %squeeze3A_113 : f32 to vector<16xf32>
          %sub3A_392 = arith.subf %get3A_390, %sub3A_391 : vector<16xf32>
          %mul3A_393 = arith.mulf %sub3A_384, %sub3A_384 : vector<16xf32>
          %mul3A_394 = arith.mulf %sub3A_388, %sub3A_388 : vector<16xf32>
          %add3A_395 = arith.addf %mul3A_393, %mul3A_394 : vector<16xf32>
          %mul3A_396 = arith.mulf %sub3A_392, %sub3A_392 : vector<16xf32>
          %add3A_397 = arith.addf %add3A_395, %mul3A_396 : vector<16xf32>
          %lt3A_398 = arith.constant 1.000000e+00 : f32
          %lt3A_399 = vector.broadcast %lt3A_398 : f32 to vector<16xf32>
          %lt3A_400 = arith.cmpf olt, %add3A_397, %lt3A_399 : vector<16xf32>
          %add3A_401 = arith.constant 192 : i32
          %add3A_402 = arith.addi %mul3A_136, %add3A_401 : i32
          %get3A_403 = arith.index_cast %add3A_402 : i32 to index
          %get3A_404 = tpu.vector_load %arg7[%get3A_403] {strides = array<i32>} : memref<20000xf32, #tpu.memory_space<vmem>>, vector<16xf32>,
          %sub3A_405 = vector.broadcast %squeeze3A : f32 to vector<16xf32>
          %sub3A_406 = arith.subf %get3A_404, %sub3A_405 : vector<16xf32>
          %get3A_407 = arith.index_cast %add3A_402 : i32 to index
          %get3A_408 = tpu.vector_load %arg8[%get3A_407] {strides = array<i32>} : memref<20000xf32, #tpu.memory_space<vmem>>, vector<16xf32>,
          %sub3A_409 = vector.broadcast %squeeze3A_111 : f32 to vector<16xf32>
          %sub3A_410 = arith.subf %get3A_408, %sub3A_409 : vector<16xf32>
          %get3A_411 = arith.index_cast %add3A_402 : i32 to index
          %get3A_412 = tpu.vector_load %arg9[%get3A_411] {strides = array<i32>} : memref<20000xf32, #tpu.memory_space<vmem>>, vector<16xf32>,
          %sub3A_413 = vector.broadcast %squeeze3A_113 : f32 to vector<16xf32>
          %sub3A_414 = arith.subf %get3A_412, %sub3A_413 : vector<16xf32>
          %mul3A_415 = arith.mulf %sub3A_406, %sub3A_406 : vector<16xf32>
          %mul3A_416 = arith.mulf %sub3A_410, %sub3A_410 : vector<16xf32>
          %add3A_417 = arith.addf %mul3A_415, %mul3A_416 : vector<16xf32>
          %mul3A_418 = arith.mulf %sub3A_414, %sub3A_414 : vector<16xf32>
          %add3A_419 = arith.addf %add3A_417, %mul3A_418 : vector<16xf32>
          %lt3A_420 = arith.constant 1.000000e+00 : f32
          %lt3A_421 = vector.broadcast %lt3A_420 : f32 to vector<16xf32>
          %lt3A_422 = arith.cmpf olt, %add3A_419, %lt3A_421 : vector<16xf32>
          %add3A_423 = arith.constant 208 : i32
          %add3A_424 = arith.addi %mul3A_136, %add3A_423 : i32
          %get3A_425 = arith.index_cast %add3A_424 : i32 to index
          %get3A_426 = tpu.vector_load %arg7[%get3A_425] {strides = array<i32>} : memref<20000xf32, #tpu.memory_space<vmem>>, vector<16xf32>,
          %sub3A_427 = vector.broadcast %squeeze3A : f32 to vector<16xf32>
          %sub3A_428 = arith.subf %get3A_426, %sub3A_427 : vector<16xf32>
          %get3A_429 = arith.index_cast %add3A_424 : i32 to index
          %get3A_430 = tpu.vector_load %arg8[%get3A_429] {strides = array<i32>} : memref<20000xf32, #tpu.memory_space<vmem>>, vector<16xf32>,
          %sub3A_431 = vector.broadcast %squeeze3A_111 : f32 to vector<16xf32>
          %sub3A_432 = arith.subf %get3A_430, %sub3A_431 : vector<16xf32>
          %get3A_433 = arith.index_cast %add3A_424 : i32 to index
          %get3A_434 = tpu.vector_load %arg9[%get3A_433] {strides = array<i32>} : memref<20000xf32, #tpu.memory_space<vmem>>, vector<16xf32>,
          %sub3A_435 = vector.broadcast %squeeze3A_113 : f32 to vector<16xf32>
          %sub3A_436 = arith.subf %get3A_434, %sub3A_435 : vector<16xf32>
          %mul3A_437 = arith.mulf %sub3A_428, %sub3A_428 : vector<16xf32>
          %mul3A_438 = arith.mulf %sub3A_432, %sub3A_432 : vector<16xf32>
          %add3A_439 = arith.addf %mul3A_437, %mul3A_438 : vector<16xf32>
          %mul3A_440 = arith.mulf %sub3A_436, %sub3A_436 : vector<16xf32>
          %add3A_441 = arith.addf %add3A_439, %mul3A_440 : vector<16xf32>
          %lt3A_442 = arith.constant 1.000000e+00 : f32
          %lt3A_443 = vector.broadcast %lt3A_442 : f32 to vector<16xf32>
          %lt3A_444 = arith.cmpf olt, %add3A_441, %lt3A_443 : vector<16xf32>
          %add3A_445 = arith.constant 224 : i32
          %add3A_446 = arith.addi %mul3A_136, %add3A_445 : i32
          %get3A_447 = arith.index_cast %add3A_446 : i32 to index
          %get3A_448 = tpu.vector_load %arg7[%get3A_447] {strides = array<i32>} : memref<20000xf32, #tpu.memory_space<vmem>>, vector<16xf32>,
          %sub3A_449 = vector.broadcast %squeeze3A : f32 to vector<16xf32>
          %sub3A_450 = arith.subf %get3A_448, %sub3A_449 : vector<16xf32>
          %get3A_451 = arith.index_cast %add3A_446 : i32 to index
          %get3A_452 = tpu.vector_load %arg8[%get3A_451] {strides = array<i32>} : memref<20000xf32, #tpu.memory_space<vmem>>, vector<16xf32>,
          %sub3A_453 = vector.broadcast %squeeze3A_111 : f32 to vector<16xf32>
          %sub3A_454 = arith.subf %get3A_452, %sub3A_453 : vector<16xf32>
          %get3A_455 = arith.index_cast %add3A_446 : i32 to index
          %get3A_456 = tpu.vector_load %arg9[%get3A_455] {strides = array<i32>} : memref<20000xf32, #tpu.memory_space<vmem>>, vector<16xf32>,
          %sub3A_457 = vector.broadcast %squeeze3A_113 : f32 to vector<16xf32>
          %sub3A_458 = arith.subf %get3A_456, %sub3A_457 : vector<16xf32>
          %mul3A_459 = arith.mulf %sub3A_450, %sub3A_450 : vector<16xf32>
          %mul3A_460 = arith.mulf %sub3A_454, %sub3A_454 : vector<16xf32>
          %add3A_461 = arith.addf %mul3A_459, %mul3A_460 : vector<16xf32>
          %mul3A_462 = arith.mulf %sub3A_458, %sub3A_458 : vector<16xf32>
          %add3A_463 = arith.addf %add3A_461, %mul3A_462 : vector<16xf32>
          %lt3A_464 = arith.constant 1.000000e+00 : f32
          %lt3A_465 = vector.broadcast %lt3A_464 : f32 to vector<16xf32>
          %lt3A_466 = arith.cmpf olt, %add3A_463, %lt3A_465 : vector<16xf32>
          %add3A_467 = arith.constant 240 : i32
          %add3A_468 = arith.addi %mul3A_136, %add3A_467 : i32
          %get3A_469 = arith.index_cast %add3A_468 : i32 to index
          %get3A_470 = tpu.vector_load %arg7[%get3A_469] {strides = array<i32>} : memref<20000xf32, #tpu.memory_space<vmem>>, vector<16xf32>,
          %sub3A_471 = vector.broadcast %squeeze3A : f32 to vector<16xf32>
          %sub3A_472 = arith.subf %get3A_470, %sub3A_471 : vector<16xf32>
          %get3A_473 = arith.index_cast %add3A_468 : i32 to index
          %get3A_474 = tpu.vector_load %arg8[%get3A_473] {strides = array<i32>} : memref<20000xf32, #tpu.memory_space<vmem>>, vector<16xf32>,
          %sub3A_475 = vector.broadcast %squeeze3A_111 : f32 to vector<16xf32>
          %sub3A_476 = arith.subf %get3A_474, %sub3A_475 : vector<16xf32>
          %get3A_477 = arith.index_cast %add3A_468 : i32 to index
          %get3A_478 = tpu.vector_load %arg9[%get3A_477] {strides = array<i32>} : memref<20000xf32, #tpu.memory_space<vmem>>, vector<16xf32>,
          %sub3A_479 = vector.broadcast %squeeze3A_113 : f32 to vector<16xf32>
          %sub3A_480 = arith.subf %get3A_478, %sub3A_479 : vector<16xf32>
          %mul3A_481 = arith.mulf %sub3A_472, %sub3A_472 : vector<16xf32>
          %mul3A_482 = arith.mulf %sub3A_476, %sub3A_476 : vector<16xf32>
          %add3A_483 = arith.addf %mul3A_481, %mul3A_482 : vector<16xf32>
          %mul3A_484 = arith.mulf %sub3A_480, %sub3A_480 : vector<16xf32>
          %add3A_485 = arith.addf %add3A_483, %mul3A_484 : vector<16xf32>
          %lt3A_486 = arith.constant 1.000000e+00 : f32
          %lt3A_487 = vector.broadcast %lt3A_486 : f32 to vector<16xf32>
          %lt3A_488 = arith.cmpf olt, %add3A_485, %lt3A_487 : vector<16xf32>
          %add3A_489 = arith.constant 256 : i32
          %add3A_490 = arith.addi %mul3A_136, %add3A_489 : i32
          %get3A_491 = arith.index_cast %add3A_490 : i32 to index
          %get3A_492 = tpu.vector_load %arg7[%get3A_491] {strides = array<i32>} : memref<20000xf32, #tpu.memory_space<vmem>>, vector<16xf32>,
          %sub3A_493 = vector.broadcast %squeeze3A : f32 to vector<16xf32>
          %sub3A_494 = arith.subf %get3A_492, %sub3A_493 : vector<16xf32>
          %get3A_495 = arith.index_cast %add3A_490 : i32 to index
          %get3A_496 = tpu.vector_load %arg8[%get3A_495] {strides = array<i32>} : memref<20000xf32, #tpu.memory_space<vmem>>, vector<16xf32>,
          %sub3A_497 = vector.broadcast %squeeze3A_111 : f32 to vector<16xf32>
          %sub3A_498 = arith.subf %get3A_496, %sub3A_497 : vector<16xf32>
          %get3A_499 = arith.index_cast %add3A_490 : i32 to index
          %get3A_500 = tpu.vector_load %arg9[%get3A_499] {strides = array<i32>} : memref<20000xf32, #tpu.memory_space<vmem>>, vector<16xf32>,
          %sub3A_501 = vector.broadcast %squeeze3A_113 : f32 to vector<16xf32>
          %sub3A_502 = arith.subf %get3A_500, %sub3A_501 : vector<16xf32>
          %mul3A_503 = arith.mulf %sub3A_494, %sub3A_494 : vector<16xf32>
          %mul3A_504 = arith.mulf %sub3A_498, %sub3A_498 : vector<16xf32>
          %add3A_505 = arith.addf %mul3A_503, %mul3A_504 : vector<16xf32>
          %mul3A_506 = arith.mulf %sub3A_502, %sub3A_502 : vector<16xf32>
          %add3A_507 = arith.addf %add3A_505, %mul3A_506 : vector<16xf32>
          %lt3A_508 = arith.constant 1.000000e+00 : f32
          %lt3A_509 = vector.broadcast %lt3A_508 : f32 to vector<16xf32>
          %lt3A_510 = arith.cmpf olt, %add3A_507, %lt3A_509 : vector<16xf32>
          %add3A_511 = arith.constant 272 : i32
          %add3A_512 = arith.addi %mul3A_136, %add3A_511 : i32
          %get3A_513 = arith.index_cast %add3A_512 : i32 to index
          %get3A_514 = tpu.vector_load %arg7[%get3A_513] {strides = array<i32>} : memref<20000xf32, #tpu.memory_space<vmem>>, vector<16xf32>,
          %sub3A_515 = vector.broadcast %squeeze3A : f32 to vector<16xf32>
          %sub3A_516 = arith.subf %get3A_514, %sub3A_515 : vector<16xf32>
          %get3A_517 = arith.index_cast %add3A_512 : i32 to index
          %get3A_518 = tpu.vector_load %arg8[%get3A_517] {strides = array<i32>} : memref<20000xf32, #tpu.memory_space<vmem>>, vector<16xf32>,
          %sub3A_519 = vector.broadcast %squeeze3A_111 : f32 to vector<16xf32>
          %sub3A_520 = arith.subf %get3A_518, %sub3A_519 : vector<16xf32>
          %get3A_521 = arith.index_cast %add3A_512 : i32 to index
          %get3A_522 = tpu.vector_load %arg9[%get3A_521] {strides = array<i32>} : memref<20000xf32, #tpu.memory_space<vmem>>, vector<16xf32>,
          %sub3A_523 = vector.broadcast %squeeze3A_113 : f32 to vector<16xf32>
          %sub3A_524 = arith.subf %get3A_522, %sub3A_523 : vector<16xf32>
          %mul3A_525 = arith.mulf %sub3A_516, %sub3A_516 : vector<16xf32>
          %mul3A_526 = arith.mulf %sub3A_520, %sub3A_520 : vector<16xf32>
          %add3A_527 = arith.addf %mul3A_525, %mul3A_526 : vector<16xf32>
          %mul3A_528 = arith.mulf %sub3A_524, %sub3A_524 : vector<16xf32>
          %add3A_529 = arith.addf %add3A_527, %mul3A_528 : vector<16xf32>
          %lt3A_530 = arith.constant 1.000000e+00 : f32
          %lt3A_531 = vector.broadcast %lt3A_530 : f32 to vector<16xf32>
          %lt3A_532 = arith.cmpf olt, %add3A_529, %lt3A_531 : vector<16xf32>
          %add3A_533 = arith.constant 288 : i32
          %add3A_534 = arith.addi %mul3A_136, %add3A_533 : i32
          %get3A_535 = arith.index_cast %add3A_534 : i32 to index
          %get3A_536 = tpu.vector_load %arg7[%get3A_535] {strides = array<i32>} : memref<20000xf32, #tpu.memory_space<vmem>>, vector<16xf32>,
          %sub3A_537 = vector.broadcast %squeeze3A : f32 to vector<16xf32>
          %sub3A_538 = arith.subf %get3A_536, %sub3A_537 : vector<16xf32>
          %get3A_539 = arith.index_cast %add3A_534 : i32 to index
          %get3A_540 = tpu.vector_load %arg8[%get3A_539] {strides = array<i32>} : memref<20000xf32, #tpu.memory_space<vmem>>, vector<16xf32>,
          %sub3A_541 = vector.broadcast %squeeze3A_111 : f32 to vector<16xf32>
          %sub3A_542 = arith.subf %get3A_540, %sub3A_541 : vector<16xf32>
          %get3A_543 = arith.index_cast %add3A_534 : i32 to index
          %get3A_544 = tpu.vector_load %arg9[%get3A_543] {strides = array<i32>} : memref<20000xf32, #tpu.memory_space<vmem>>, vector<16xf32>,
          %sub3A_545 = vector.broadcast %squeeze3A_113 : f32 to vector<16xf32>
          %sub3A_546 = arith.subf %get3A_544, %sub3A_545 : vector<16xf32>
          %mul3A_547 = arith.mulf %sub3A_538, %sub3A_538 : vector<16xf32>
          %mul3A_548 = arith.mulf %sub3A_542, %sub3A_542 : vector<16xf32>
          %add3A_549 = arith.addf %mul3A_547, %mul3A_548 : vector<16xf32>
          %mul3A_550 = arith.mulf %sub3A_546, %sub3A_546 : vector<16xf32>
          %add3A_551 = arith.addf %add3A_549, %mul3A_550 : vector<16xf32>
          %lt3A_552 = arith.constant 1.000000e+00 : f32
          %lt3A_553 = vector.broadcast %lt3A_552 : f32 to vector<16xf32>
          %lt3A_554 = arith.cmpf olt, %add3A_551, %lt3A_553 : vector<16xf32>
          %add3A_555 = arith.constant 304 : i32
          %add3A_556 = arith.addi %mul3A_136, %add3A_555 : i32
          %get3A_557 = arith.index_cast %add3A_556 : i32 to index
          %get3A_558 = tpu.vector_load %arg7[%get3A_557] {strides = array<i32>} : memref<20000xf32, #tpu.memory_space<vmem>>, vector<16xf32>,
          %sub3A_559 = vector.broadcast %squeeze3A : f32 to vector<16xf32>
          %sub3A_560 = arith.subf %get3A_558, %sub3A_559 : vector<16xf32>
          %get3A_561 = arith.index_cast %add3A_556 : i32 to index
          %get3A_562 = tpu.vector_load %arg8[%get3A_561] {strides = array<i32>} : memref<20000xf32, #tpu.memory_space<vmem>>, vector<16xf32>,
          %sub3A_563 = vector.broadcast %squeeze3A_111 : f32 to vector<16xf32>
          %sub3A_564 = arith.subf %get3A_562, %sub3A_563 : vector<16xf32>
          %get3A_565 = arith.index_cast %add3A_556 : i32 to index
          %get3A_566 = tpu.vector_load %arg9[%get3A_565] {strides = array<i32>} : memref<20000xf32, #tpu.memory_space<vmem>>, vector<16xf32>,
          %sub3A_567 = vector.broadcast %squeeze3A_113 : f32 to vector<16xf32>
          %sub3A_568 = arith.subf %get3A_566, %sub3A_567 : vector<16xf32>
          %mul3A_569 = arith.mulf %sub3A_560, %sub3A_560 : vector<16xf32>
          %mul3A_570 = arith.mulf %sub3A_564, %sub3A_564 : vector<16xf32>
          %add3A_571 = arith.addf %mul3A_569, %mul3A_570 : vector<16xf32>
          %mul3A_572 = arith.mulf %sub3A_568, %sub3A_568 : vector<16xf32>
          %add3A_573 = arith.addf %add3A_571, %mul3A_572 : vector<16xf32>
          %lt3A_574 = arith.constant 1.000000e+00 : f32
          %lt3A_575 = vector.broadcast %lt3A_574 : f32 to vector<16xf32>
          %lt3A_576 = arith.cmpf olt, %add3A_573, %lt3A_575 : vector<16xf32>
          %add3A_577 = arith.constant 320 : i32
          %add3A_578 = arith.addi %mul3A_136, %add3A_577 : i32
          %get3A_579 = arith.index_cast %add3A_578 : i32 to index
          %get3A_580 = tpu.vector_load %arg7[%get3A_579] {strides = array<i32>} : memref<20000xf32, #tpu.memory_space<vmem>>, vector<16xf32>,
          %sub3A_581 = vector.broadcast %squeeze3A : f32 to vector<16xf32>
          %sub3A_582 = arith.subf %get3A_580, %sub3A_581 : vector<16xf32>
          %get3A_583 = arith.index_cast %add3A_578 : i32 to index
          %get3A_584 = tpu.vector_load %arg8[%get3A_583] {strides = array<i32>} : memref<20000xf32, #tpu.memory_space<vmem>>, vector<16xf32>,
          %sub3A_585 = vector.broadcast %squeeze3A_111 : f32 to vector<16xf32>
          %sub3A_586 = arith.subf %get3A_584, %sub3A_585 : vector<16xf32>
          %get3A_587 = arith.index_cast %add3A_578 : i32 to index
          %get3A_588 = tpu.vector_load %arg9[%get3A_587] {strides = array<i32>} : memref<20000xf32, #tpu.memory_space<vmem>>, vector<16xf32>,
          %sub3A_589 = vector.broadcast %squeeze3A_113 : f32 to vector<16xf32>
          %sub3A_590 = arith.subf %get3A_588, %sub3A_589 : vector<16xf32>
          %mul3A_591 = arith.mulf %sub3A_582, %sub3A_582 : vector<16xf32>
          %mul3A_592 = arith.mulf %sub3A_586, %sub3A_586 : vector<16xf32>
          %add3A_593 = arith.addf %mul3A_591, %mul3A_592 : vector<16xf32>
          %mul3A_594 = arith.mulf %sub3A_590, %sub3A_590 : vector<16xf32>
          %add3A_595 = arith.addf %add3A_593, %mul3A_594 : vector<16xf32>
          %lt3A_596 = arith.constant 1.000000e+00 : f32
          %lt3A_597 = vector.broadcast %lt3A_596 : f32 to vector<16xf32>
          %lt3A_598 = arith.cmpf olt, %add3A_595, %lt3A_597 : vector<16xf32>
          %add3A_599 = arith.constant 336 : i32
          %add3A_600 = arith.addi %mul3A_136, %add3A_599 : i32
          %get3A_601 = arith.index_cast %add3A_600 : i32 to index
          %get3A_602 = tpu.vector_load %arg7[%get3A_601] {strides = array<i32>} : memref<20000xf32, #tpu.memory_space<vmem>>, vector<16xf32>,
          %sub3A_603 = vector.broadcast %squeeze3A : f32 to vector<16xf32>
          %sub3A_604 = arith.subf %get3A_602, %sub3A_603 : vector<16xf32>
          %get3A_605 = arith.index_cast %add3A_600 : i32 to index
          %get3A_606 = tpu.vector_load %arg8[%get3A_605] {strides = array<i32>} : memref<20000xf32, #tpu.memory_space<vmem>>, vector<16xf32>,
          %sub3A_607 = vector.broadcast %squeeze3A_111 : f32 to vector<16xf32>
          %sub3A_608 = arith.subf %get3A_606, %sub3A_607 : vector<16xf32>
          %get3A_609 = arith.index_cast %add3A_600 : i32 to index
          %get3A_610 = tpu.vector_load %arg9[%get3A_609] {strides = array<i32>} : memref<20000xf32, #tpu.memory_space<vmem>>, vector<16xf32>,
          %sub3A_611 = vector.broadcast %squeeze3A_113 : f32 to vector<16xf32>
          %sub3A_612 = arith.subf %get3A_610, %sub3A_611 : vector<16xf32>
          %mul3A_613 = arith.mulf %sub3A_604, %sub3A_604 : vector<16xf32>
          %mul3A_614 = arith.mulf %sub3A_608, %sub3A_608 : vector<16xf32>
          %add3A_615 = arith.addf %mul3A_613, %mul3A_614 : vector<16xf32>
          %mul3A_616 = arith.mulf %sub3A_612, %sub3A_612 : vector<16xf32>
          %add3A_617 = arith.addf %add3A_615, %mul3A_616 : vector<16xf32>
          %lt3A_618 = arith.constant 1.000000e+00 : f32
          %lt3A_619 = vector.broadcast %lt3A_618 : f32 to vector<16xf32>
          %lt3A_620 = arith.cmpf olt, %add3A_617, %lt3A_619 : vector<16xf32>
          %add3A_621 = arith.constant 352 : i32
          %add3A_622 = arith.addi %mul3A_136, %add3A_621 : i32
          %get3A_623 = arith.index_cast %add3A_622 : i32 to index
          %get3A_624 = tpu.vector_load %arg7[%get3A_623] {strides = array<i32>} : memref<20000xf32, #tpu.memory_space<vmem>>, vector<16xf32>,
          %sub3A_625 = vector.broadcast %squeeze3A : f32 to vector<16xf32>
          %sub3A_626 = arith.subf %get3A_624, %sub3A_625 : vector<16xf32>
          %get3A_627 = arith.index_cast %add3A_622 : i32 to index
          %get3A_628 = tpu.vector_load %arg8[%get3A_627] {strides = array<i32>} : memref<20000xf32, #tpu.memory_space<vmem>>, vector<16xf32>,
          %sub3A_629 = vector.broadcast %squeeze3A_111 : f32 to vector<16xf32>
          %sub3A_630 = arith.subf %get3A_628, %sub3A_629 : vector<16xf32>
          %get3A_631 = arith.index_cast %add3A_622 : i32 to index
          %get3A_632 = tpu.vector_load %arg9[%get3A_631] {strides = array<i32>} : memref<20000xf32, #tpu.memory_space<vmem>>, vector<16xf32>,
          %sub3A_633 = vector.broadcast %squeeze3A_113 : f32 to vector<16xf32>
          %sub3A_634 = arith.subf %get3A_632, %sub3A_633 : vector<16xf32>
          %mul3A_635 = arith.mulf %sub3A_626, %sub3A_626 : vector<16xf32>
          %mul3A_636 = arith.mulf %sub3A_630, %sub3A_630 : vector<16xf32>
          %add3A_637 = arith.addf %mul3A_635, %mul3A_636 : vector<16xf32>
          %mul3A_638 = arith.mulf %sub3A_634, %sub3A_634 : vector<16xf32>
          %add3A_639 = arith.addf %add3A_637, %mul3A_638 : vector<16xf32>
          %lt3A_640 = arith.constant 1.000000e+00 : f32
          %lt3A_641 = vector.broadcast %lt3A_640 : f32 to vector<16xf32>
          %lt3A_642 = arith.cmpf olt, %add3A_639, %lt3A_641 : vector<16xf32>
          %add3A_643 = arith.constant 368 : i32
          %add3A_644 = arith.addi %mul3A_136, %add3A_643 : i32
          %get3A_645 = arith.index_cast %add3A_644 : i32 to index
          %get3A_646 = tpu.vector_load %arg7[%get3A_645] {strides = array<i32>} : memref<20000xf32, #tpu.memory_space<vmem>>, vector<16xf32>,
          %sub3A_647 = vector.broadcast %squeeze3A : f32 to vector<16xf32>
          %sub3A_648 = arith.subf %get3A_646, %sub3A_647 : vector<16xf32>
          %get3A_649 = arith.index_cast %add3A_644 : i32 to index
          %get3A_650 = tpu.vector_load %arg8[%get3A_649] {strides = array<i32>} : memref<20000xf32, #tpu.memory_space<vmem>>, vector<16xf32>,
          %sub3A_651 = vector.broadcast %squeeze3A_111 : f32 to vector<16xf32>
          %sub3A_652 = arith.subf %get3A_650, %sub3A_651 : vector<16xf32>
          %get3A_653 = arith.index_cast %add3A_644 : i32 to index
          %get3A_654 = tpu.vector_load %arg9[%get3A_653] {strides = array<i32>} : memref<20000xf32, #tpu.memory_space<vmem>>, vector<16xf32>,
          %sub3A_655 = vector.broadcast %squeeze3A_113 : f32 to vector<16xf32>
          %sub3A_656 = arith.subf %get3A_654, %sub3A_655 : vector<16xf32>
          %mul3A_657 = arith.mulf %sub3A_648, %sub3A_648 : vector<16xf32>
          %mul3A_658 = arith.mulf %sub3A_652, %sub3A_652 : vector<16xf32>
          %add3A_659 = arith.addf %mul3A_657, %mul3A_658 : vector<16xf32>
          %mul3A_660 = arith.mulf %sub3A_656, %sub3A_656 : vector<16xf32>
          %add3A_661 = arith.addf %add3A_659, %mul3A_660 : vector<16xf32>
          %lt3A_662 = arith.constant 1.000000e+00 : f32
          %lt3A_663 = vector.broadcast %lt3A_662 : f32 to vector<16xf32>
          %lt3A_664 = arith.cmpf olt, %add3A_661, %lt3A_663 : vector<16xf32>
          %add3A_665 = arith.constant 384 : i32
          %add3A_666 = arith.addi %mul3A_136, %add3A_665 : i32
          %get3A_667 = arith.index_cast %add3A_666 : i32 to index
          %get3A_668 = tpu.vector_load %arg7[%get3A_667] {strides = array<i32>} : memref<20000xf32, #tpu.memory_space<vmem>>, vector<16xf32>,
          %sub3A_669 = vector.broadcast %squeeze3A : f32 to vector<16xf32>
          %sub3A_670 = arith.subf %get3A_668, %sub3A_669 : vector<16xf32>
          %get3A_671 = arith.index_cast %add3A_666 : i32 to index
          %get3A_672 = tpu.vector_load %arg8[%get3A_671] {strides = array<i32>} : memref<20000xf32, #tpu.memory_space<vmem>>, vector<16xf32>,
          %sub3A_673 = vector.broadcast %squeeze3A_111 : f32 to vector<16xf32>
          %sub3A_674 = arith.subf %get3A_672, %sub3A_673 : vector<16xf32>
          %get3A_675 = arith.index_cast %add3A_666 : i32 to index
          %get3A_676 = tpu.vector_load %arg9[%get3A_675] {strides = array<i32>} : memref<20000xf32, #tpu.memory_space<vmem>>, vector<16xf32>,
          %sub3A_677 = vector.broadcast %squeeze3A_113 : f32 to vector<16xf32>
          %sub3A_678 = arith.subf %get3A_676, %sub3A_677 : vector<16xf32>
          %mul3A_679 = arith.mulf %sub3A_670, %sub3A_670 : vector<16xf32>
          %mul3A_680 = arith.mulf %sub3A_674, %sub3A_674 : vector<16xf32>
          %add3A_681 = arith.addf %mul3A_679, %mul3A_680 : vector<16xf32>
          %mul3A_682 = arith.mulf %sub3A_678, %sub3A_678 : vector<16xf32>
          %add3A_683 = arith.addf %add3A_681, %mul3A_682 : vector<16xf32>
          %lt3A_684 = arith.constant 1.000000e+00 : f32
          %lt3A_685 = vector.broadcast %lt3A_684 : f32 to vector<16xf32>
          %lt3A_686 = arith.cmpf olt, %add3A_683, %lt3A_685 : vector<16xf32>
          %all_reduce_population_count3A = tpu.all_reduce %lt3A_158 {dim = 0 : i64, kind = #tpu.reduction_kind<sum>} : vector<16xi1> -> vector<16xi32>
          %slice3A_687 = vector.extract_strided_slice %all_reduce_population_count3A {offsets = [0], sizes = [1], strides = [1]} : vector<16xi32> to vector<1xi32>
          %squeeze3A_688 = vector.extract %slice3A_687[0] : i32 from vector<1xi32>
          %all_reduce_population_count3A_689 = tpu.all_reduce %lt3A_180 {dim = 0 : i64, kind = #tpu.reduction_kind<sum>} : vector<16xi1> -> vector<16xi32>
          %slice3A_690 = vector.extract_strided_slice %all_reduce_population_count3A_689 {offsets = [0], sizes = [1], strides = [1]} : vector<16xi32> to vector<1xi32>
          %squeeze3A_691 = vector.extract %slice3A_690[0] : i32 from vector<1xi32>
          %all_reduce_population_count3A_692 = tpu.all_reduce %lt3A_202 {dim = 0 : i64, kind = #tpu.reduction_kind<sum>} : vector<16xi1> -> vector<16xi32>
          %slice3A_693 = vector.extract_strided_slice %all_reduce_population_count3A_692 {offsets = [0], sizes = [1], strides = [1]} : vector<16xi32> to vector<1xi32>
          %squeeze3A_694 = vector.extract %slice3A_693[0] : i32 from vector<1xi32>
          %all_reduce_population_count3A_695 = tpu.all_reduce %lt3A_224 {dim = 0 : i64, kind = #tpu.reduction_kind<sum>} : vector<16xi1> -> vector<16xi32>
          %slice3A_696 = vector.extract_strided_slice %all_reduce_population_count3A_695 {offsets = [0], sizes = [1], strides = [1]} : vector<16xi32> to vector<1xi32>
          %squeeze3A_697 = vector.extract %slice3A_696[0] : i32 from vector<1xi32>
          %all_reduce_population_count3A_698 = tpu.all_reduce %lt3A_246 {dim = 0 : i64, kind = #tpu.reduction_kind<sum>} : vector<16xi1> -> vector<16xi32>
          %slice3A_699 = vector.extract_strided_slice %all_reduce_population_count3A_698 {offsets = [0], sizes = [1], strides = [1]} : vector<16xi32> to vector<1xi32>
          %squeeze3A_700 = vector.extract %slice3A_699[0] : i32 from vector<1xi32>
          %all_reduce_population_count3A_701 = tpu.all_reduce %lt3A_268 {dim = 0 : i64, kind = #tpu.reduction_kind<sum>} : vector<16xi1> -> vector<16xi32>
          %slice3A_702 = vector.extract_strided_slice %all_reduce_population_count3A_701 {offsets = [0], sizes = [1], strides = [1]} : vector<16xi32> to vector<1xi32>
          %squeeze3A_703 = vector.extract %slice3A_702[0] : i32 from vector<1xi32>
          %all_reduce_population_count3A_704 = tpu.all_reduce %lt3A_290 {dim = 0 : i64, kind = #tpu.reduction_kind<sum>} : vector<16xi1> -> vector<16xi32>
          %slice3A_705 = vector.extract_strided_slice %all_reduce_population_count3A_704 {offsets = [0], sizes = [1], strides = [1]} : vector<16xi32> to vector<1xi32>
          %squeeze3A_706 = vector.extract %slice3A_705[0] : i32 from vector<1xi32>
          %all_reduce_population_count3A_707 = tpu.all_reduce %lt3A_312 {dim = 0 : i64, kind = #tpu.reduction_kind<sum>} : vector<16xi1> -> vector<16xi32>
          %slice3A_708 = vector.extract_strided_slice %all_reduce_population_count3A_707 {offsets = [0], sizes = [1], strides = [1]} : vector<16xi32> to vector<1xi32>
          %squeeze3A_709 = vector.extract %slice3A_708[0] : i32 from vector<1xi32>
          %all_reduce_population_count3A_710 = tpu.all_reduce %lt3A_334 {dim = 0 : i64, kind = #tpu.reduction_kind<sum>} : vector<16xi1> -> vector<16xi32>
          %slice3A_711 = vector.extract_strided_slice %all_reduce_population_count3A_710 {offsets = [0], sizes = [1], strides = [1]} : vector<16xi32> to vector<1xi32>
          %squeeze3A_712 = vector.extract %slice3A_711[0] : i32 from vector<1xi32>
          %all_reduce_population_count3A_713 = tpu.all_reduce %lt3A_356 {dim = 0 : i64, kind = #tpu.reduction_kind<sum>} : vector<16xi1> -> vector<16xi32>
          %slice3A_714 = vector.extract_strided_slice %all_reduce_population_count3A_713 {offsets = [0], sizes = [1], strides = [1]} : vector<16xi32> to vector<1xi32>
          %squeeze3A_715 = vector.extract %slice3A_714[0] : i32 from vector<1xi32>
          %all_reduce_population_count3A_716 = tpu.all_reduce %lt3A_378 {dim = 0 : i64, kind = #tpu.reduction_kind<sum>} : vector<16xi1> -> vector<16xi32>
          %slice3A_717 = vector.extract_strided_slice %all_reduce_population_count3A_716 {offsets = [0], sizes = [1], strides = [1]} : vector<16xi32> to vector<1xi32>
          %squeeze3A_718 = vector.extract %slice3A_717[0] : i32 from vector<1xi32>
          %all_reduce_population_count3A_719 = tpu.all_reduce %lt3A_400 {dim = 0 : i64, kind = #tpu.reduction_kind<sum>} : vector<16xi1> -> vector<16xi32>
          %slice3A_720 = vector.extract_strided_slice %all_reduce_population_count3A_719 {offsets = [0], sizes = [1], strides = [1]} : vector<16xi32> to vector<1xi32>
          %squeeze3A_721 = vector.extract %slice3A_720[0] : i32 from vector<1xi32>
          %all_reduce_population_count3A_722 = tpu.all_reduce %lt3A_422 {dim = 0 : i64, kind = #tpu.reduction_kind<sum>} : vector<16xi1> -> vector<16xi32>
          %slice3A_723 = vector.extract_strided_slice %all_reduce_population_count3A_722 {offsets = [0], sizes = [1], strides = [1]} : vector<16xi32> to vector<1xi32>
          %squeeze3A_724 = vector.extract %slice3A_723[0] : i32 from vector<1xi32>
          %all_reduce_population_count3A_725 = tpu.all_reduce %lt3A_444 {dim = 0 : i64, kind = #tpu.reduction_kind<sum>} : vector<16xi1> -> vector<16xi32>
          %slice3A_726 = vector.extract_strided_slice %all_reduce_population_count3A_725 {offsets = [0], sizes = [1], strides = [1]} : vector<16xi32> to vector<1xi32>
          %squeeze3A_727 = vector.extract %slice3A_726[0] : i32 from vector<1xi32>
          %all_reduce_population_count3A_728 = tpu.all_reduce %lt3A_466 {dim = 0 : i64, kind = #tpu.reduction_kind<sum>} : vector<16xi1> -> vector<16xi32>
          %slice3A_729 = vector.extract_strided_slice %all_reduce_population_count3A_728 {offsets = [0], sizes = [1], strides = [1]} : vector<16xi32> to vector<1xi32>
          %squeeze3A_730 = vector.extract %slice3A_729[0] : i32 from vector<1xi32>
          %all_reduce_population_count3A_731 = tpu.all_reduce %lt3A_488 {dim = 0 : i64, kind = #tpu.reduction_kind<sum>} : vector<16xi1> -> vector<16xi32>
          %slice3A_732 = vector.extract_strided_slice %all_reduce_population_count3A_731 {offsets = [0], sizes = [1], strides = [1]} : vector<16xi32> to vector<1xi32>
          %squeeze3A_733 = vector.extract %slice3A_732[0] : i32 from vector<1xi32>
          %all_reduce_population_count3A_734 = tpu.all_reduce %lt3A_510 {dim = 0 : i64, kind = #tpu.reduction_kind<sum>} : vector<16xi1> -> vector<16xi32>
          %slice3A_735 = vector.extract_strided_slice %all_reduce_population_count3A_734 {offsets = [0], sizes = [1], strides = [1]} : vector<16xi32> to vector<1xi32>
          %squeeze3A_736 = vector.extract %slice3A_735[0] : i32 from vector<1xi32>
          %all_reduce_population_count3A_737 = tpu.all_reduce %lt3A_532 {dim = 0 : i64, kind = #tpu.reduction_kind<sum>} : vector<16xi1> -> vector<16xi32>
          %slice3A_738 = vector.extract_strided_slice %all_reduce_population_count3A_737 {offsets = [0], sizes = [1], strides = [1]} : vector<16xi32> to vector<1xi32>
          %squeeze3A_739 = vector.extract %slice3A_738[0] : i32 from vector<1xi32>
          %all_reduce_population_count3A_740 = tpu.all_reduce %lt3A_554 {dim = 0 : i64, kind = #tpu.reduction_kind<sum>} : vector<16xi1> -> vector<16xi32>
          %slice3A_741 = vector.extract_strided_slice %all_reduce_population_count3A_740 {offsets = [0], sizes = [1], strides = [1]} : vector<16xi32> to vector<1xi32>
          %squeeze3A_742 = vector.extract %slice3A_741[0] : i32 from vector<1xi32>
          %all_reduce_population_count3A_743 = tpu.all_reduce %lt3A_576 {dim = 0 : i64, kind = #tpu.reduction_kind<sum>} : vector<16xi1> -> vector<16xi32>
          %slice3A_744 = vector.extract_strided_slice %all_reduce_population_count3A_743 {offsets = [0], sizes = [1], strides = [1]} : vector<16xi32> to vector<1xi32>
          %squeeze3A_745 = vector.extract %slice3A_744[0] : i32 from vector<1xi32>
          %all_reduce_population_count3A_746 = tpu.all_reduce %lt3A_598 {dim = 0 : i64, kind = #tpu.reduction_kind<sum>} : vector<16xi1> -> vector<16xi32>
          %slice3A_747 = vector.extract_strided_slice %all_reduce_population_count3A_746 {offsets = [0], sizes = [1], strides = [1]} : vector<16xi32> to vector<1xi32>
          %squeeze3A_748 = vector.extract %slice3A_747[0] : i32 from vector<1xi32>
          %all_reduce_population_count3A_749 = tpu.all_reduce %lt3A_620 {dim = 0 : i64, kind = #tpu.reduction_kind<sum>} : vector<16xi1> -> vector<16xi32>
          %slice3A_750 = vector.extract_strided_slice %all_reduce_population_count3A_749 {offsets = [0], sizes = [1], strides = [1]} : vector<16xi32> to vector<1xi32>
          %squeeze3A_751 = vector.extract %slice3A_750[0] : i32 from vector<1xi32>
          %all_reduce_population_count3A_752 = tpu.all_reduce %lt3A_642 {dim = 0 : i64, kind = #tpu.reduction_kind<sum>} : vector<16xi1> -> vector<16xi32>
          %slice3A_753 = vector.extract_strided_slice %all_reduce_population_count3A_752 {offsets = [0], sizes = [1], strides = [1]} : vector<16xi32> to vector<1xi32>
          %squeeze3A_754 = vector.extract %slice3A_753[0] : i32 from vector<1xi32>
          %all_reduce_population_count3A_755 = tpu.all_reduce %lt3A_664 {dim = 0 : i64, kind = #tpu.reduction_kind<sum>} : vector<16xi1> -> vector<16xi32>
          %slice3A_756 = vector.extract_strided_slice %all_reduce_population_count3A_755 {offsets = [0], sizes = [1], strides = [1]} : vector<16xi32> to vector<1xi32>
          %squeeze3A_757 = vector.extract %slice3A_756[0] : i32 from vector<1xi32>
          %all_reduce_population_count3A_758 = tpu.all_reduce %lt3A_686 {dim = 0 : i64, kind = #tpu.reduction_kind<sum>} : vector<16xi1> -> vector<16xi32>
          %slice3A_759 = vector.extract_strided_slice %all_reduce_population_count3A_758 {offsets = [0], sizes = [1], strides = [1]} : vector<16xi32> to vector<1xi32>
          %squeeze3A_760 = vector.extract %slice3A_759[0] : i32 from vector<1xi32>
          %add3A_761 = arith.addi %mul3A_57, %mul3A_136 : i32
          %add3A_762 = arith.constant 0 : i32
          %add3A_763 = arith.addi %add3A_761, %add3A_762 : i32
          %add3A_764 = vector.broadcast %add3A_763 : i32 to vector<16xi32>
          %add3A_765 = arith.addi %add3A_764, %iota3A : vector<16xi32>
          %swap3A = arith.index_cast %while3A_134 : i32 to index
          %swap3A_766 = tpu.vector_load %arg11[%swap3A] masked %lt3A_158 {strides = array<i32>} : memref<928xi32, #tpu.memory_space<vmem>>, vector<16xi32>, vector<16xi1>
          tpu.vector_store %arg11[%swap3A], %add3A_765 masked %lt3A_158 {strides = array<i32>} : memref<928xi32, #tpu.memory_space<vmem>>, vector<16xi32>, vector<16xi1>
          %add3A_767 = arith.addi %while3A_134, %squeeze3A_688 : i32
          %add3A_768 = arith.addi %mul3A_57, %mul3A_136 : i32
          %add3A_769 = arith.constant 16 : i32
          %add3A_770 = arith.addi %add3A_768, %add3A_769 : i32
          %add3A_771 = vector.broadcast %add3A_770 : i32 to vector<16xi32>
          %add3A_772 = arith.addi %add3A_771, %iota3A : vector<16xi32>
          %swap3A_773 = arith.index_cast %add3A_767 : i32 to index
          %swap3A_774 = tpu.vector_load %arg11[%swap3A_773] masked %lt3A_180 {strides = array<i32>} : memref<928xi32, #tpu.memory_space<vmem>>, vector<16xi32>, vector<16xi1>
          tpu.vector_store %arg11[%swap3A_773], %add3A_772 masked %lt3A_180 {strides = array<i32>} : memref<928xi32, #tpu.memory_space<vmem>>, vector<16xi32>, vector<16xi1>
          %add3A_775 = arith.addi %add3A_767, %squeeze3A_691 : i32
          %add3A_776 = arith.addi %mul3A_57, %mul3A_136 : i32
          %add3A_777 = arith.constant 32 : i32
          %add3A_778 = arith.addi %add3A_776, %add3A_777 : i32
          %add3A_779 = vector.broadcast %add3A_778 : i32 to vector<16xi32>
          %add3A_780 = arith.addi %add3A_779, %iota3A : vector<16xi32>
          %swap3A_781 = arith.index_cast %add3A_775 : i32 to index
          %swap3A_782 = tpu.vector_load %arg11[%swap3A_781] masked %lt3A_202 {strides = array<i32>} : memref<928xi32, #tpu.memory_space<vmem>>, vector<16xi32>, vector<16xi1>
          tpu.vector_store %arg11[%swap3A_781], %add3A_780 masked %lt3A_202 {strides = array<i32>} : memref<928xi32, #tpu.memory_space<vmem>>, vector<16xi32>, vector<16xi1>
          %add3A_783 = arith.addi %add3A_775, %squeeze3A_694 : i32
          %add3A_784 = arith.addi %mul3A_57, %mul3A_136 : i32
          %add3A_785 = arith.constant 48 : i32
          %add3A_786 = arith.addi %add3A_784, %add3A_785 : i32
          %add3A_787 = vector.broadcast %add3A_786 : i32 to vector<16xi32>
          %add3A_788 = arith.addi %add3A_787, %iota3A : vector<16xi32>
          %swap3A_789 = arith.index_cast %add3A_783 : i32 to index
          %swap3A_790 = tpu.vector_load %arg11[%swap3A_789] masked %lt3A_224 {strides = array<i32>} : memref<928xi32, #tpu.memory_space<vmem>>, vector<16xi32>, vector<16xi1>
          tpu.vector_store %arg11[%swap3A_789], %add3A_788 masked %lt3A_224 {strides = array<i32>} : memref<928xi32, #tpu.memory_space<vmem>>, vector<16xi32>, vector<16xi1>
          %add3A_791 = arith.addi %add3A_783, %squeeze3A_697 : i32
          %add3A_792 = arith.addi %mul3A_57, %mul3A_136 : i32
          %add3A_793 = arith.constant 64 : i32
          %add3A_794 = arith.addi %add3A_792, %add3A_793 : i32
          %add3A_795 = vector.broadcast %add3A_794 : i32 to vector<16xi32>
          %add3A_796 = arith.addi %add3A_795, %iota3A : vector<16xi32>
          %swap3A_797 = arith.index_cast %add3A_791 : i32 to index
          %swap3A_798 = tpu.vector_load %arg11[%swap3A_797] masked %lt3A_246 {strides = array<i32>} : memref<928xi32, #tpu.memory_space<vmem>>, vector<16xi32>, vector<16xi1>
          tpu.vector_store %arg11[%swap3A_797], %add3A_796 masked %lt3A_246 {strides = array<i32>} : memref<928xi32, #tpu.memory_space<vmem>>, vector<16xi32>, vector<16xi1>
          %add3A_799 = arith.addi %add3A_791, %squeeze3A_700 : i32
          %add3A_800 = arith.addi %mul3A_57, %mul3A_136 : i32
          %add3A_801 = arith.constant 80 : i32
          %add3A_802 = arith.addi %add3A_800, %add3A_801 : i32
          %add3A_803 = vector.broadcast %add3A_802 : i32 to vector<16xi32>
          %add3A_804 = arith.addi %add3A_803, %iota3A : vector<16xi32>
          %swap3A_805 = arith.index_cast %add3A_799 : i32 to index
          %swap3A_806 = tpu.vector_load %arg11[%swap3A_805] masked %lt3A_268 {strides = array<i32>} : memref<928xi32, #tpu.memory_space<vmem>>, vector<16xi32>, vector<16xi1>
          tpu.vector_store %arg11[%swap3A_805], %add3A_804 masked %lt3A_268 {strides = array<i32>} : memref<928xi32, #tpu.memory_space<vmem>>, vector<16xi32>, vector<16xi1>
          %add3A_807 = arith.addi %add3A_799, %squeeze3A_703 : i32
          %add3A_808 = arith.addi %mul3A_57, %mul3A_136 : i32
          %add3A_809 = arith.constant 96 : i32
          %add3A_810 = arith.addi %add3A_808, %add3A_809 : i32
          %add3A_811 = vector.broadcast %add3A_810 : i32 to vector<16xi32>
          %add3A_812 = arith.addi %add3A_811, %iota3A : vector<16xi32>
          %swap3A_813 = arith.index_cast %add3A_807 : i32 to index
          %swap3A_814 = tpu.vector_load %arg11[%swap3A_813] masked %lt3A_290 {strides = array<i32>} : memref<928xi32, #tpu.memory_space<vmem>>, vector<16xi32>, vector<16xi1>
          tpu.vector_store %arg11[%swap3A_813], %add3A_812 masked %lt3A_290 {strides = array<i32>} : memref<928xi32, #tpu.memory_space<vmem>>, vector<16xi32>, vector<16xi1>
          %add3A_815 = arith.addi %add3A_807, %squeeze3A_706 : i32
          %add3A_816 = arith.addi %mul3A_57, %mul3A_136 : i32
          %add3A_817 = arith.constant 112 : i32
          %add3A_818 = arith.addi %add3A_816, %add3A_817 : i32
          %add3A_819 = vector.broadcast %add3A_818 : i32 to vector<16xi32>
          %add3A_820 = arith.addi %add3A_819, %iota3A : vector<16xi32>
          %swap3A_821 = arith.index_cast %add3A_815 : i32 to index
          %swap3A_822 = tpu.vector_load %arg11[%swap3A_821] masked %lt3A_312 {strides = array<i32>} : memref<928xi32, #tpu.memory_space<vmem>>, vector<16xi32>, vector<16xi1>
          tpu.vector_store %arg11[%swap3A_821], %add3A_820 masked %lt3A_312 {strides = array<i32>} : memref<928xi32, #tpu.memory_space<vmem>>, vector<16xi32>, vector<16xi1>
          %add3A_823 = arith.addi %add3A_815, %squeeze3A_709 : i32
          %add3A_824 = arith.addi %mul3A_57, %mul3A_136 : i32
          %add3A_825 = arith.constant 128 : i32
          %add3A_826 = arith.addi %add3A_824, %add3A_825 : i32
          %add3A_827 = vector.broadcast %add3A_826 : i32 to vector<16xi32>
          %add3A_828 = arith.addi %add3A_827, %iota3A : vector<16xi32>
          %swap3A_829 = arith.index_cast %add3A_823 : i32 to index
          %swap3A_830 = tpu.vector_load %arg11[%swap3A_829] masked %lt3A_334 {strides = array<i32>} : memref<928xi32, #tpu.memory_space<vmem>>, vector<16xi32>, vector<16xi1>
          tpu.vector_store %arg11[%swap3A_829], %add3A_828 masked %lt3A_334 {strides = array<i32>} : memref<928xi32, #tpu.memory_space<vmem>>, vector<16xi32>, vector<16xi1>
          %add3A_831 = arith.addi %add3A_823, %squeeze3A_712 : i32
          %add3A_832 = arith.addi %mul3A_57, %mul3A_136 : i32
          %add3A_833 = arith.constant 144 : i32
          %add3A_834 = arith.addi %add3A_832, %add3A_833 : i32
          %add3A_835 = vector.broadcast %add3A_834 : i32 to vector<16xi32>
          %add3A_836 = arith.addi %add3A_835, %iota3A : vector<16xi32>
          %swap3A_837 = arith.index_cast %add3A_831 : i32 to index
          %swap3A_838 = tpu.vector_load %arg11[%swap3A_837] masked %lt3A_356 {strides = array<i32>} : memref<928xi32, #tpu.memory_space<vmem>>, vector<16xi32>, vector<16xi1>
          tpu.vector_store %arg11[%swap3A_837], %add3A_836 masked %lt3A_356 {strides = array<i32>} : memref<928xi32, #tpu.memory_space<vmem>>, vector<16xi32>, vector<16xi1>
          %add3A_839 = arith.addi %add3A_831, %squeeze3A_715 : i32
          %add3A_840 = arith.addi %mul3A_57, %mul3A_136 : i32
          %add3A_841 = arith.constant 160 : i32
          %add3A_842 = arith.addi %add3A_840, %add3A_841 : i32
          %add3A_843 = vector.broadcast %add3A_842 : i32 to vector<16xi32>
          %add3A_844 = arith.addi %add3A_843, %iota3A : vector<16xi32>
          %swap3A_845 = arith.index_cast %add3A_839 : i32 to index
          %swap3A_846 = tpu.vector_load %arg11[%swap3A_845] masked %lt3A_378 {strides = array<i32>} : memref<928xi32, #tpu.memory_space<vmem>>, vector<16xi32>, vector<16xi1>
          tpu.vector_store %arg11[%swap3A_845], %add3A_844 masked %lt3A_378 {strides = array<i32>} : memref<928xi32, #tpu.memory_space<vmem>>, vector<16xi32>, vector<16xi1>
          %add3A_847 = arith.addi %add3A_839, %squeeze3A_718 : i32
          %add3A_848 = arith.addi %mul3A_57, %mul3A_136 : i32
          %add3A_849 = arith.constant 176 : i32
          %add3A_850 = arith.addi %add3A_848, %add3A_849 : i32
          %add3A_851 = vector.broadcast %add3A_850 : i32 to vector<16xi32>
          %add3A_852 = arith.addi %add3A_851, %iota3A : vector<16xi32>
          %swap3A_853 = arith.index_cast %add3A_847 : i32 to index
          %swap3A_854 = tpu.vector_load %arg11[%swap3A_853] masked %lt3A_400 {strides = array<i32>} : memref<928xi32, #tpu.memory_space<vmem>>, vector<16xi32>, vector<16xi1>
          tpu.vector_store %arg11[%swap3A_853], %add3A_852 masked %lt3A_400 {strides = array<i32>} : memref<928xi32, #tpu.memory_space<vmem>>, vector<16xi32>, vector<16xi1>
          %add3A_855 = arith.addi %add3A_847, %squeeze3A_721 : i32
          %add3A_856 = arith.addi %mul3A_57, %mul3A_136 : i32
          %add3A_857 = arith.constant 192 : i32
          %add3A_858 = arith.addi %add3A_856, %add3A_857 : i32
          %add3A_859 = vector.broadcast %add3A_858 : i32 to vector<16xi32>
          %add3A_860 = arith.addi %add3A_859, %iota3A : vector<16xi32>
          %swap3A_861 = arith.index_cast %add3A_855 : i32 to index
          %swap3A_862 = tpu.vector_load %arg11[%swap3A_861] masked %lt3A_422 {strides = array<i32>} : memref<928xi32, #tpu.memory_space<vmem>>, vector<16xi32>, vector<16xi1>
          tpu.vector_store %arg11[%swap3A_861], %add3A_860 masked %lt3A_422 {strides = array<i32>} : memref<928xi32, #tpu.memory_space<vmem>>, vector<16xi32>, vector<16xi1>
          %add3A_863 = arith.addi %add3A_855, %squeeze3A_724 : i32
          %add3A_864 = arith.addi %mul3A_57, %mul3A_136 : i32
          %add3A_865 = arith.constant 208 : i32
          %add3A_866 = arith.addi %add3A_864, %add3A_865 : i32
          %add3A_867 = vector.broadcast %add3A_866 : i32 to vector<16xi32>
          %add3A_868 = arith.addi %add3A_867, %iota3A : vector<16xi32>
          %swap3A_869 = arith.index_cast %add3A_863 : i32 to index
          %swap3A_870 = tpu.vector_load %arg11[%swap3A_869] masked %lt3A_444 {strides = array<i32>} : memref<928xi32, #tpu.memory_space<vmem>>, vector<16xi32>, vector<16xi1>
          tpu.vector_store %arg11[%swap3A_869], %add3A_868 masked %lt3A_444 {strides = array<i32>} : memref<928xi32, #tpu.memory_space<vmem>>, vector<16xi32>, vector<16xi1>
          %add3A_871 = arith.addi %add3A_863, %squeeze3A_727 : i32
          %add3A_872 = arith.addi %mul3A_57, %mul3A_136 : i32
          %add3A_873 = arith.constant 224 : i32
          %add3A_874 = arith.addi %add3A_872, %add3A_873 : i32
          %add3A_875 = vector.broadcast %add3A_874 : i32 to vector<16xi32>
          %add3A_876 = arith.addi %add3A_875, %iota3A : vector<16xi32>
          %swap3A_877 = arith.index_cast %add3A_871 : i32 to index
          %swap3A_878 = tpu.vector_load %arg11[%swap3A_877] masked %lt3A_466 {strides = array<i32>} : memref<928xi32, #tpu.memory_space<vmem>>, vector<16xi32>, vector<16xi1>
          tpu.vector_store %arg11[%swap3A_877], %add3A_876 masked %lt3A_466 {strides = array<i32>} : memref<928xi32, #tpu.memory_space<vmem>>, vector<16xi32>, vector<16xi1>
          %add3A_879 = arith.addi %add3A_871, %squeeze3A_730 : i32
          %add3A_880 = arith.addi %mul3A_57, %mul3A_136 : i32
          %add3A_881 = arith.constant 240 : i32
          %add3A_882 = arith.addi %add3A_880, %add3A_881 : i32
          %add3A_883 = vector.broadcast %add3A_882 : i32 to vector<16xi32>
          %add3A_884 = arith.addi %add3A_883, %iota3A : vector<16xi32>
          %swap3A_885 = arith.index_cast %add3A_879 : i32 to index
          %swap3A_886 = tpu.vector_load %arg11[%swap3A_885] masked %lt3A_488 {strides = array<i32>} : memref<928xi32, #tpu.memory_space<vmem>>, vector<16xi32>, vector<16xi1>
          tpu.vector_store %arg11[%swap3A_885], %add3A_884 masked %lt3A_488 {strides = array<i32>} : memref<928xi32, #tpu.memory_space<vmem>>, vector<16xi32>, vector<16xi1>
          %add3A_887 = arith.addi %add3A_879, %squeeze3A_733 : i32
          %add3A_888 = arith.addi %mul3A_57, %mul3A_136 : i32
          %add3A_889 = arith.constant 256 : i32
          %add3A_890 = arith.addi %add3A_888, %add3A_889 : i32
          %add3A_891 = vector.broadcast %add3A_890 : i32 to vector<16xi32>
          %add3A_892 = arith.addi %add3A_891, %iota3A : vector<16xi32>
          %swap3A_893 = arith.index_cast %add3A_887 : i32 to index
          %swap3A_894 = tpu.vector_load %arg11[%swap3A_893] masked %lt3A_510 {strides = array<i32>} : memref<928xi32, #tpu.memory_space<vmem>>, vector<16xi32>, vector<16xi1>
          tpu.vector_store %arg11[%swap3A_893], %add3A_892 masked %lt3A_510 {strides = array<i32>} : memref<928xi32, #tpu.memory_space<vmem>>, vector<16xi32>, vector<16xi1>
          %add3A_895 = arith.addi %add3A_887, %squeeze3A_736 : i32
          %add3A_896 = arith.addi %mul3A_57, %mul3A_136 : i32
          %add3A_897 = arith.constant 272 : i32
          %add3A_898 = arith.addi %add3A_896, %add3A_897 : i32
          %add3A_899 = vector.broadcast %add3A_898 : i32 to vector<16xi32>
          %add3A_900 = arith.addi %add3A_899, %iota3A : vector<16xi32>
          %swap3A_901 = arith.index_cast %add3A_895 : i32 to index
          %swap3A_902 = tpu.vector_load %arg11[%swap3A_901] masked %lt3A_532 {strides = array<i32>} : memref<928xi32, #tpu.memory_space<vmem>>, vector<16xi32>, vector<16xi1>
          tpu.vector_store %arg11[%swap3A_901], %add3A_900 masked %lt3A_532 {strides = array<i32>} : memref<928xi32, #tpu.memory_space<vmem>>, vector<16xi32>, vector<16xi1>
          %add3A_903 = arith.addi %add3A_895, %squeeze3A_739 : i32
          %add3A_904 = arith.addi %mul3A_57, %mul3A_136 : i32
          %add3A_905 = arith.constant 288 : i32
          %add3A_906 = arith.addi %add3A_904, %add3A_905 : i32
          %add3A_907 = vector.broadcast %add3A_906 : i32 to vector<16xi32>
          %add3A_908 = arith.addi %add3A_907, %iota3A : vector<16xi32>
          %swap3A_909 = arith.index_cast %add3A_903 : i32 to index
          %swap3A_910 = tpu.vector_load %arg11[%swap3A_909] masked %lt3A_554 {strides = array<i32>} : memref<928xi32, #tpu.memory_space<vmem>>, vector<16xi32>, vector<16xi1>
          tpu.vector_store %arg11[%swap3A_909], %add3A_908 masked %lt3A_554 {strides = array<i32>} : memref<928xi32, #tpu.memory_space<vmem>>, vector<16xi32>, vector<16xi1>
          %add3A_911 = arith.addi %add3A_903, %squeeze3A_742 : i32
          %add3A_912 = arith.addi %mul3A_57, %mul3A_136 : i32
          %add3A_913 = arith.constant 304 : i32
          %add3A_914 = arith.addi %add3A_912, %add3A_913 : i32
          %add3A_915 = vector.broadcast %add3A_914 : i32 to vector<16xi32>
          %add3A_916 = arith.addi %add3A_915, %iota3A : vector<16xi32>
          %swap3A_917 = arith.index_cast %add3A_911 : i32 to index
          %swap3A_918 = tpu.vector_load %arg11[%swap3A_917] masked %lt3A_576 {strides = array<i32>} : memref<928xi32, #tpu.memory_space<vmem>>, vector<16xi32>, vector<16xi1>
          tpu.vector_store %arg11[%swap3A_917], %add3A_916 masked %lt3A_576 {strides = array<i32>} : memref<928xi32, #tpu.memory_space<vmem>>, vector<16xi32>, vector<16xi1>
          %add3A_919 = arith.addi %add3A_911, %squeeze3A_745 : i32
          %add3A_920 = arith.addi %mul3A_57, %mul3A_136 : i32
          %add3A_921 = arith.constant 320 : i32
          %add3A_922 = arith.addi %add3A_920, %add3A_921 : i32
          %add3A_923 = vector.broadcast %add3A_922 : i32 to vector<16xi32>
          %add3A_924 = arith.addi %add3A_923, %iota3A : vector<16xi32>
          %swap3A_925 = arith.index_cast %add3A_919 : i32 to index
          %swap3A_926 = tpu.vector_load %arg11[%swap3A_925] masked %lt3A_598 {strides = array<i32>} : memref<928xi32, #tpu.memory_space<vmem>>, vector<16xi32>, vector<16xi1>
          tpu.vector_store %arg11[%swap3A_925], %add3A_924 masked %lt3A_598 {strides = array<i32>} : memref<928xi32, #tpu.memory_space<vmem>>, vector<16xi32>, vector<16xi1>
          %add3A_927 = arith.addi %add3A_919, %squeeze3A_748 : i32
          %add3A_928 = arith.addi %mul3A_57, %mul3A_136 : i32
          %add3A_929 = arith.constant 336 : i32
          %add3A_930 = arith.addi %add3A_928, %add3A_929 : i32
          %add3A_931 = vector.broadcast %add3A_930 : i32 to vector<16xi32>
          %add3A_932 = arith.addi %add3A_931, %iota3A : vector<16xi32>
          %swap3A_933 = arith.index_cast %add3A_927 : i32 to index
          %swap3A_934 = tpu.vector_load %arg11[%swap3A_933] masked %lt3A_620 {strides = array<i32>} : memref<928xi32, #tpu.memory_space<vmem>>, vector<16xi32>, vector<16xi1>
          tpu.vector_store %arg11[%swap3A_933], %add3A_932 masked %lt3A_620 {strides = array<i32>} : memref<928xi32, #tpu.memory_space<vmem>>, vector<16xi32>, vector<16xi1>
          %add3A_935 = arith.addi %add3A_927, %squeeze3A_751 : i32
          %add3A_936 = arith.addi %mul3A_57, %mul3A_136 : i32
          %add3A_937 = arith.constant 352 : i32
          %add3A_938 = arith.addi %add3A_936, %add3A_937 : i32
          %add3A_939 = vector.broadcast %add3A_938 : i32 to vector<16xi32>
          %add3A_940 = arith.addi %add3A_939, %iota3A : vector<16xi32>
          %swap3A_941 = arith.index_cast %add3A_935 : i32 to index
          %swap3A_942 = tpu.vector_load %arg11[%swap3A_941] masked %lt3A_642 {strides = array<i32>} : memref<928xi32, #tpu.memory_space<vmem>>, vector<16xi32>, vector<16xi1>
          tpu.vector_store %arg11[%swap3A_941], %add3A_940 masked %lt3A_642 {strides = array<i32>} : memref<928xi32, #tpu.memory_space<vmem>>, vector<16xi32>, vector<16xi1>
          %add3A_943 = arith.addi %add3A_935, %squeeze3A_754 : i32
          %add3A_944 = arith.addi %mul3A_57, %mul3A_136 : i32
          %add3A_945 = arith.constant 368 : i32
          %add3A_946 = arith.addi %add3A_944, %add3A_945 : i32
          %add3A_947 = vector.broadcast %add3A_946 : i32 to vector<16xi32>
          %add3A_948 = arith.addi %add3A_947, %iota3A : vector<16xi32>
          %swap3A_949 = arith.index_cast %add3A_943 : i32 to index
          %swap3A_950 = tpu.vector_load %arg11[%swap3A_949] masked %lt3A_664 {strides = array<i32>} : memref<928xi32, #tpu.memory_space<vmem>>, vector<16xi32>, vector<16xi1>
          tpu.vector_store %arg11[%swap3A_949], %add3A_948 masked %lt3A_664 {strides = array<i32>} : memref<928xi32, #tpu.memory_space<vmem>>, vector<16xi32>, vector<16xi1>
          %add3A_951 = arith.addi %add3A_943, %squeeze3A_757 : i32
          %add3A_952 = arith.addi %mul3A_57, %mul3A_136 : i32
          %add3A_953 = arith.constant 384 : i32
          %add3A_954 = arith.addi %add3A_952, %add3A_953 : i32
          %add3A_955 = vector.broadcast %add3A_954 : i32 to vector<16xi32>
          %add3A_956 = arith.addi %add3A_955, %iota3A : vector<16xi32>
          %swap3A_957 = arith.index_cast %add3A_951 : i32 to index
          %swap3A_958 = tpu.vector_load %arg11[%swap3A_957] masked %lt3A_686 {strides = array<i32>} : memref<928xi32, #tpu.memory_space<vmem>>, vector<16xi32>, vector<16xi1>
          tpu.vector_store %arg11[%swap3A_957], %add3A_956 masked %lt3A_686 {strides = array<i32>} : memref<928xi32, #tpu.memory_space<vmem>>, vector<16xi32>, vector<16xi1>
          %add3A_959 = arith.addi %add3A_951, %squeeze3A_760 : i32
          %add3A_960 = arith.constant 1 : i32
          %add3A_961 = arith.addi %while3A_133, %add3A_960 : i32
          scf.yield %add3A_961, %add3A_959 : i32, i32
        }
        %gt3A_116 = arith.constant 0 : i32
        %gt3A_117 = arith.cmpi sgt, %while3A_115#1, %gt3A_116 : i32
        %get3A_118 = arith.constant 0 : index
        %get3A_119 = tpu.vector_load %arg11[%get3A_118] {strides = array<i32>} : memref<928xi32, #tpu.memory_space<vmem>>, vector<16xi32>,
        %slice3A_120 = vector.extract_strided_slice %get3A_119 {offsets = [0], sizes = [1], strides = [1]} : vector<16xi32> to vector<1xi32>
        %squeeze3A_121 = vector.extract %slice3A_120[0] : i32 from vector<1xi32>
        %select_n3A_122 = arith.select %gt3A_117, %squeeze3A_121, %mul3A_57 : i32
        %broadcast_in_dim3A = vector.broadcast %select_n3A_122 : i32 to vector<16xi32>
        %eq3A_123 = arith.constant 0 : i32
        %eq3A_124 = arith.cmpi eq, %select_n3A_94, %eq3A_123 : i32
        %convert_element_type3A_125 = arith.extui %eq3A_124 : i1 to i32
        %cond3A_126 = arith.constant 0 : i32
        %cond3A_127 = arith.cmpi ne, %convert_element_type3A_125, %cond3A_126 : i32
        scf.if %cond3A_127 {
          %scan3A_133 = arith.constant 0 : i32
          %scan3A_134 = arith.constant 0 : i32
          %scan3A_135 = arith.constant 8 : i32
          %scan3A_136 = arith.addi %scan3A_134, %scan3A_135 : i32
          %scan3A_137 = arith.constant 1 : i32
          %scan3A_138 = scf.for %scan3A_192 = %scan3A_134 to %scan3A_136 step %scan3A_137 iter_args(%scan3A_193 = %scan3A_133) -> (i32)  : i32 {
            %mul3A_194 = arith.constant 16 : i32
            %mul3A_195 = arith.muli %scan3A_192, %mul3A_194 : i32
            %add3A_196 = arith.constant 0 : i32
            %add3A_197 = arith.addi %add3A_196, %mul3A_195 : i32
            %get3A_198 = arith.index_cast %add3A_197 : i32 to index
            %get3A_199 = tpu.vector_load %arg11[%get3A_198] {strides = array<i32>} : memref<928xi32, #tpu.memory_space<vmem>>, vector<16xi32>,
            %add3A_200 = vector.broadcast %add3A_197 : i32 to vector<16xi32>
            %add3A_201 = arith.addi %add3A_200, %iota3A : vector<16xi32>
            %lt3A_202 = vector.broadcast %while3A_115#1 : i32 to vector<16xi32>
            %lt3A_203 = arith.cmpi slt, %add3A_201, %lt3A_202 : vector<16xi32>
            %select_n3A_204 = arith.select %lt3A_203, %get3A_199, %broadcast_in_dim3A : vector<16xi1>, vector<16xi32>
            %add3A_205 = arith.constant 0 : i32
            %add3A_206 = arith.addi %add3A_205, %add3A_197 : i32
            %swap3A = arith.index_cast %add3A_206 : i32 to index
            %swap3A_207 = tpu.vector_load %arg12[%swap3A] {strides = array<i32>} : memref<1024xi32, #tpu.memory_space<vmem>>, vector<16xi32>,
            tpu.vector_store %arg12[%swap3A], %select_n3A_204 {strides = array<i32>} : memref<1024xi32, #tpu.memory_space<vmem>>, vector<16xi32>,
            %scan3A_208 = arith.constant 0 : i32
            scf.yield %scan3A_208 : i32
          }
          %scan3A_139 = arith.constant 8 : i32
          %dma_start3A = arith.constant 0 : i32
          %dma_start3A_140 = arith.constant 0 : i32
          %dma_start3A_141 = tpu.memref_slice %arg13[%dma_start3A, %dma_start3A_140] : memref<1024x8xf32, #tpu.memory_space<vmem>> -> memref<128x8xf32, #tpu.memory_space<vmem>>
          %dma_start3A_142 = arith.constant 0 : i32
          %dma_start3A_143 = tpu.memref_slice %arg12[%dma_start3A_142] : memref<1024xi32, #tpu.memory_space<vmem>> -> memref<128xi32, #tpu.memory_space<vmem>>
          %dma_start3A_144 = arith.constant 0 : i32
          %dma_start3A_145 = arith.constant 0 : i32
          %dma_start3A_146 = tpu.memref_slice %arg2[%dma_start3A_144, %dma_start3A_145] : memref<160000x8xf32, #tpu.memory_space<hbm>> -> memref<160000x8xf32, #tpu.memory_space<hbm>>
          tpu.enqueue_indirect_dma source(%dma_start3A_146 : memref<160000x8xf32, #tpu.memory_space<hbm>>) target(%dma_start3A_141 : memref<128x8xf32, #tpu.memory_space<vmem>>) offsets(%dma_start3A_143 : memref<128xi32, #tpu.memory_space<vmem>>) semaphore(%arg16 : memref<!tpu.dma_semaphore, #tpu.memory_space<semaphore_mem>>)
          %scan3A_147 = arith.constant 0 : i32
          %scan3A_148 = arith.constant 0 : i32
          %scan3A_149 = arith.constant 8 : i32
          %scan3A_150 = arith.addi %scan3A_148, %scan3A_149 : i32
          %scan3A_151 = arith.constant 1 : i32
          %scan3A_152 = scf.for %scan3A_192 = %scan3A_148 to %scan3A_150 step %scan3A_151 iter_args(%scan3A_193 = %scan3A_147) -> (i32)  : i32 {
            %mul3A_194 = arith.constant 16 : i32
            %mul3A_195 = arith.muli %scan3A_192, %mul3A_194 : i32
            %add3A_196 = arith.constant 128 : i32
            %add3A_197 = arith.addi %add3A_196, %mul3A_195 : i32
            %get3A_198 = arith.index_cast %add3A_197 : i32 to index
            %get3A_199 = tpu.vector_load %arg11[%get3A_198] {strides = array<i32>} : memref<928xi32, #tpu.memory_space<vmem>>, vector<16xi32>,
            %add3A_200 = vector.broadcast %add3A_197 : i32 to vector<16xi32>
            %add3A_201 = arith.addi %add3A_200, %iota3A : vector<16xi32>
            %lt3A_202 = vector.broadcast %while3A_115#1 : i32 to vector<16xi32>
            %lt3A_203 = arith.cmpi slt, %add3A_201, %lt3A_202 : vector<16xi32>
            %select_n3A_204 = arith.select %lt3A_203, %get3A_199, %broadcast_in_dim3A : vector<16xi1>, vector<16xi32>
            %add3A_205 = arith.constant 0 : i32
            %add3A_206 = arith.addi %add3A_205, %add3A_197 : i32
            %swap3A = arith.index_cast %add3A_206 : i32 to index
            %swap3A_207 = tpu.vector_load %arg12[%swap3A] {strides = array<i32>} : memref<1024xi32, #tpu.memory_space<vmem>>, vector<16xi32>,
            tpu.vector_store %arg12[%swap3A], %select_n3A_204 {strides = array<i32>} : memref<1024xi32, #tpu.memory_space<vmem>>, vector<16xi32>,
            %scan3A_208 = arith.constant 0 : i32
            scf.yield %scan3A_208 : i32
          }
          %scan3A_153 = arith.constant 8 : i32
          %dma_start3A_154 = arith.constant 128 : i32
          %dma_start3A_155 = arith.constant 0 : i32
          %dma_start3A_156 = tpu.memref_slice %arg13[%dma_start3A_154, %dma_start3A_155] : memref<1024x8xf32, #tpu.memory_space<vmem>> -> memref<128x8xf32, #tpu.memory_space<vmem>>
          %dma_start3A_157 = arith.constant 128 : i32
          %dma_start3A_158 = tpu.memref_slice %arg12[%dma_start3A_157] : memref<1024xi32, #tpu.memory_space<vmem>> -> memref<128xi32, #tpu.memory_space<vmem>>
          %dma_start3A_159 = arith.constant 0 : i32
          %dma_start3A_160 = arith.constant 0 : i32
          %dma_start3A_161 = tpu.memref_slice %arg2[%dma_start3A_159, %dma_start3A_160] : memref<160000x8xf32, #tpu.memory_space<hbm>> -> memref<160000x8xf32, #tpu.memory_space<hbm>>
          tpu.enqueue_indirect_dma source(%dma_start3A_161 : memref<160000x8xf32, #tpu.memory_space<hbm>>) target(%dma_start3A_156 : memref<128x8xf32, #tpu.memory_space<vmem>>) offsets(%dma_start3A_158 : memref<128xi32, #tpu.memory_space<vmem>>) semaphore(%arg16 : memref<!tpu.dma_semaphore, #tpu.memory_space<semaphore_mem>>)
          %scan3A_162 = arith.constant 0 : i32
          %scan3A_163 = arith.constant 0 : i32
          %scan3A_164 = arith.constant 8 : i32
          %scan3A_165 = arith.addi %scan3A_163, %scan3A_164 : i32
          %scan3A_166 = arith.constant 1 : i32
          %scan3A_167 = scf.for %scan3A_192 = %scan3A_163 to %scan3A_165 step %scan3A_166 iter_args(%scan3A_193 = %scan3A_162) -> (i32)  : i32 {
            %mul3A_194 = arith.constant 16 : i32
            %mul3A_195 = arith.muli %scan3A_192, %mul3A_194 : i32
            %add3A_196 = arith.constant 256 : i32
            %add3A_197 = arith.addi %add3A_196, %mul3A_195 : i32
            %get3A_198 = arith.index_cast %add3A_197 : i32 to index
            %get3A_199 = tpu.vector_load %arg11[%get3A_198] {strides = array<i32>} : memref<928xi32, #tpu.memory_space<vmem>>, vector<16xi32>,
            %add3A_200 = vector.broadcast %add3A_197 : i32 to vector<16xi32>
            %add3A_201 = arith.addi %add3A_200, %iota3A : vector<16xi32>
            %lt3A_202 = vector.broadcast %while3A_115#1 : i32 to vector<16xi32>
            %lt3A_203 = arith.cmpi slt, %add3A_201, %lt3A_202 : vector<16xi32>
            %select_n3A_204 = arith.select %lt3A_203, %get3A_199, %broadcast_in_dim3A : vector<16xi1>, vector<16xi32>
            %add3A_205 = arith.constant 0 : i32
            %add3A_206 = arith.addi %add3A_205, %add3A_197 : i32
            %swap3A = arith.index_cast %add3A_206 : i32 to index
            %swap3A_207 = tpu.vector_load %arg12[%swap3A] {strides = array<i32>} : memref<1024xi32, #tpu.memory_space<vmem>>, vector<16xi32>,
            tpu.vector_store %arg12[%swap3A], %select_n3A_204 {strides = array<i32>} : memref<1024xi32, #tpu.memory_space<vmem>>, vector<16xi32>,
            %scan3A_208 = arith.constant 0 : i32
            scf.yield %scan3A_208 : i32
          }
          %scan3A_168 = arith.constant 8 : i32
          %dma_start3A_169 = arith.constant 256 : i32
          %dma_start3A_170 = arith.constant 0 : i32
          %dma_start3A_171 = tpu.memref_slice %arg13[%dma_start3A_169, %dma_start3A_170] : memref<1024x8xf32, #tpu.memory_space<vmem>> -> memref<128x8xf32, #tpu.memory_space<vmem>>
          %dma_start3A_172 = arith.constant 256 : i32
          %dma_start3A_173 = tpu.memref_slice %arg12[%dma_start3A_172] : memref<1024xi32, #tpu.memory_space<vmem>> -> memref<128xi32, #tpu.memory_space<vmem>>
          %dma_start3A_174 = arith.constant 0 : i32
          %dma_start3A_175 = arith.constant 0 : i32
          %dma_start3A_176 = tpu.memref_slice %arg2[%dma_start3A_174, %dma_start3A_175] : memref<160000x8xf32, #tpu.memory_space<hbm>> -> memref<160000x8xf32, #tpu.memory_space<hbm>>
          tpu.enqueue_indirect_dma source(%dma_start3A_176 : memref<160000x8xf32, #tpu.memory_space<hbm>>) target(%dma_start3A_171 : memref<128x8xf32, #tpu.memory_space<vmem>>) offsets(%dma_start3A_173 : memref<128xi32, #tpu.memory_space<vmem>>) semaphore(%arg16 : memref<!tpu.dma_semaphore, #tpu.memory_space<semaphore_mem>>)
          %scan3A_177 = arith.constant 0 : i32
          %scan3A_178 = arith.constant 0 : i32
          %scan3A_179 = arith.constant 8 : i32
          %scan3A_180 = arith.addi %scan3A_178, %scan3A_179 : i32
          %scan3A_181 = arith.constant 1 : i32
          %scan3A_182 = scf.for %scan3A_192 = %scan3A_178 to %scan3A_180 step %scan3A_181 iter_args(%scan3A_193 = %scan3A_177) -> (i32)  : i32 {
            %mul3A_194 = arith.constant 16 : i32
            %mul3A_195 = arith.muli %scan3A_192, %mul3A_194 : i32
            %add3A_196 = arith.constant 384 : i32
            %add3A_197 = arith.addi %add3A_196, %mul3A_195 : i32
            %get3A_198 = arith.index_cast %add3A_197 : i32 to index
            %get3A_199 = tpu.vector_load %arg11[%get3A_198] {strides = array<i32>} : memref<928xi32, #tpu.memory_space<vmem>>, vector<16xi32>,
            %add3A_200 = vector.broadcast %add3A_197 : i32 to vector<16xi32>
            %add3A_201 = arith.addi %add3A_200, %iota3A : vector<16xi32>
            %lt3A_202 = vector.broadcast %while3A_115#1 : i32 to vector<16xi32>
            %lt3A_203 = arith.cmpi slt, %add3A_201, %lt3A_202 : vector<16xi32>
            %select_n3A_204 = arith.select %lt3A_203, %get3A_199, %broadcast_in_dim3A : vector<16xi1>, vector<16xi32>
            %add3A_205 = arith.constant 0 : i32
            %add3A_206 = arith.addi %add3A_205, %add3A_197 : i32
            %swap3A = arith.index_cast %add3A_206 : i32 to index
            %swap3A_207 = tpu.vector_load %arg12[%swap3A] {strides = array<i32>} : memref<1024xi32, #tpu.memory_space<vmem>>, vector<16xi32>,
            tpu.vector_store %arg12[%swap3A], %select_n3A_204 {strides = array<i32>} : memref<1024xi32, #tpu.memory_space<vmem>>, vector<16xi32>,
            %scan3A_208 = arith.constant 0 : i32
            scf.yield %scan3A_208 : i32
          }
          %scan3A_183 = arith.constant 8 : i32
          %dma_start3A_184 = arith.constant 384 : i32
          %dma_start3A_185 = arith.constant 0 : i32
          %dma_start3A_186 = tpu.memref_slice %arg13[%dma_start3A_184, %dma_start3A_185] : memref<1024x8xf32, #tpu.memory_space<vmem>> -> memref<128x8xf32, #tpu.memory_space<vmem>>
          %dma_start3A_187 = arith.constant 384 : i32
          %dma_start3A_188 = tpu.memref_slice %arg12[%dma_start3A_187] : memref<1024xi32, #tpu.memory_space<vmem>> -> memref<128xi32, #tpu.memory_space<vmem>>
          %dma_start3A_189 = arith.constant 0 : i32
          %dma_start3A_190 = arith.constant 0 : i32
          %dma_start3A_191 = tpu.memref_slice %arg2[%dma_start3A_189, %dma_start3A_190] : memref<160000x8xf32, #tpu.memory_space<hbm>> -> memref<160000x8xf32, #tpu.memory_space<hbm>>
          tpu.enqueue_indirect_dma source(%dma_start3A_191 : memref<160000x8xf32, #tpu.memory_space<hbm>>) target(%dma_start3A_186 : memref<128x8xf32, #tpu.memory_space<vmem>>) offsets(%dma_start3A_188 : memref<128xi32, #tpu.memory_space<vmem>>) semaphore(%arg16 : memref<!tpu.dma_semaphore, #tpu.memory_space<semaphore_mem>>)
        } else {
        }
        %eq3A_128 = arith.constant 1 : i32
        %eq3A_129 = arith.cmpi eq, %select_n3A_94, %eq3A_128 : i32
        %convert_element_type3A_130 = arith.extui %eq3A_129 : i1 to i32
        %cond3A_131 = arith.constant 0 : i32
        %cond3A_132 = arith.cmpi ne, %convert_element_type3A_130, %cond3A_131 : i32
        scf.if %cond3A_132 {
          %scan3A_133 = arith.constant 0 : i32
          %scan3A_134 = arith.constant 0 : i32
          %scan3A_135 = arith.constant 8 : i32
          %scan3A_136 = arith.addi %scan3A_134, %scan3A_135 : i32
          %scan3A_137 = arith.constant 1 : i32
          %scan3A_138 = scf.for %scan3A_192 = %scan3A_134 to %scan3A_136 step %scan3A_137 iter_args(%scan3A_193 = %scan3A_133) -> (i32)  : i32 {
            %mul3A_194 = arith.constant 16 : i32
            %mul3A_195 = arith.muli %scan3A_192, %mul3A_194 : i32
            %add3A_196 = arith.constant 0 : i32
            %add3A_197 = arith.addi %add3A_196, %mul3A_195 : i32
            %get3A_198 = arith.index_cast %add3A_197 : i32 to index
            %get3A_199 = tpu.vector_load %arg11[%get3A_198] {strides = array<i32>} : memref<928xi32, #tpu.memory_space<vmem>>, vector<16xi32>,
            %add3A_200 = vector.broadcast %add3A_197 : i32 to vector<16xi32>
            %add3A_201 = arith.addi %add3A_200, %iota3A : vector<16xi32>
            %lt3A_202 = vector.broadcast %while3A_115#1 : i32 to vector<16xi32>
            %lt3A_203 = arith.cmpi slt, %add3A_201, %lt3A_202 : vector<16xi32>
            %select_n3A_204 = arith.select %lt3A_203, %get3A_199, %broadcast_in_dim3A : vector<16xi1>, vector<16xi32>
            %add3A_205 = arith.constant 512 : i32
            %add3A_206 = arith.addi %add3A_205, %add3A_197 : i32
            %swap3A = arith.index_cast %add3A_206 : i32 to index
            %swap3A_207 = tpu.vector_load %arg12[%swap3A] {strides = array<i32>} : memref<1024xi32, #tpu.memory_space<vmem>>, vector<16xi32>,
            tpu.vector_store %arg12[%swap3A], %select_n3A_204 {strides = array<i32>} : memref<1024xi32, #tpu.memory_space<vmem>>, vector<16xi32>,
            %scan3A_208 = arith.constant 0 : i32
            scf.yield %scan3A_208 : i32
          }
          %scan3A_139 = arith.constant 8 : i32
          %dma_start3A = arith.constant 512 : i32
          %dma_start3A_140 = arith.constant 0 : i32
          %dma_start3A_141 = tpu.memref_slice %arg13[%dma_start3A, %dma_start3A_140] : memref<1024x8xf32, #tpu.memory_space<vmem>> -> memref<128x8xf32, #tpu.memory_space<vmem>>
          %dma_start3A_142 = arith.constant 512 : i32
          %dma_start3A_143 = tpu.memref_slice %arg12[%dma_start3A_142] : memref<1024xi32, #tpu.memory_space<vmem>> -> memref<128xi32, #tpu.memory_space<vmem>>
          %dma_start3A_144 = arith.constant 0 : i32
          %dma_start3A_145 = arith.constant 0 : i32
          %dma_start3A_146 = tpu.memref_slice %arg2[%dma_start3A_144, %dma_start3A_145] : memref<160000x8xf32, #tpu.memory_space<hbm>> -> memref<160000x8xf32, #tpu.memory_space<hbm>>
          tpu.enqueue_indirect_dma source(%dma_start3A_146 : memref<160000x8xf32, #tpu.memory_space<hbm>>) target(%dma_start3A_141 : memref<128x8xf32, #tpu.memory_space<vmem>>) offsets(%dma_start3A_143 : memref<128xi32, #tpu.memory_space<vmem>>) semaphore(%arg17 : memref<!tpu.dma_semaphore, #tpu.memory_space<semaphore_mem>>)
          %scan3A_147 = arith.constant 0 : i32
          %scan3A_148 = arith.constant 0 : i32
          %scan3A_149 = arith.constant 8 : i32
          %scan3A_150 = arith.addi %scan3A_148, %scan3A_149 : i32
          %scan3A_151 = arith.constant 1 : i32
          %scan3A_152 = scf.for %scan3A_192 = %scan3A_148 to %scan3A_150 step %scan3A_151 iter_args(%scan3A_193 = %scan3A_147) -> (i32)  : i32 {
            %mul3A_194 = arith.constant 16 : i32
            %mul3A_195 = arith.muli %scan3A_192, %mul3A_194 : i32
            %add3A_196 = arith.constant 128 : i32
            %add3A_197 = arith.addi %add3A_196, %mul3A_195 : i32
            %get3A_198 = arith.index_cast %add3A_197 : i32 to index
            %get3A_199 = tpu.vector_load %arg11[%get3A_198] {strides = array<i32>} : memref<928xi32, #tpu.memory_space<vmem>>, vector<16xi32>,
            %add3A_200 = vector.broadcast %add3A_197 : i32 to vector<16xi32>
            %add3A_201 = arith.addi %add3A_200, %iota3A : vector<16xi32>
            %lt3A_202 = vector.broadcast %while3A_115#1 : i32 to vector<16xi32>
            %lt3A_203 = arith.cmpi slt, %add3A_201, %lt3A_202 : vector<16xi32>
            %select_n3A_204 = arith.select %lt3A_203, %get3A_199, %broadcast_in_dim3A : vector<16xi1>, vector<16xi32>
            %add3A_205 = arith.constant 512 : i32
            %add3A_206 = arith.addi %add3A_205, %add3A_197 : i32
            %swap3A = arith.index_cast %add3A_206 : i32 to index
            %swap3A_207 = tpu.vector_load %arg12[%swap3A] {strides = array<i32>} : memref<1024xi32, #tpu.memory_space<vmem>>, vector<16xi32>,
            tpu.vector_store %arg12[%swap3A], %select_n3A_204 {strides = array<i32>} : memref<1024xi32, #tpu.memory_space<vmem>>, vector<16xi32>,
            %scan3A_208 = arith.constant 0 : i32
            scf.yield %scan3A_208 : i32
          }
          %scan3A_153 = arith.constant 8 : i32
          %dma_start3A_154 = arith.constant 640 : i32
          %dma_start3A_155 = arith.constant 0 : i32
          %dma_start3A_156 = tpu.memref_slice %arg13[%dma_start3A_154, %dma_start3A_155] : memref<1024x8xf32, #tpu.memory_space<vmem>> -> memref<128x8xf32, #tpu.memory_space<vmem>>
          %dma_start3A_157 = arith.constant 640 : i32
          %dma_start3A_158 = tpu.memref_slice %arg12[%dma_start3A_157] : memref<1024xi32, #tpu.memory_space<vmem>> -> memref<128xi32, #tpu.memory_space<vmem>>
          %dma_start3A_159 = arith.constant 0 : i32
          %dma_start3A_160 = arith.constant 0 : i32
          %dma_start3A_161 = tpu.memref_slice %arg2[%dma_start3A_159, %dma_start3A_160] : memref<160000x8xf32, #tpu.memory_space<hbm>> -> memref<160000x8xf32, #tpu.memory_space<hbm>>
          tpu.enqueue_indirect_dma source(%dma_start3A_161 : memref<160000x8xf32, #tpu.memory_space<hbm>>) target(%dma_start3A_156 : memref<128x8xf32, #tpu.memory_space<vmem>>) offsets(%dma_start3A_158 : memref<128xi32, #tpu.memory_space<vmem>>) semaphore(%arg17 : memref<!tpu.dma_semaphore, #tpu.memory_space<semaphore_mem>>)
          %scan3A_162 = arith.constant 0 : i32
          %scan3A_163 = arith.constant 0 : i32
          %scan3A_164 = arith.constant 8 : i32
          %scan3A_165 = arith.addi %scan3A_163, %scan3A_164 : i32
          %scan3A_166 = arith.constant 1 : i32
          %scan3A_167 = scf.for %scan3A_192 = %scan3A_163 to %scan3A_165 step %scan3A_166 iter_args(%scan3A_193 = %scan3A_162) -> (i32)  : i32 {
            %mul3A_194 = arith.constant 16 : i32
            %mul3A_195 = arith.muli %scan3A_192, %mul3A_194 : i32
            %add3A_196 = arith.constant 256 : i32
            %add3A_197 = arith.addi %add3A_196, %mul3A_195 : i32
            %get3A_198 = arith.index_cast %add3A_197 : i32 to index
            %get3A_199 = tpu.vector_load %arg11[%get3A_198] {strides = array<i32>} : memref<928xi32, #tpu.memory_space<vmem>>, vector<16xi32>,
            %add3A_200 = vector.broadcast %add3A_197 : i32 to vector<16xi32>
            %add3A_201 = arith.addi %add3A_200, %iota3A : vector<16xi32>
            %lt3A_202 = vector.broadcast %while3A_115#1 : i32 to vector<16xi32>
            %lt3A_203 = arith.cmpi slt, %add3A_201, %lt3A_202 : vector<16xi32>
            %select_n3A_204 = arith.select %lt3A_203, %get3A_199, %broadcast_in_dim3A : vector<16xi1>, vector<16xi32>
            %add3A_205 = arith.constant 512 : i32
            %add3A_206 = arith.addi %add3A_205, %add3A_197 : i32
            %swap3A = arith.index_cast %add3A_206 : i32 to index
            %swap3A_207 = tpu.vector_load %arg12[%swap3A] {strides = array<i32>} : memref<1024xi32, #tpu.memory_space<vmem>>, vector<16xi32>,
            tpu.vector_store %arg12[%swap3A], %select_n3A_204 {strides = array<i32>} : memref<1024xi32, #tpu.memory_space<vmem>>, vector<16xi32>,
            %scan3A_208 = arith.constant 0 : i32
            scf.yield %scan3A_208 : i32
          }
          %scan3A_168 = arith.constant 8 : i32
          %dma_start3A_169 = arith.constant 768 : i32
          %dma_start3A_170 = arith.constant 0 : i32
          %dma_start3A_171 = tpu.memref_slice %arg13[%dma_start3A_169, %dma_start3A_170] : memref<1024x8xf32, #tpu.memory_space<vmem>> -> memref<128x8xf32, #tpu.memory_space<vmem>>
          %dma_start3A_172 = arith.constant 768 : i32
          %dma_start3A_173 = tpu.memref_slice %arg12[%dma_start3A_172] : memref<1024xi32, #tpu.memory_space<vmem>> -> memref<128xi32, #tpu.memory_space<vmem>>
          %dma_start3A_174 = arith.constant 0 : i32
          %dma_start3A_175 = arith.constant 0 : i32
          %dma_start3A_176 = tpu.memref_slice %arg2[%dma_start3A_174, %dma_start3A_175] : memref<160000x8xf32, #tpu.memory_space<hbm>> -> memref<160000x8xf32, #tpu.memory_space<hbm>>
          tpu.enqueue_indirect_dma source(%dma_start3A_176 : memref<160000x8xf32, #tpu.memory_space<hbm>>) target(%dma_start3A_171 : memref<128x8xf32, #tpu.memory_space<vmem>>) offsets(%dma_start3A_173 : memref<128xi32, #tpu.memory_space<vmem>>) semaphore(%arg17 : memref<!tpu.dma_semaphore, #tpu.memory_space<semaphore_mem>>)
          %scan3A_177 = arith.constant 0 : i32
          %scan3A_178 = arith.constant 0 : i32
          %scan3A_179 = arith.constant 8 : i32
          %scan3A_180 = arith.addi %scan3A_178, %scan3A_179 : i32
          %scan3A_181 = arith.constant 1 : i32
          %scan3A_182 = scf.for %scan3A_192 = %scan3A_178 to %scan3A_180 step %scan3A_181 iter_args(%scan3A_193 = %scan3A_177) -> (i32)  : i32 {
            %mul3A_194 = arith.constant 16 : i32
            %mul3A_195 = arith.muli %scan3A_192, %mul3A_194 : i32
            %add3A_196 = arith.constant 384 : i32
            %add3A_197 = arith.addi %add3A_196, %mul3A_195 : i32
            %get3A_198 = arith.index_cast %add3A_197 : i32 to index
            %get3A_199 = tpu.vector_load %arg11[%get3A_198] {strides = array<i32>} : memref<928xi32, #tpu.memory_space<vmem>>, vector<16xi32>,
            %add3A_200 = vector.broadcast %add3A_197 : i32 to vector<16xi32>
            %add3A_201 = arith.addi %add3A_200, %iota3A : vector<16xi32>
            %lt3A_202 = vector.broadcast %while3A_115#1 : i32 to vector<16xi32>
            %lt3A_203 = arith.cmpi slt, %add3A_201, %lt3A_202 : vector<16xi32>
            %select_n3A_204 = arith.select %lt3A_203, %get3A_199, %broadcast_in_dim3A : vector<16xi1>, vector<16xi32>
            %add3A_205 = arith.constant 512 : i32
            %add3A_206 = arith.addi %add3A_205, %add3A_197 : i32
            %swap3A = arith.index_cast %add3A_206 : i32 to index
            %swap3A_207 = tpu.vector_load %arg12[%swap3A] {strides = array<i32>} : memref<1024xi32, #tpu.memory_space<vmem>>, vector<16xi32>,
            tpu.vector_store %arg12[%swap3A], %select_n3A_204 {strides = array<i32>} : memref<1024xi32, #tpu.memory_space<vmem>>, vector<16xi32>,
            %scan3A_208 = arith.constant 0 : i32
            scf.yield %scan3A_208 : i32
          }
          %scan3A_183 = arith.constant 8 : i32
          %dma_start3A_184 = arith.constant 896 : i32
          %dma_start3A_185 = arith.constant 0 : i32
          %dma_start3A_186 = tpu.memref_slice %arg13[%dma_start3A_184, %dma_start3A_185] : memref<1024x8xf32, #tpu.memory_space<vmem>> -> memref<128x8xf32, #tpu.memory_space<vmem>>
          %dma_start3A_187 = arith.constant 896 : i32
          %dma_start3A_188 = tpu.memref_slice %arg12[%dma_start3A_187] : memref<1024xi32, #tpu.memory_space<vmem>> -> memref<128xi32, #tpu.memory_space<vmem>>
          %dma_start3A_189 = arith.constant 0 : i32
          %dma_start3A_190 = arith.constant 0 : i32
          %dma_start3A_191 = tpu.memref_slice %arg2[%dma_start3A_189, %dma_start3A_190] : memref<160000x8xf32, #tpu.memory_space<hbm>> -> memref<160000x8xf32, #tpu.memory_space<hbm>>
          tpu.enqueue_indirect_dma source(%dma_start3A_191 : memref<160000x8xf32, #tpu.memory_space<hbm>>) target(%dma_start3A_186 : memref<128x8xf32, #tpu.memory_space<vmem>>) offsets(%dma_start3A_188 : memref<128xi32, #tpu.memory_space<vmem>>) semaphore(%arg17 : memref<!tpu.dma_semaphore, #tpu.memory_space<semaphore_mem>>)
        } else {
        }
      } else {
      }
      %gt3A = arith.constant 1 : i32
      %gt3A_98 = arith.cmpi sgt, %scan3A_78, %gt3A : i32
      %convert_element_type3A_99 = arith.extui %gt3A_98 : i1 to i32
      %cond3A_100 = arith.constant 0 : i32
      %cond3A_101 = arith.cmpi ne, %convert_element_type3A_99, %cond3A_100 : i32
      scf.if %cond3A_101 {
        %mul3A_107 = arith.constant 512 : i32
        %mul3A_108 = arith.muli %select_n3A_94, %mul3A_107 : i32
        %mul3A_109 = arith.constant 3 : i32
        %mul3A_110 = arith.muli %mul3A_108, %mul3A_109 : i32
        %dma_wait3A_111 = tpu.memref_slice %arg14[%mul3A_110] : memref<3072xf32, #tpu.memory_space<vmem>> -> memref<1536xf32, #tpu.memory_space<vmem>>
        %dma_wait3A_112 = arith.constant 0 : i32
        %dma_wait3A_113 = tpu.memref_slice %arg5[%dma_wait3A_112] : memref<3145728xf32, #tpu.memory_space<hbm>> -> memref<1536xf32, #tpu.memory_space<hbm>>
        %dma_wait3A_114 = tpu.memref_slice %arg14[%mul3A_110] : memref<3072xf32, #tpu.memory_space<vmem>> -> memref<1536xf32, #tpu.memory_space<vmem>>
        %dma_wait3A_115 = arith.constant 0 : i32
        %dma_wait3A_116 = tpu.memref_slice %arg5[%dma_wait3A_115] : memref<3145728xf32, #tpu.memory_space<hbm>> -> memref<1536xf32, #tpu.memory_space<hbm>>
        tpu.wait_dma2 semaphore(%arg18 : memref<!tpu.dma_semaphore, #tpu.memory_space<semaphore_mem>>) src(%dma_wait3A_116 : memref<1536xf32, #tpu.memory_space<hbm>>) dst(%dma_wait3A_114 : memref<1536xf32, #tpu.memory_space<vmem>>)
        %mul3A_117 = arith.constant 5 : i32
        %mul3A_118 = arith.muli %select_n3A_94, %mul3A_117 : i32
        %mul3A_119 = arith.constant 512 : i32
        %mul3A_120 = arith.muli %mul3A_118, %mul3A_119 : i32
        %dma_wait3A_121 = tpu.memref_slice %arg15[%mul3A_120] : memref<5120xf32, #tpu.memory_space<vmem>> -> memref<2560xf32, #tpu.memory_space<vmem>>
        %dma_wait3A_122 = arith.constant 0 : i32
        %dma_wait3A_123 = tpu.memref_slice %arg6[%dma_wait3A_122] : memref<5242880xf32, #tpu.memory_space<hbm>> -> memref<2560xf32, #tpu.memory_space<hbm>>
        %dma_wait3A_124 = tpu.memref_slice %arg15[%mul3A_120] : memref<5120xf32, #tpu.memory_space<vmem>> -> memref<2560xf32, #tpu.memory_space<vmem>>
        %dma_wait3A_125 = arith.constant 0 : i32
        %dma_wait3A_126 = tpu.memref_slice %arg6[%dma_wait3A_125] : memref<5242880xf32, #tpu.memory_space<hbm>> -> memref<2560xf32, #tpu.memory_space<hbm>>
        tpu.wait_dma2 semaphore(%arg18 : memref<!tpu.dma_semaphore, #tpu.memory_space<semaphore_mem>>) src(%dma_wait3A_126 : memref<2560xf32, #tpu.memory_space<hbm>>) dst(%dma_wait3A_124 : memref<2560xf32, #tpu.memory_space<vmem>>)
      } else {
      }
      %gt3A_102 = arith.constant 0 : i32
      %gt3A_103 = arith.cmpi sgt, %scan3A_78, %gt3A_102 : i32
      %convert_element_type3A_104 = arith.extui %gt3A_103 : i1 to i32
      %cond3A_105 = arith.constant 0 : i32
      %cond3A_106 = arith.cmpi ne, %convert_element_type3A_104, %cond3A_105 : i32
      scf.if %cond3A_106 {
        %sub3A_107 = arith.constant 1 : i32
        %sub3A_108 = arith.subi %scan3A_78, %sub3A_107 : i32
        %jit3A_109 = arith.constant 2 : i32
        %eq3A_110 = arith.constant 0 : i32
        %eq3A_111 = arith.cmpi eq, %jit3A_109, %eq3A_110 : i32
        %jit3A_112 = arith.constant 1 : i32
        %select_n3A_113 = arith.select %eq3A_111, %jit3A_112, %jit3A_109 : i32
        %rem3A_114 = arith.remsi %sub3A_108, %select_n3A_113 : i32
        %ne3A_115 = arith.constant 0 : i32
        %ne3A_116 = arith.cmpi ne, %rem3A_114, %ne3A_115 : i32
        %lt3A_117 = arith.constant 0 : i32
        %lt3A_118 = arith.cmpi slt, %rem3A_114, %lt3A_117 : i32
        %lt3A_119 = arith.constant 0 : i32
        %lt3A_120 = arith.cmpi slt, %select_n3A_113, %lt3A_119 : i32
        %ne3A_121 = arith.xori %lt3A_118, %lt3A_120 : i1
        %and3A_122 = arith.andi %ne3A_121, %ne3A_116 : i1
        %add3A_123 = arith.addi %rem3A_114, %select_n3A_113 : i32
        %select_n3A_124 = arith.select %and3A_122, %add3A_123, %rem3A_114 : i32
        %eq3A_125 = arith.constant 0 : i32
        %eq3A_126 = arith.cmpi eq, %select_n3A_124, %eq3A_125 : i32
        %convert_element_type3A_127 = arith.extui %eq3A_126 : i1 to i32
        %cond3A_128 = arith.constant 0 : i32
        %cond3A_129 = arith.cmpi ne, %convert_element_type3A_127, %cond3A_128 : i32
        scf.if %cond3A_129 {
          %dma_wait3A_251 = arith.constant 0 : i32
          %dma_wait3A_252 = arith.constant 0 : i32
          %dma_wait3A_253 = tpu.memref_slice %arg13[%dma_wait3A_251, %dma_wait3A_252] : memref<1024x8xf32, #tpu.memory_space<vmem>> -> memref<512x8xf32, #tpu.memory_space<vmem>>
          %dma_wait3A_254 = arith.constant 0 : i32
          %dma_wait3A_255 = arith.constant 0 : i32
          %dma_wait3A_256 = tpu.memref_slice %arg2[%dma_wait3A_254, %dma_wait3A_255] : memref<160000x8xf32, #tpu.memory_space<hbm>> -> memref<512x8xf32, #tpu.memory_space<hbm>>
          %dma_wait3A_257 = arith.constant 0 : i32
          %dma_wait3A_258 = arith.constant 0 : i32
          %dma_wait3A_259 = tpu.memref_slice %arg13[%dma_wait3A_257, %dma_wait3A_258] : memref<1024x8xf32, #tpu.memory_space<vmem>> -> memref<512x8xf32, #tpu.memory_space<vmem>>
          %dma_wait3A_260 = arith.constant 0 : i32
          %dma_wait3A_261 = arith.constant 0 : i32
          %dma_wait3A_262 = tpu.memref_slice %arg2[%dma_wait3A_260, %dma_wait3A_261] : memref<160000x8xf32, #tpu.memory_space<hbm>> -> memref<512x8xf32, #tpu.memory_space<hbm>>
          tpu.wait_dma2 semaphore(%arg16 : memref<!tpu.dma_semaphore, #tpu.memory_space<semaphore_mem>>) src(%dma_wait3A_262 : memref<512x8xf32, #tpu.memory_space<hbm>>) dst(%dma_wait3A_259 : memref<512x8xf32, #tpu.memory_space<vmem>>)
        } else {
        }
        %eq3A_130 = arith.constant 1 : i32
        %eq3A_131 = arith.cmpi eq, %select_n3A_124, %eq3A_130 : i32
        %convert_element_type3A_132 = arith.extui %eq3A_131 : i1 to i32
        %cond3A_133 = arith.constant 0 : i32
        %cond3A_134 = arith.cmpi ne, %convert_element_type3A_132, %cond3A_133 : i32
        scf.if %cond3A_134 {
          %dma_wait3A_251 = arith.constant 512 : i32
          %dma_wait3A_252 = arith.constant 0 : i32
          %dma_wait3A_253 = tpu.memref_slice %arg13[%dma_wait3A_251, %dma_wait3A_252] : memref<1024x8xf32, #tpu.memory_space<vmem>> -> memref<512x8xf32, #tpu.memory_space<vmem>>
          %dma_wait3A_254 = arith.constant 0 : i32
          %dma_wait3A_255 = arith.constant 0 : i32
          %dma_wait3A_256 = tpu.memref_slice %arg2[%dma_wait3A_254, %dma_wait3A_255] : memref<160000x8xf32, #tpu.memory_space<hbm>> -> memref<512x8xf32, #tpu.memory_space<hbm>>
          %dma_wait3A_257 = arith.constant 512 : i32
          %dma_wait3A_258 = arith.constant 0 : i32
          %dma_wait3A_259 = tpu.memref_slice %arg13[%dma_wait3A_257, %dma_wait3A_258] : memref<1024x8xf32, #tpu.memory_space<vmem>> -> memref<512x8xf32, #tpu.memory_space<vmem>>
          %dma_wait3A_260 = arith.constant 0 : i32
          %dma_wait3A_261 = arith.constant 0 : i32
          %dma_wait3A_262 = tpu.memref_slice %arg2[%dma_wait3A_260, %dma_wait3A_261] : memref<160000x8xf32, #tpu.memory_space<hbm>> -> memref<512x8xf32, #tpu.memory_space<hbm>>
          tpu.wait_dma2 semaphore(%arg17 : memref<!tpu.dma_semaphore, #tpu.memory_space<semaphore_mem>>) src(%dma_wait3A_262 : memref<512x8xf32, #tpu.memory_space<hbm>>) dst(%dma_wait3A_259 : memref<512x8xf32, #tpu.memory_space<vmem>>)
        } else {
        }
        %sub3A_135 = arith.constant 1 : i32
        %sub3A_136 = arith.subi %scan3A_78, %sub3A_135 : i32
        %mul3A_137 = arith.constant 16 : i32
        %mul3A_138 = arith.muli %sub3A_136, %mul3A_137 : i32
        %get3A = arith.index_cast %mul3A_138 : i32 to index
        %get3A_139 = tpu.vector_load %arg10[%get3A] {strides = array<i32>} : memref<1024xf32, #tpu.memory_space<vmem>>, vector<16xf32>,
        %slice3A = vector.extract_strided_slice %get3A_139 {offsets = [0], sizes = [1], strides = [1]} : vector<16xf32> to vector<1xf32>
        %squeeze3A = vector.extract %slice3A[0] : f32 from vector<1xf32>
        %slice3A_140 = vector.extract_strided_slice %get3A_139 {offsets = [1], sizes = [1], strides = [1]} : vector<16xf32> to vector<1xf32>
        %squeeze3A_141 = vector.extract %slice3A_140[0] : f32 from vector<1xf32>
        %slice3A_142 = vector.extract_strided_slice %get3A_139 {offsets = [2], sizes = [1], strides = [1]} : vector<16xf32> to vector<1xf32>
        %squeeze3A_143 = vector.extract %slice3A_142[0] : f32 from vector<1xf32>
        %slice3A_144 = vector.extract_strided_slice %get3A_139 {offsets = [3], sizes = [1], strides = [1]} : vector<16xf32> to vector<1xf32>
        %squeeze3A_145 = vector.extract %slice3A_144[0] : f32 from vector<1xf32>
        %slice3A_146 = vector.extract_strided_slice %get3A_139 {offsets = [4], sizes = [1], strides = [1]} : vector<16xf32> to vector<1xf32>
        %squeeze3A_147 = vector.extract %slice3A_146[0] : f32 from vector<1xf32>
        %mul3A_148 = arith.constant 512 : i32
        %mul3A_149 = arith.muli %select_n3A_124, %mul3A_148 : i32
        %mul3A_150 = arith.constant 512 : i32
        %mul3A_151 = arith.muli %select_n3A_124, %mul3A_150 : i32
        %mul3A_152 = arith.constant 3 : i32
        %mul3A_153 = arith.muli %mul3A_151, %mul3A_152 : i32
        %mul3A_154 = arith.constant 5 : i32
        %mul3A_155 = arith.muli %select_n3A_124, %mul3A_154 : i32
        %mul3A_156 = arith.constant 512 : i32
        %mul3A_157 = arith.muli %mul3A_155, %mul3A_156 : i32
        %scan3A_158 = arith.constant 0 : i32
        %scan3A_159 = arith.constant 0 : i32
        %scan3A_160 = arith.constant 32 : i32
        %scan3A_161 = arith.addi %scan3A_159, %scan3A_160 : i32
        %scan3A_162 = arith.constant 1 : i32
        %scan3A_163 = scf.for %scan3A_251 = %scan3A_159 to %scan3A_161 step %scan3A_162 iter_args(%scan3A_252 = %scan3A_158) -> (i32)  : i32 {
          %mul3A_253 = arith.constant 16 : i32
          %mul3A_254 = arith.muli %scan3A_251, %mul3A_253 : i32
          %add3A_255 = vector.broadcast %mul3A_254 : i32 to vector<16xi32>
          %add3A_256 = arith.addi %add3A_255, %iota3A : vector<16xi32>
          %add3A_257 = vector.broadcast %mul3A_149 : i32 to vector<16xi32>
          %add3A_258 = arith.addi %add3A_257, %add3A_256 : vector<16xi32>
          %broadcast_in_dim3A = arith.constant 0 : i32
          %broadcast_in_dim3A_259 = vector.broadcast %broadcast_in_dim3A : i32 to vector<16xi32>
          %gather3A = tpu.vector_load_idx %arg13[%add3A_258, %broadcast_in_dim3A_259] : memref<1024x8xf32, #tpu.memory_space<vmem>>[vector<16xi32>, vector<16xi32>], vector<16xf32>,
          %add3A_260 = vector.broadcast %mul3A_149 : i32 to vector<16xi32>
          %add3A_261 = arith.addi %add3A_260, %add3A_256 : vector<16xi32>
          %broadcast_in_dim3A_262 = arith.constant 1 : i32
          %broadcast_in_dim3A_263 = vector.broadcast %broadcast_in_dim3A_262 : i32 to vector<16xi32>
          %gather3A_264 = tpu.vector_load_idx %arg13[%add3A_261, %broadcast_in_dim3A_263] : memref<1024x8xf32, #tpu.memory_space<vmem>>[vector<16xi32>, vector<16xi32>], vector<16xf32>,
          %add3A_265 = vector.broadcast %mul3A_149 : i32 to vector<16xi32>
          %add3A_266 = arith.addi %add3A_265, %add3A_256 : vector<16xi32>
          %broadcast_in_dim3A_267 = arith.constant 2 : i32
          %broadcast_in_dim3A_268 = vector.broadcast %broadcast_in_dim3A_267 : i32 to vector<16xi32>
          %gather3A_269 = tpu.vector_load_idx %arg13[%add3A_266, %broadcast_in_dim3A_268] : memref<1024x8xf32, #tpu.memory_space<vmem>>[vector<16xi32>, vector<16xi32>], vector<16xf32>,
          %add3A_270 = vector.broadcast %mul3A_149 : i32 to vector<16xi32>
          %add3A_271 = arith.addi %add3A_270, %add3A_256 : vector<16xi32>
          %broadcast_in_dim3A_272 = arith.constant 3 : i32
          %broadcast_in_dim3A_273 = vector.broadcast %broadcast_in_dim3A_272 : i32 to vector<16xi32>
          %gather3A_274 = tpu.vector_load_idx %arg13[%add3A_271, %broadcast_in_dim3A_273] : memref<1024x8xf32, #tpu.memory_space<vmem>>[vector<16xi32>, vector<16xi32>], vector<16xf32>,
          %add3A_275 = vector.broadcast %mul3A_149 : i32 to vector<16xi32>
          %add3A_276 = arith.addi %add3A_275, %add3A_256 : vector<16xi32>
          %broadcast_in_dim3A_277 = arith.constant 4 : i32
          %broadcast_in_dim3A_278 = vector.broadcast %broadcast_in_dim3A_277 : i32 to vector<16xi32>
          %gather3A_279 = tpu.vector_load_idx %arg13[%add3A_276, %broadcast_in_dim3A_278] : memref<1024x8xf32, #tpu.memory_space<vmem>>[vector<16xi32>, vector<16xi32>], vector<16xf32>,
          %add3A_280 = vector.broadcast %mul3A_149 : i32 to vector<16xi32>
          %add3A_281 = arith.addi %add3A_280, %add3A_256 : vector<16xi32>
          %broadcast_in_dim3A_282 = arith.constant 5 : i32
          %broadcast_in_dim3A_283 = vector.broadcast %broadcast_in_dim3A_282 : i32 to vector<16xi32>
          %gather3A_284 = tpu.vector_load_idx %arg13[%add3A_281, %broadcast_in_dim3A_283] : memref<1024x8xf32, #tpu.memory_space<vmem>>[vector<16xi32>, vector<16xi32>], vector<16xf32>,
          %add3A_285 = vector.broadcast %mul3A_149 : i32 to vector<16xi32>
          %add3A_286 = arith.addi %add3A_285, %add3A_256 : vector<16xi32>
          %broadcast_in_dim3A_287 = arith.constant 6 : i32
          %broadcast_in_dim3A_288 = vector.broadcast %broadcast_in_dim3A_287 : i32 to vector<16xi32>
          %gather3A_289 = tpu.vector_load_idx %arg13[%add3A_286, %broadcast_in_dim3A_288] : memref<1024x8xf32, #tpu.memory_space<vmem>>[vector<16xi32>, vector<16xi32>], vector<16xf32>,
          %add3A_290 = vector.broadcast %mul3A_149 : i32 to vector<16xi32>
          %add3A_291 = arith.addi %add3A_290, %add3A_256 : vector<16xi32>
          %broadcast_in_dim3A_292 = arith.constant 7 : i32
          %broadcast_in_dim3A_293 = vector.broadcast %broadcast_in_dim3A_292 : i32 to vector<16xi32>
          %gather3A_294 = tpu.vector_load_idx %arg13[%add3A_291, %broadcast_in_dim3A_293] : memref<1024x8xf32, #tpu.memory_space<vmem>>[vector<16xi32>, vector<16xi32>], vector<16xf32>,
          %sub3A_295 = vector.broadcast %squeeze3A : f32 to vector<16xf32>
          %sub3A_296 = arith.subf %gather3A, %sub3A_295 : vector<16xf32>
          %mul3A_297 = arith.constant 1.000000e+00 : f32
          %mul3A_298 = vector.broadcast %mul3A_297 : f32 to vector<16xf32>
          %mul3A_299 = arith.mulf %sub3A_296, %mul3A_298 : vector<16xf32>
          %sub3A_300 = vector.broadcast %squeeze3A_141 : f32 to vector<16xf32>
          %sub3A_301 = arith.subf %gather3A_264, %sub3A_300 : vector<16xf32>
          %mul3A_302 = arith.constant 1.000000e+00 : f32
          %mul3A_303 = vector.broadcast %mul3A_302 : f32 to vector<16xf32>
          %mul3A_304 = arith.mulf %sub3A_301, %mul3A_303 : vector<16xf32>
          %sub3A_305 = vector.broadcast %squeeze3A_143 : f32 to vector<16xf32>
          %sub3A_306 = arith.subf %gather3A_269, %sub3A_305 : vector<16xf32>
          %mul3A_307 = arith.constant 1.000000e+00 : f32
          %mul3A_308 = vector.broadcast %mul3A_307 : f32 to vector<16xf32>
          %mul3A_309 = arith.mulf %sub3A_306, %mul3A_308 : vector<16xf32>
          %mul3A_310 = vector.broadcast %squeeze3A_145 : f32 to vector<16xf32>
          %mul3A_311 = arith.mulf %mul3A_310, %mul3A_299 : vector<16xf32>
          %mul3A_312 = vector.broadcast %squeeze3A_147 : f32 to vector<16xf32>
          %mul3A_313 = arith.mulf %mul3A_312, %mul3A_304 : vector<16xf32>
          %add3A_314 = arith.addf %mul3A_311, %mul3A_313 : vector<16xf32>
          %mul3A_315 = vector.broadcast %squeeze3A_145 : f32 to vector<16xf32>
          %mul3A_316 = arith.mulf %mul3A_315, %mul3A_304 : vector<16xf32>
          %mul3A_317 = vector.broadcast %squeeze3A_147 : f32 to vector<16xf32>
          %mul3A_318 = arith.mulf %mul3A_317, %mul3A_299 : vector<16xf32>
          %sub3A_319 = arith.subf %mul3A_316, %mul3A_318 : vector<16xf32>
          %mul3A_320 = arith.constant 3 : i32
          %mul3A_321 = vector.broadcast %mul3A_320 : i32 to vector<16xi32>
          %mul3A_322 = arith.muli %add3A_256, %mul3A_321 : vector<16xi32>
          %add3A_323 = vector.broadcast %mul3A_153 : i32 to vector<16xi32>
          %add3A_324 = arith.addi %add3A_323, %mul3A_322 : vector<16xi32>
          tpu.vector_store_idx %arg14[%add3A_324], %add3A_314 : memref<3072xf32, #tpu.memory_space<vmem>>[vector<16xi32>], vector<16xf32>,
          %add3A_325 = arith.constant 1 : i32
          %add3A_326 = vector.broadcast %add3A_325 : i32 to vector<16xi32>
          %add3A_327 = arith.addi %add3A_324, %add3A_326 : vector<16xi32>
          tpu.vector_store_idx %arg14[%add3A_327], %sub3A_319 : memref<3072xf32, #tpu.memory_space<vmem>>[vector<16xi32>], vector<16xf32>,
          %add3A_328 = arith.constant 2 : i32
          %add3A_329 = vector.broadcast %add3A_328 : i32 to vector<16xi32>
          %add3A_330 = arith.addi %add3A_324, %add3A_329 : vector<16xi32>
          tpu.vector_store_idx %arg14[%add3A_330], %mul3A_309 : memref<3072xf32, #tpu.memory_space<vmem>>[vector<16xi32>], vector<16xf32>,
          %add3A_331 = arith.constant 0 : i32
          %add3A_332 = arith.addi %mul3A_157, %add3A_331 : i32
          %mul3A_333 = arith.constant 16 : i32
          %mul3A_334 = arith.muli %scan3A_251, %mul3A_333 : i32
          %add3A_335 = arith.addi %add3A_332, %mul3A_334 : i32
          %swap3A = arith.index_cast %add3A_335 : i32 to index
          %swap3A_336 = tpu.vector_load %arg15[%swap3A] {strides = array<i32>} : memref<5120xf32, #tpu.memory_space<vmem>>, vector<16xf32>,
          tpu.vector_store %arg15[%swap3A], %gather3A_274 {strides = array<i32>} : memref<5120xf32, #tpu.memory_space<vmem>>, vector<16xf32>,
          %add3A_337 = arith.constant 512 : i32
          %add3A_338 = arith.addi %mul3A_157, %add3A_337 : i32
          %mul3A_339 = arith.constant 16 : i32
          %mul3A_340 = arith.muli %scan3A_251, %mul3A_339 : i32
          %add3A_341 = arith.addi %add3A_338, %mul3A_340 : i32
          %swap3A_342 = arith.index_cast %add3A_341 : i32 to index
          %swap3A_343 = tpu.vector_load %arg15[%swap3A_342] {strides = array<i32>} : memref<5120xf32, #tpu.memory_space<vmem>>, vector<16xf32>,
          tpu.vector_store %arg15[%swap3A_342], %gather3A_279 {strides = array<i32>} : memref<5120xf32, #tpu.memory_space<vmem>>, vector<16xf32>,
          %add3A_344 = arith.constant 1024 : i32
          %add3A_345 = arith.addi %mul3A_157, %add3A_344 : i32
          %mul3A_346 = arith.constant 16 : i32
          %mul3A_347 = arith.muli %scan3A_251, %mul3A_346 : i32
          %add3A_348 = arith.addi %add3A_345, %mul3A_347 : i32
          %swap3A_349 = arith.index_cast %add3A_348 : i32 to index
          %swap3A_350 = tpu.vector_load %arg15[%swap3A_349] {strides = array<i32>} : memref<5120xf32, #tpu.memory_space<vmem>>, vector<16xf32>,
          tpu.vector_store %arg15[%swap3A_349], %gather3A_284 {strides = array<i32>} : memref<5120xf32, #tpu.memory_space<vmem>>, vector<16xf32>,
          %add3A_351 = arith.constant 1536 : i32
          %add3A_352 = arith.addi %mul3A_157, %add3A_351 : i32
          %mul3A_353 = arith.constant 16 : i32
          %mul3A_354 = arith.muli %scan3A_251, %mul3A_353 : i32
          %add3A_355 = arith.addi %add3A_352, %mul3A_354 : i32
          %swap3A_356 = arith.index_cast %add3A_355 : i32 to index
          %swap3A_357 = tpu.vector_load %arg15[%swap3A_356] {strides = array<i32>} : memref<5120xf32, #tpu.memory_space<vmem>>, vector<16xf32>,
          tpu.vector_store %arg15[%swap3A_356], %gather3A_289 {strides = array<i32>} : memref<5120xf32, #tpu.memory_space<vmem>>, vector<16xf32>,
          %add3A_358 = arith.constant 2048 : i32
          %add3A_359 = arith.addi %mul3A_157, %add3A_358 : i32
          %mul3A_360 = arith.constant 16 : i32
          %mul3A_361 = arith.muli %scan3A_251, %mul3A_360 : i32
          %add3A_362 = arith.addi %add3A_359, %mul3A_361 : i32
          %swap3A_363 = arith.index_cast %add3A_362 : i32 to index
          %swap3A_364 = tpu.vector_load %arg15[%swap3A_363] {strides = array<i32>} : memref<5120xf32, #tpu.memory_space<vmem>>, vector<16xf32>,
          tpu.vector_store %arg15[%swap3A_363], %gather3A_294 {strides = array<i32>} : memref<5120xf32, #tpu.memory_space<vmem>>, vector<16xf32>,
          %scan3A_365 = arith.constant 0 : i32
          scf.yield %scan3A_365 : i32
        }
        %scan3A_164 = arith.constant 32 : i32
        %add3A_165 = arith.addi %mul3A_32, %sub3A_136 : i32
        %mul3A_166 = arith.constant 8 : i32
        %mul3A_167 = arith.muli %add3A_165, %mul3A_166 : i32
        %add3A_168 = arith.addi %mul3A_167, %select_n3A : i32
        %mul3A_169 = arith.constant 512 : i32
        %mul3A_170 = arith.muli %add3A_168, %mul3A_169 : i32
        %mul3A_171 = arith.constant 3 : i32
        %mul3A_172 = arith.muli %mul3A_170, %mul3A_171 : i32
        %dma_start3A = tpu.memref_slice %arg14[%mul3A_153] : memref<3072xf32, #tpu.memory_space<vmem>> -> memref<1536xf32, #tpu.memory_space<vmem>>
        %dma_start3A_173 = tpu.memref_slice %arg5[%mul3A_172] : memref<3145728xf32, #tpu.memory_space<hbm>> -> memref<1536xf32, #tpu.memory_space<hbm>>
        %dma_start3A_174 = tpu.memref_slice %arg5[%mul3A_172] : memref<3145728xf32, #tpu.memory_space<hbm>> -> memref<1536xf32, #tpu.memory_space<hbm>>
        %dma_start3A_175 = tpu.memref_slice %arg14[%mul3A_153] : memref<3072xf32, #tpu.memory_space<vmem>> -> memref<1536xf32, #tpu.memory_space<vmem>>
        tpu.enqueue_dma source(%dma_start3A_175 : memref<1536xf32, #tpu.memory_space<vmem>>) target(%dma_start3A_174 : memref<1536xf32, #tpu.memory_space<hbm>>) target_semaphore(%arg18 : memref<!tpu.dma_semaphore, #tpu.memory_space<semaphore_mem>>)
        %add3A_176 = arith.constant 0 : i32
        %add3A_177 = arith.addi %mul3A_157, %add3A_176 : i32
        %mul3A_178 = arith.constant 5 : i32
        %mul3A_179 = arith.muli %select_n3A, %mul3A_178 : i32
        %add3A_180 = arith.constant 0 : i32
        %add3A_181 = arith.addi %mul3A_179, %add3A_180 : i32
        %mul3A_182 = arith.constant 256 : i32
        %mul3A_183 = arith.muli %add3A_181, %mul3A_182 : i32
        %add3A_184 = arith.addi %mul3A_183, %add3A_165 : i32
        %mul3A_185 = arith.constant 512 : i32
        %mul3A_186 = arith.muli %add3A_184, %mul3A_185 : i32
        %dma_start3A_187 = tpu.memref_slice %arg15[%add3A_177] : memref<5120xf32, #tpu.memory_space<vmem>> -> memref<512xf32, #tpu.memory_space<vmem>>
        %dma_start3A_188 = tpu.memref_slice %arg6[%mul3A_186] : memref<5242880xf32, #tpu.memory_space<hbm>> -> memref<512xf32, #tpu.memory_space<hbm>>
        %dma_start3A_189 = tpu.memref_slice %arg6[%mul3A_186] : memref<5242880xf32, #tpu.memory_space<hbm>> -> memref<512xf32, #tpu.memory_space<hbm>>
        %dma_start3A_190 = tpu.memref_slice %arg15[%add3A_177] : memref<5120xf32, #tpu.memory_space<vmem>> -> memref<512xf32, #tpu.memory_space<vmem>>
        tpu.enqueue_dma source(%dma_start3A_190 : memref<512xf32, #tpu.memory_space<vmem>>) target(%dma_start3A_189 : memref<512xf32, #tpu.memory_space<hbm>>) target_semaphore(%arg18 : memref<!tpu.dma_semaphore, #tpu.memory_space<semaphore_mem>>)
        %add3A_191 = arith.constant 512 : i32
        %add3A_192 = arith.addi %mul3A_157, %add3A_191 : i32
        %mul3A_193 = arith.constant 5 : i32
        %mul3A_194 = arith.muli %select_n3A, %mul3A_193 : i32
        %add3A_195 = arith.constant 1 : i32
        %add3A_196 = arith.addi %mul3A_194, %add3A_195 : i32
        %mul3A_197 = arith.constant 256 : i32
        %mul3A_198 = arith.muli %add3A_196, %mul3A_197 : i32
        %add3A_199 = arith.addi %mul3A_198, %add3A_165 : i32
        %mul3A_200 = arith.constant 512 : i32
        %mul3A_201 = arith.muli %add3A_199, %mul3A_200 : i32
        %dma_start3A_202 = tpu.memref_slice %arg15[%add3A_192] : memref<5120xf32, #tpu.memory_space<vmem>> -> memref<512xf32, #tpu.memory_space<vmem>>
        %dma_start3A_203 = tpu.memref_slice %arg6[%mul3A_201] : memref<5242880xf32, #tpu.memory_space<hbm>> -> memref<512xf32, #tpu.memory_space<hbm>>
        %dma_start3A_204 = tpu.memref_slice %arg6[%mul3A_201] : memref<5242880xf32, #tpu.memory_space<hbm>> -> memref<512xf32, #tpu.memory_space<hbm>>
        %dma_start3A_205 = tpu.memref_slice %arg15[%add3A_192] : memref<5120xf32, #tpu.memory_space<vmem>> -> memref<512xf32, #tpu.memory_space<vmem>>
        tpu.enqueue_dma source(%dma_start3A_205 : memref<512xf32, #tpu.memory_space<vmem>>) target(%dma_start3A_204 : memref<512xf32, #tpu.memory_space<hbm>>) target_semaphore(%arg18 : memref<!tpu.dma_semaphore, #tpu.memory_space<semaphore_mem>>)
        %add3A_206 = arith.constant 1024 : i32
        %add3A_207 = arith.addi %mul3A_157, %add3A_206 : i32
        %mul3A_208 = arith.constant 5 : i32
        %mul3A_209 = arith.muli %select_n3A, %mul3A_208 : i32
        %add3A_210 = arith.constant 2 : i32
        %add3A_211 = arith.addi %mul3A_209, %add3A_210 : i32
        %mul3A_212 = arith.constant 256 : i32
        %mul3A_213 = arith.muli %add3A_211, %mul3A_212 : i32
        %add3A_214 = arith.addi %mul3A_213, %add3A_165 : i32
        %mul3A_215 = arith.constant 512 : i32
        %mul3A_216 = arith.muli %add3A_214, %mul3A_215 : i32
        %dma_start3A_217 = tpu.memref_slice %arg15[%add3A_207] : memref<5120xf32, #tpu.memory_space<vmem>> -> memref<512xf32, #tpu.memory_space<vmem>>
        %dma_start3A_218 = tpu.memref_slice %arg6[%mul3A_216] : memref<5242880xf32, #tpu.memory_space<hbm>> -> memref<512xf32, #tpu.memory_space<hbm>>
        %dma_start3A_219 = tpu.memref_slice %arg6[%mul3A_216] : memref<5242880xf32, #tpu.memory_space<hbm>> -> memref<512xf32, #tpu.memory_space<hbm>>
        %dma_start3A_220 = tpu.memref_slice %arg15[%add3A_207] : memref<5120xf32, #tpu.memory_space<vmem>> -> memref<512xf32, #tpu.memory_space<vmem>>
        tpu.enqueue_dma source(%dma_start3A_220 : memref<512xf32, #tpu.memory_space<vmem>>) target(%dma_start3A_219 : memref<512xf32, #tpu.memory_space<hbm>>) target_semaphore(%arg18 : memref<!tpu.dma_semaphore, #tpu.memory_space<semaphore_mem>>)
        %add3A_221 = arith.constant 1536 : i32
        %add3A_222 = arith.addi %mul3A_157, %add3A_221 : i32
        %mul3A_223 = arith.constant 5 : i32
        %mul3A_224 = arith.muli %select_n3A, %mul3A_223 : i32
        %add3A_225 = arith.constant 3 : i32
        %add3A_226 = arith.addi %mul3A_224, %add3A_225 : i32
        %mul3A_227 = arith.constant 256 : i32
        %mul3A_228 = arith.muli %add3A_226, %mul3A_227 : i32
        %add3A_229 = arith.addi %mul3A_228, %add3A_165 : i32
        %mul3A_230 = arith.constant 512 : i32
        %mul3A_231 = arith.muli %add3A_229, %mul3A_230 : i32
        %dma_start3A_232 = tpu.memref_slice %arg15[%add3A_222] : memref<5120xf32, #tpu.memory_space<vmem>> -> memref<512xf32, #tpu.memory_space<vmem>>
        %dma_start3A_233 = tpu.memref_slice %arg6[%mul3A_231] : memref<5242880xf32, #tpu.memory_space<hbm>> -> memref<512xf32, #tpu.memory_space<hbm>>
        %dma_start3A_234 = tpu.memref_slice %arg6[%mul3A_231] : memref<5242880xf32, #tpu.memory_space<hbm>> -> memref<512xf32, #tpu.memory_space<hbm>>
        %dma_start3A_235 = tpu.memref_slice %arg15[%add3A_222] : memref<5120xf32, #tpu.memory_space<vmem>> -> memref<512xf32, #tpu.memory_space<vmem>>
        tpu.enqueue_dma source(%dma_start3A_235 : memref<512xf32, #tpu.memory_space<vmem>>) target(%dma_start3A_234 : memref<512xf32, #tpu.memory_space<hbm>>) target_semaphore(%arg18 : memref<!tpu.dma_semaphore, #tpu.memory_space<semaphore_mem>>)
        %add3A_236 = arith.constant 2048 : i32
        %add3A_237 = arith.addi %mul3A_157, %add3A_236 : i32
        %mul3A_238 = arith.constant 5 : i32
        %mul3A_239 = arith.muli %select_n3A, %mul3A_238 : i32
        %add3A_240 = arith.constant 4 : i32
        %add3A_241 = arith.addi %mul3A_239, %add3A_240 : i32
        %mul3A_242 = arith.constant 256 : i32
        %mul3A_243 = arith.muli %add3A_241, %mul3A_242 : i32
        %add3A_244 = arith.addi %mul3A_243, %add3A_165 : i32
        %mul3A_245 = arith.constant 512 : i32
        %mul3A_246 = arith.muli %add3A_244, %mul3A_245 : i32
        %dma_start3A_247 = tpu.memref_slice %arg15[%add3A_237] : memref<5120xf32, #tpu.memory_space<vmem>> -> memref<512xf32, #tpu.memory_space<vmem>>
        %dma_start3A_248 = tpu.memref_slice %arg6[%mul3A_246] : memref<5242880xf32, #tpu.memory_space<hbm>> -> memref<512xf32, #tpu.memory_space<hbm>>
        %dma_start3A_249 = tpu.memref_slice %arg6[%mul3A_246] : memref<5242880xf32, #tpu.memory_space<hbm>> -> memref<512xf32, #tpu.memory_space<hbm>>
        %dma_start3A_250 = tpu.memref_slice %arg15[%add3A_237] : memref<5120xf32, #tpu.memory_space<vmem>> -> memref<512xf32, #tpu.memory_space<vmem>>
        tpu.enqueue_dma source(%dma_start3A_250 : memref<512xf32, #tpu.memory_space<vmem>>) target(%dma_start3A_249 : memref<512xf32, #tpu.memory_space<hbm>>) target_semaphore(%arg18 : memref<!tpu.dma_semaphore, #tpu.memory_space<semaphore_mem>>)
      } else {
      }
    }
    %scan3A_62 = arith.constant 65 : i32
    %dma_wait3A = arith.constant 1536 : i32
    %dma_wait3A_63 = tpu.memref_slice %arg14[%dma_wait3A] : memref<3072xf32, #tpu.memory_space<vmem>> -> memref<1536xf32, #tpu.memory_space<vmem>>
    %dma_wait3A_64 = arith.constant 0 : i32
    %dma_wait3A_65 = tpu.memref_slice %arg5[%dma_wait3A_64] : memref<3145728xf32, #tpu.memory_space<hbm>> -> memref<1536xf32, #tpu.memory_space<hbm>>
    %dma_wait3A_66 = arith.constant 1536 : i32
    %dma_wait3A_67 = tpu.memref_slice %arg14[%dma_wait3A_66] : memref<3072xf32, #tpu.memory_space<vmem>> -> memref<1536xf32, #tpu.memory_space<vmem>>
    %dma_wait3A_68 = arith.constant 0 : i32
    %dma_wait3A_69 = tpu.memref_slice %arg5[%dma_wait3A_68] : memref<3145728xf32, #tpu.memory_space<hbm>> -> memref<1536xf32, #tpu.memory_space<hbm>>
    tpu.wait_dma2 semaphore(%arg18 : memref<!tpu.dma_semaphore, #tpu.memory_space<semaphore_mem>>) src(%dma_wait3A_69 : memref<1536xf32, #tpu.memory_space<hbm>>) dst(%dma_wait3A_67 : memref<1536xf32, #tpu.memory_space<vmem>>)
    %dma_wait3A_70 = arith.constant 2560 : i32
    %dma_wait3A_71 = tpu.memref_slice %arg15[%dma_wait3A_70] : memref<5120xf32, #tpu.memory_space<vmem>> -> memref<2560xf32, #tpu.memory_space<vmem>>
    %dma_wait3A_72 = arith.constant 0 : i32
    %dma_wait3A_73 = tpu.memref_slice %arg6[%dma_wait3A_72] : memref<5242880xf32, #tpu.memory_space<hbm>> -> memref<2560xf32, #tpu.memory_space<hbm>>
    %dma_wait3A_74 = arith.constant 2560 : i32
    %dma_wait3A_75 = tpu.memref_slice %arg15[%dma_wait3A_74] : memref<5120xf32, #tpu.memory_space<vmem>> -> memref<2560xf32, #tpu.memory_space<vmem>>
    %dma_wait3A_76 = arith.constant 0 : i32
    %dma_wait3A_77 = tpu.memref_slice %arg6[%dma_wait3A_76] : memref<5242880xf32, #tpu.memory_space<hbm>> -> memref<2560xf32, #tpu.memory_space<hbm>>
    tpu.wait_dma2 semaphore(%arg18 : memref<!tpu.dma_semaphore, #tpu.memory_space<semaphore_mem>>) src(%dma_wait3A_77 : memref<2560xf32, #tpu.memory_space<hbm>>) dst(%dma_wait3A_75 : memref<2560xf32, #tpu.memory_space<vmem>>)
    return
  }
}

module attributes {stable_mosaic.version = 14 : i64} {
  func.func @_box_prep_body(%arg0: memref<8x256x3xf32, #tpu.memory_space<vmem>>, %arg1: memref<8x256xf32, #tpu.memory_space<vmem>>, %arg2: memref<8x256x16xf32, #tpu.memory_space<vmem>>) attributes {dimension_semantics = [], scalar_prefetch = 0 : i64, scratch_operands = 0 : i64, tpu.core_type = #tpu.core_type<tc>} {
    %get3A = arith.constant 0 : index
    %get3A_0 = arith.constant 0 : index
    %get3A_1 = arith.constant 0 : index
    %get3A_2 = vector.load %arg0[%get3A, %get3A_0, %get3A_1] : memref<8x256x3xf32, #tpu.memory_space<vmem>>, vector<8x256x3xf32>
    %get3A_3 = arith.constant 0 : index
    %get3A_4 = arith.constant 0 : index
    %get3A_5 = vector.load %arg1[%get3A_3, %get3A_4] : memref<8x256xf32, #tpu.memory_space<vmem>>, vector<8x256xf32>
    %cos3A = math.cos %get3A_5 : vector<8x256xf32>
    %broadcast_in_dim3A = vector.shape_cast %cos3A : vector<8x256xf32> to vector<8x256x1xf32>
    %sin3A = math.sin %get3A_5 : vector<8x256xf32>
    %broadcast_in_dim3A_6 = vector.shape_cast %sin3A : vector<8x256xf32> to vector<8x256x1xf32>
    %broadcast_in_dim3A_7 = arith.constant 0.000000e+00 : f32
    %broadcast_in_dim3A_8 = vector.broadcast %broadcast_in_dim3A_7 : f32 to vector<8x256x1xf32>
    %concatenate3A = tpu.concatenate %get3A_2, %broadcast_in_dim3A, %broadcast_in_dim3A_6, %broadcast_in_dim3A_8, %broadcast_in_dim3A_8, %broadcast_in_dim3A_8, %broadcast_in_dim3A_8, %broadcast_in_dim3A_8, %broadcast_in_dim3A_8, %broadcast_in_dim3A_8, %broadcast_in_dim3A_8, %broadcast_in_dim3A_8, %broadcast_in_dim3A_8, %broadcast_in_dim3A_8 in 2 : vector<8x256x3xf32>, vector<8x256x1xf32>, vector<8x256x1xf32>, vector<8x256x1xf32>, vector<8x256x1xf32>, vector<8x256x1xf32>, vector<8x256x1xf32>, vector<8x256x1xf32>, vector<8x256x1xf32>, vector<8x256x1xf32>, vector<8x256x1xf32>, vector<8x256x1xf32>, vector<8x256x1xf32>, vector<8x256x1xf32> -> vector<8x256x16xf32>
    %swap3A = arith.constant 0 : index
    %swap3A_9 = arith.constant 0 : index
    %swap3A_10 = arith.constant 0 : index
    %swap3A_11 = vector.load %arg2[%swap3A, %swap3A_9, %swap3A_10] : memref<8x256x16xf32, #tpu.memory_space<vmem>>, vector<8x256x16xf32>
    tpu.vector_store %arg2[%swap3A, %swap3A_9, %swap3A_10], %concatenate3A {strides = array<i32>} : memref<8x256x16xf32, #tpu.memory_space<vmem>>, vector<8x256x16xf32>,
    return
  }
}

</mosaic_0001>

<sc_bundles>
// kernel: kernel.4.cloned.1.call-start
scs
__scs_entry_jumppad:
0x0: {  	(pc) =	sbr.rel $0x88, $3  }
0x1: {  	(tag) =	ssettag $0x0;
	lr =	simm.s32 $0x1  }
0x2: {  	[smem:$0x3F9D] =	sst lr;
	_ =	strace $0xD0000000  }
0x3: {  	_ = 	snop  }
0x4: {  	_ = 	snop  }
0x5: {  	_ = 	snop  }
0x6: {  	_ = 	snop  }
0x7: {  	_ = 	snop  }
__scs_overlays_trampoline_lowered:
0x8: {  	[smem:$0x3FAC] =	sst s0  }
0x9: {  	[smem:$0x3FAD] =	sst s1  }
0xa: {  	[smem:$0x3FAE] =	sst s2  }
0xb: {  	[smem:$0x3FAF] =	sst s3  }
0xc: {  	[smem:$0x3FB0] =	sst s4  }
0xd: {  	[smem:$0x3FB1] =	sst s5  }
0xe: {  	[smem:$0x3FB2] =	sst s6  }
0xf: {  	[smem:$0x3FB3] =	sst s7  }
0x10: {  	[smem:$0x3FB4] =	sst s8  }
0x11: {  	[smem:$0x3FB5] =	sst s9;
	s0 =	simm.s32 @!p0 $0x0  }
0x12: {  	s1 =	sld [smem:$0x3F9B];
	s0 =	simm.s32 @p0 $0x1  }
0x13: {  	[smem:$0x3FB6] =	sst s0;
	s0 =	simm.s32 @!p1 $0x0  }
0x14: {  	s2 =	sld [smem:$0x3F9A];
	s0 =	simm.s32 @p1 $0x1  }
0x15: {  	[smem:$0x3FB7] =	sst s0;
	s0 =	simm.s32 @!p2 $0x0  }
0x16: {  	s3 =	sld [smem:$0x3FDB];
	s0 =	simm.s32 @p2 $0x1  }
0x17: {  	s4 =	simm.s32 $0x1BF5;
	[smem:$0x3FB9] =	sst s0  }
0x18: {  	s0 =	sld [smem:$0x3F9C];
	_ =	swait.ge [sflag:s4], $0x0  }
0x19: {  	s7 =	sld [smem:$0x3F9D]  }
0x1a: {  	s8 =	sadd.s32 $0xFFFFE003, lr  }
0x1b: {  	s9 =	sadd.s32 $0xFFFFFEF7, lr;
	s5 =	simm.s32 $0xFFFFFFFF;
	p2 =	slt.u32 s8, $0xFFFFF086  }
0x1c: {  	p1 =	slt.u32 s9, $0xF7A;
	s5 =	simm.s32 @!p2 $0x0  }
0x1d: {  	s5 =	simm.s32 @p1 $0x1;
	p0 =	seq.s32 s7, s2  }
0x1e: {  	s7 =	smul.u32 @!p0 $0xF7A, s2;
	p2 =	seq.s32 @!p0 s5, $0x0  }
0x1f: {  	s9 =	smul.u32 $0xF7A, s1;
	s8 =	simm.s32 @!p0 $0x1BF5;
	p2 =	por !p2, p0  }
0x20: {  	[sflag:s8] =	ssyncset.s32 @!p0 $0xFFFFF086;
	s6 =	sadd.s32 @!p0 s3, s7;
	s7 =	simm.s32 @!p0 $0x108  }
0x21: {  	s3 =	sadd.s32 s3, s9;
	s6 =	sadd.s32 @!p0 $0x88, s6;
	s7 =	simm.s32 @p2 $0x1082  }
0x22: {  	[simem:s7], [sflag:s8] =	dma.local @!p0 [hbm:s6], $0xF7A  }
0x23: {  	s9 =	sor.u32 $0xD0000000, s2;
	s6 =	simm.s32 $0x108;
	_ =	swait.ge @!p0 [sflag:s8], $0x0  }
0x24: {  	s3 =	sadd.s32 $0x88, s3;
	s6 =	simm.s32 @!p1 $0x1082;
	[sflag:s4] =	ssyncset.s32 $0xFFFFF086  }
0x25: {  	[simem:s6], [sflag:s4] =	dma.local [hbm:s3], $0xF7A  }
0x26: {  	[smem:$0x3F9D] =	sst s1;
	(tag) =	ssettag s2;
	_ =	strace s9  }
0x27: {  	s1 =	sld [smem:$0x3FAD]  }
0x28: {  	s2 =	sld [smem:$0x3FAE]  }
0x29: {  	s4 =	sld [smem:$0x3FB0]  }
0x2a: {  	p0 =	seq.s32 s5, $0x0;
	s5 =	sld [smem:$0x3FB1]  }
0x2b: {  	s6 =	sld [smem:$0x3FB2]  }
0x2c: {  	s7 =	sld [smem:$0x3FB3]  }
0x2d: {  	s3 =	simm.s32 $0x108;
	s8 =	sld [smem:$0x3FB4]  }
0x2e: {  	s3 =	simm.s32 @!p0 $0x1082;
	s9 =	sld [smem:$0x3FB5]  }
0x2f: {  	lr =	sadd.s32 s0, s3;
	s0 =	sld [smem:$0x3FAC]  }
0x30: {  	s3 =	sld [smem:$0x3FAF]  }
0x31: {  	[smem:$0x3FB8] =	sst s10  }
0x32: {  	s10 =	sld [smem:$0x3FB6];
	_ =	sdelay $0x3  }
0x33: {  	p0 =	seq.s32 s10, $0x1;
	s10 =	sld [smem:$0x3FB8];
	_ =	sdelay $0x3  }
0x34: {  	[smem:$0x3FB8] =	sst s10  }
0x35: {  	s10 =	sld [smem:$0x3FB7];
	_ =	sdelay $0x3  }
0x36: {  	p1 =	seq.s32 s10, $0x1;
	s10 =	sld [smem:$0x3FB8];
	_ =	sdelay $0x3  }
0x37: {  	[smem:$0x3FB8] =	sst s10  }
0x38: {  	s10 =	sld [smem:$0x3FB9]  }
0x39: {  	_ = 	snop;
	(pc) =	sbr.ind lr, $3  }
0x3a: {  	_ = 	snop  }
0x3b: {  	_ = 	snop  }
0x3c: {  	p2 =	seq.s32 s10, $0x1;
	s10 =	sld [smem:$0x3FB8]  }
0x3d: {  	_ =	shalt  }
0x3e: {  	_ =	shalt  }
0x3f: {  	_ =	shalt  }
0x40: {  	_ =	shalt  }
0x41: {  	_ =	shalt  }
0x42: {  	_ =	shalt  }
0x43: {  	_ =	shalt  }
0x44: {  	_ =	shalt  }
0x45: {  	_ =	shalt  }
0x46: {  	_ =	shalt  }
0x47: {  	_ =	shalt  }
0x48: {  	_ =	shalt  }
0x49: {  	_ =	shalt  }
0x4a: {  	_ =	shalt  }
0x4b: {  	_ =	shalt  }
0x4c: {  	_ =	shalt  }
0x4d: {  	_ =	shalt  }
0x4e: {  	_ =	shalt  }
0x4f: {  	_ =	shalt  }
0x50: {  	_ =	shalt  }
0x51: {  	_ =	shalt  }
0x52: {  	_ =	shalt  }
0x53: {  	_ =	shalt  }
0x54: {  	_ =	shalt  }
0x55: {  	_ =	shalt  }
0x56: {  	_ =	shalt  }
0x57: {  	_ =	shalt  }
0x58: {  	_ =	shalt  }
0x59: {  	_ =	shalt  }
0x5a: {  	_ =	shalt  }
0x5b: {  	_ =	shalt  }
0x5c: {  	_ =	shalt  }
0x5d: {  	_ =	shalt  }
0x5e: {  	_ =	shalt  }
0x5f: {  	_ =	shalt  }
0x60: {  	_ =	shalt  }
0x61: {  	_ =	shalt  }
0x62: {  	_ =	shalt  }
0x63: {  	_ =	shalt  }
0x64: {  	_ =	shalt  }
0x65: {  	_ =	shalt  }
0x66: {  	_ =	shalt  }
0x67: {  	_ =	shalt  }
0x68: {  	_ =	shalt  }
0x69: {  	_ =	shalt  }
0x6a: {  	_ =	shalt  }
0x6b: {  	_ =	shalt  }
0x6c: {  	_ =	shalt  }
0x6d: {  	_ =	shalt  }
0x6e: {  	_ =	shalt  }
0x6f: {  	_ =	shalt  }
0x70: {  	_ =	shalt  }
0x71: {  	_ =	shalt  }
0x72: {  	_ =	shalt  }
0x73: {  	_ =	shalt  }
0x74: {  	_ =	shalt  }
0x75: {  	_ =	shalt  }
0x76: {  	_ =	shalt  }
0x77: {  	_ =	shalt  }
0x78: {  	_ =	shalt  }
0x79: {  	_ =	shalt  }
0x7a: {  	_ =	shalt  }
0x7b: {  	_ =	shalt  }
0x7c: {  	_ =	shalt  }
0x7d: {  	_ =	shalt  }
0x7e: {  	_ =	shalt  }
0x7f: {  	_ =	shalt  }
0x80: {  	_ =	shalt  }
0x81: {  	_ =	shalt  }
0x82: {  	_ =	shalt  }
0x83: {  	_ =	shalt  }
0x84: {  	_ =	shalt  }
0x85: {  	_ =	shalt  }
0x86: {  	_ =	shalt  }
0x87: {  	_ =	shalt  }
.Lfunc_end0:
.L_simem_size_0:
called_computation_lowered:
.L_overlay_start_0:
0x88: {  	s2 =	sld [smem:$0x3FD9]  }
0x89: {  	s3 =	sld [smem:$0x3FFE];
	_ =	sdelay $0x1  }
0x8a: {  	s1 =	srdreg.scid  }
0x8b: {  	s0 =	sand.u32 $0x1, s1  }
0x8c: {  	s14 =	sshll.u32 s0, $0xA;
	s2 =	sadd.s32 s3, s2  }
0x8d: {  	s2 =	sadd.s32 s2, s14  }
0x8e: {  	[smem:$0x3FC4] =	sst s2  }
0x8f: {  	_ = 	snop  }
0x90: {  	s2 =	sld [smem:$0x3FD0];
	_ =	sdelay $0x2  }
0x91: {  	s15 =	simm.s32 $0xA;
	s4 =	simm.s32 $0x10  }
0x92: {  	[smem:s4], [sflag:s15] =	dma.local [hbm:s2], $0x1  }
0x93: {  	_ =	swait.eq [sflag:s15], $0x1  }
0x94: {  	[sflag:s15] =	ssyncset.done $0x0  }
0x95: {  	s16 =	sld [smem:$0x10];
	[sflag:s15] =	ssyncadd.s32 $0xFFFFFFFF  }
0x96: {  	s17 =	sld [smem:$0x11];
	(tm) =	ssettm $0x1  }
0x97: {  	s18 =	sld [smem:$0x3FFB];
	_ =	sdelay $0x3  }
0x98: {  	_ =	strace s18  }
0x99: {  	s4 =	sld [smem:$0x3FFC];
	_ =	sdelay $0x3  }
0x9a: {  	_ =	strace s4  }
0x9b: {  	s4 =	sld [smem:$0x3FFD];
	_ =	sdelay $0x3  }
0x9c: {  	_ =	strace s4  }
0x9d: {  	_ =	strace $0x8FFFFFFF  }
0x9e: {  	s19 =	sld [smem:$0x3FDB];
	_ =	sdelay $0x1  }
0x9f: {  	s5 =	simm.s32 $_scs_section_size  }
0xa0: {  	s6 =	simm.s32 $_size__tile_overlayer_lowered;
	s7 =	simm.s32 $_tile_overlayer_lowered  }
0xa1: {  	s22 =	simm.s32 $0x1BFF;
	s21 =	sshll.u32 s7, $0x1;
	s4 =	sadd.s32 s5, s19  }
0xa2: {  	s8 =	simm.s32 $0x0;
	s20 =	sshll.u32 s6, $0x1;
	s6 =	sadd.s32 s21, s4  }
0xa3: {  	[timem:s8], [sflag:s22] =	dma.local [hbm:s6], s20  }
0xa4: {  	_ =	swait.ge [sflag:s22], s20  }
0xa5: {  	s5 =	ssub.s32 $0x0, s20;
	[sflag:s22] =	ssyncset.done $0x0  }
0xa6: {  	[sflag:s22] =	ssyncadd.s32 s5;
	_ =	sdelay $0x1  }
0xa7: {  	s23 =	simm.s32 $0x1B8B  }
0xa8: {  	_ =	swait.ge [sflag:s23], $0x1  }
0xa9: {  	[sflag:s23] =	ssyncset.done $0x0  }
0xaa: {  	s25 =	simm.s32 $0x1B8E;
	s24 =	sld [smem:$0x3FFE];
	[sflag:s23] =	ssyncadd.s32 $0xFFFFFFFF  }
0xab: {  	s26 =	simm.s32 $execute0_lowered;
	[smem:$0x3FD2] =	sst s25  }
0xac: {  	s6 =	sshll.u32 s26, $0x1;
	_ =	strace $0x80000046;
	[dreg:$0x1] =	wrdreg $0xFFFFFFFF  }
0xad: {  	s28 =	simm.s32 $_size_execute0_lowered;
	s4 =	sadd.s32 s4, s6;
	[dreg:$0x0] =	wrdreg $0x0  }
0xae: {  	s6 =	sshll.u32 s28, $0x1;
	[dreg:$0x2] =	wrdreg s4  }
0xaf: {  	[dreg:$0x3] =	wrdreg s6  }
0xb0: {  	[dreg:$0x4] =	wrdreg $0xC0  }
0xb1: {  	_ =	task [dreg:s8], $0x5FFFF  }
0xb2: {  	[dreg:$0x1] =	wrdreg $0xFFFFFFFF  }
0xb3: {  	[dreg:$0x0] =	wrdreg $0x60  }
0xb4: {  	[dreg:$0x2] =	wrdreg s17  }
0xb5: {  	[dreg:$0x3] =	wrdreg s24  }
0xb6: {  	[dreg:$0x4] =	wrdreg s16  }
0xb7: {  	[dreg:$0x5] =	wrdreg $0x9  }
0xb8: {  	_ =	task.clear_ibuf [dreg:s8], $0x6FFFF;
	_ =	strace $0x90000046  }
0xb9: {  	s29 =	simm.s32 $0x9;
	_ =	strace $0x80000048  }
0xba: {  	_ =	swait.ge [sflag:s29], $0x1  }
0xbb: {  	[sflag:s29] =	ssyncadd.s32 $0xFFFFFFFF  }
0xbc: {  	_ =	strace $0x90000048  }
0xbd: {  	_ =	sfence  }
0xbe: {  	s30 =	sld [smem:$0x0];
	_ =	sdelay $0x2  }
0xbf: {  	s31 =	sshll.u32 s1, $0xD;
	s1 =	sshrl.u32 s1, $0x2  }
0xc0: {  	s3 =	sand.u32 $0x4000, s31;
	s1 =	sadd.s32 s1, s30  }
0xc1: {  	s0 =	sor.u32 s3, s0;
	s1 =	sshll.u32 s1, $0x11  }
0xc2: {  	s0 =	sor.u32 s1, s0  }
0xc3: {  	s0 =	sadd.s32 $0x8F2B, s0  }
0xc4: {  	[sflag:s0] =	ssyncadd.remote.s32 $0x1  }
0xc5: {  	_ =	sfence.sel $0xFFFF  }
0xc6: {  	[dreg:$0x0] =	wrdreg $0xFFFFFFFF;
	(pc) =	sbr.abs _section_cstart, $3  }
0xc7: {  	[dreg:$0x1] =	wrdreg $0xFFFFFFFF  }
0xc8: {  	_ =	task.clear_ibuf [dreg:s8], $0x2FFFF;
	_ =	strace $0x9FFFFFFF  }
0xc9: {  	(tm) =	ssettm $0x7FFFFFFF  }
tec
execute0_lowered:
.L_overlay_start_1:
0x0: {  	(tag) =	ssettag $0x1  }
0x1: {  	s1 =	rddreg [dreg:$0x0]  }
0x2: {  	s0 =	rddreg [dreg:$0x1]  }
0x3: {  	s3 =	rddreg [dreg:$0x2];
	s4 =	simm.s32 $0x0;
	s9 =	stileid.u32  }
0x4: {  	s7 =	srdreg.scid;
	s28 =	simm.s32 $0x80;
	[smem:$0x7FF] =	sst s4  }
0x5: {  	s5 =	sshrl.u32 s9, $0x1;
	s2 =	sadd.s32 $0x2000, s0;
	s20 =	sand.u32 $0x1, s7  }
0x6: {  	s21 =	sshll.u32 s9, $0x1;
	_ =	strace $0x80000047;
	s10 =	smul.u32 $0x1D4C, s5  }
0x7: {  	s6 =	sshll.u32 s5, $0x9;
	s22 =	ssub.s32 $0x2, s20;
	s13 =	smul.u32 $0xEA60, s5  }
0x8: {  	s7 =	sand.u32 $0x2, s21;
	s9 =	smul.u32 $0x500, s5;
	s8 =	sadd.s32 s6, s0  }
0x9: {  	s11 =	sshrl.u32 s22, $0x1;
	s12 =	sor.u32 s20, s7;
	s6 =	sadd.s32 $0x10C00, s0  }
0xa: {  	s23 =	ssub.s32 s22, s11;
	s7 =	sshll.u32 s12, $0x6;
	s24 =	sadd.s32 s2, s10  }
0xb: {  	s25 =	sshrl.u32 s13, $0x3;
	s26 =	sshll.u32 s12, $0x7;
	s13 =	smul.u32 $0x4E20, s5  }
0xc: {  	s14 =	sadd.s32 $0x100, s9;
	s15 =	sadd.s32 $0x200, s9;
	s16 =	sadd.s32 $0x300, s9  }
0xd: {  	s17 =	sadd.s32 $0x400, s9;
	[dreg:$0x4] =	wrdreg s24;
	s2 =	sadd.s32 s2, s25  }
.Ltmp0:
0xe: {  	s8 =	sadd.s32 s26, s8;
	s0 =	smax.u32 s23, $0x1;
	(pc) =	sbr.rel .LBB2_1-.Ltmp0, $4  }
0xf: {  	v0 =	vlaneseq.u32;
	s24 =	simm.s32 $0x3;
	s29 =	sadd.s32 $0x9C4, s2;
	[dreg:$0x8] =	wrdreg s0  }
0x10: {  	v1 =	vmul.u32 $0x3, v0;
	s25 =	simm.s32 $0xF600;
	s2 =	sadd.s32 $0x1388, s2;
	[dreg:$0x5] =	wrdreg s29  }
0x11: {  	s26 =	simm.s32 $0x11600;
	s31 =	sadd.s32 $0x1000, s8;
	[dreg:$0x6] =	wrdreg s2  }
0x12: {  	v2 =	vadd.s32 $0x1, v1;
	v3 =	vadd.s32 $0x2, v1;
	s30 =	sadd.s32 $0x180, s13;
	s8 =	simm.s32 $0x0;
	[dreg:$0x7] =	wrdreg s31  }
.LBB2_15:
0x13: {  	_ =	swait.ge [sflag:s24], $0x600  }
0x14: {  	[sflag:s24] =	ssyncset.done $0x0  }
0x15: {  	[sflag:s24] =	ssyncadd.s32 $0xFFFFFA00  }
0x16: {  	_ =	swait.ge [sflag:s24], $0xA00  }
0x17: {  	s8 =	sadd.s32 $0x1, s8;
	s0 =	rddreg [dreg:$0x8]  }
0x18: {  	p0 =	sne.s32 s8, s0  }
.Ltmp1:
0x19: {  	_ = 	snop;
	(pc) =	sbr.rel @!p0 .LBB2_16-.Ltmp1, $3  }
0x1a: {  	_ =	sdelay $0x1  }
0x1b: {  	[sflag:s24] =	ssyncset.done $0x0  }
0x1c: {  	[sflag:s24] =	ssyncadd.s32 $0xFFFFF600  }
.LBB2_1:
0x1d: {  	s0 =	rddreg [dreg:$0x4];
	s2 =	simm.s32 $0x4  }
0x1e: {  	[tilespmem:s4], [sflag:$0x4] =	stream.linear.gather [hbm4b:s0+s4], $0x4E20, $0x38;
	[tilespmem:$0x13600] =	vst v63  }
0x1f: {  	_ =	swait.ge [sflag:s2], $0x4E20  }
0x20: {  	[sflag:s2] =	ssyncset.done $0x0  }
0x21: {  	s10 =	simm.s32 $0x4E20;
	s21 =	rddreg [dreg:$0x5];
	[sflag:s2] =	ssyncadd.s32 $0xFFFFB1E0  }
0x22: {  	[tilespmem:s10], [sflag:$0x4] =	stream.linear.gather [hbm4b:s21+s4], $0x4E20, $0x38;
	[tilespmem:$0x13600] =	vst v63  }
0x23: {  	_ =	swait.ge [sflag:s2], $0x4E20  }
0x24: {  	[sflag:s2] =	ssyncset.done $0x0  }
0x25: {  	s23 =	simm.s32 $0x9C40;
	s22 =	rddreg [dreg:$0x6];
	[sflag:s2] =	ssyncadd.s32 $0xFFFFB1E0  }
0x26: {  	[tilespmem:s23], [sflag:$0x4] =	stream.linear.gather [hbm4b:s22+s4], $0x4E20, $0x38;
	[tilespmem:$0x13600] =	vst v63  }
0x27: {  	_ =	swait.ge [sflag:s2], $0x4E20  }
0x28: {  	s31 =	simm.s32 $0xEA60;
	[sflag:s2] =	ssyncset.done $0x0  }
.Ltmp2:
0x29: {  	s29 =	rddreg [dreg:$0x7];
	[sflag:s2] =	ssyncadd.s32 $0xFFFFB1E0;
	(pc) =	sbr.rel .LBB2_2-.Ltmp2, $4  }
0x2a: {  	[tilespmem:s31], [sflag:$0x4] =	stream.linear.gather [hbm4b:s29+s4], $0x400, $0x38;
	[tilespmem:$0x13600] =	vst v63  }
0x2b: {  	_ =	swait.ge [sflag:s2], $0x400  }
0x2c: {  	[sflag:s2] =	ssyncset.done $0x0  }
0x2d: {  	s10 =	simm.s32 $0x0;
	[sflag:s2] =	ssyncadd.s32 $0xFFFFFC00  }
.LBB2_14:
0x2e: {  	s10 =	sadd.s32 $0x1, s10  }
0x2f: {  	p0 =	sne.s32 s10, $0x41  }
.Ltmp3:
0x30: {  	_ = 	snop;
	(pc) =	sbr.rel @!p0 .LBB2_15-.Ltmp3, $1  }
0x31: {  	_ =	sdelay $0x3  }
.LBB2_2:
0x32: {  	p0 =	seq.s32 s10, $0x40  }
.Ltmp4:
0x33: {  	_ = 	snop;
	(pc) =	sbr.rel @p0 .LBB2_10-.Ltmp4, $1  }
0x34: {  	_ =	sdelay $0x3  }
0x35: {  	s0 =	sshll.u32 s10, $0x4  }
0x36: {  	s0 =	sand.u32 $0x3FFFFFF0, s0  }
0x37: {  	v6 =	vld [tilespmem:s0+$0xEA60];
	_ =	sdelay $0x3  }
0x38: {  	s11 =	sand.u32 $0x1, s10  }
0x39: {  	s31 =	simm.s32 $0x0;
	s12 =	simm.s32 $0xC0;
	s18 =	simm.s32 $0x4EE0;
	v4 =	vbroadcast v6, $0x0  }
0x3a: {  	s29 =	simm.s32 $0x9D00;
	s19 =	smov.u32 s30;
	s0 =	simm.s32 $0x0;
	v5 =	vbroadcast v6, $0x1;
	v6 =	vbroadcast v6, $0x2  }
.LBB2_4:
0x3b: {  	v7 =	vld [tilespmem:s12+$0xFFFFFF40]  }
0x3c: {  	v8 =	vld [tilespmem:s18+$0xFFFFFF40]  }
0x3d: {  	v9 =	vld [tilespmem:s29+$0xFFFFFF40]  }
0x3e: {  	v10 =	vld [tilespmem:s12+$0xFFFFFF50]  }
0x3f: {  	v11 =	vld [tilespmem:s18+$0xFFFFFF50]  }
0x40: {  	v12 =	vld [tilespmem:s12+$0xFFFFFF60]  }
0x41: {  	v13 =	vld [tilespmem:s18+$0xFFFFFF60]  }
0x42: {  	v14 =	vld [tilespmem:s29+$0xFFFFFF50]  }
0x43: {  	v15 =	vld [tilespmem:s29+$0xFFFFFF60]  }
0x44: {  	v16 =	vld [tilespmem:s18+$0xFFFFFF70]  }
0x45: {  	v17 =	vld [tilespmem:s12+$0xFFFFFF80]  }
0x46: {  	v18 =	vld [tilespmem:s18+$0xFFFFFF80]  }
0x47: {  	v43 =	vld [tilespmem:s29+$0xFFFFFF70]  }
0x48: {  	v45 =	vld [tilespmem:s12+$0xFFFFFF90]  }
0x49: {  	v19 =	vld [tilespmem:s18+$0xFFFFFF90]  }
0x4a: {  	v20 =	vld [tilespmem:s12+$0xFFFFFFA0];
	v7 =	vsub.f32 v7, v4;
	v8 =	vsub.f32 v8, v5  }
0x4b: {  	v21 =	vld [tilespmem:s18+$0xFFFFFFB0];
	v9 =	vsub.f32 v9, v6;
	v10 =	vsub.f32 v10, v4  }
0x4c: {  	v22 =	vld [tilespmem:s12+$0xFFFFFFC0];
	v11 =	vsub.f32 v11, v5;
	v12 =	vsub.f32 v12, v4  }
0x4d: {  	v56 =	vld [tilespmem:s29+$0xFFFFFFB0];
	v13 =	vsub.f32 v13, v5;
	v14 =	vsub.f32 v14, v6  }
0x4e: {  	v57 =	vld [tilespmem:s29+$0xFFFFFFC0];
	v15 =	vsub.f32 v15, v6;
	v16 =	vsub.f32 v16, v5  }
0x4f: {  	v62 =	vld [tilespmem:s18+$0xFFFFFFD0];
	v17 =	vsub.f32 v17, v4;
	v18 =	vsub.f32 v18, v5  }
0x50: {  	v23 =	vld [tilespmem:s12+$0xFFFFFFE0];
	v19 =	vsub.f32 v19, v5;
	v20 =	vsub.f32 v20, v4  }
0x51: {  	v47 =	vld [tilespmem:s18+$0xFFFFFFA0];
	v61 =	vsub.f32 v21, v5;
	v22 =	vsub.f32 v22, v4;
	v7 =	vmul.f32 v7, v7  }
0x52: {  	v50 =	vld [tilespmem:s29+$0xFFFFFF90];
	v28 =	vsub.f32 v56, v6;
	v8 =	vmul.f32 v8, v8;
	v9 =	vmul.f32 v9, v9  }
0x53: {  	v52 =	vld [tilespmem:s12+$0xFFFFFFB0];
	v30 =	vsub.f32 v57, v6;
	v10 =	vmul.f32 v10, v10;
	v11 =	vmul.f32 v11, v11  }
0x54: {  	v54 =	vld [tilespmem:s18+$0xFFFFFFC0];
	v33 =	vsub.f32 v62, v5;
	v41 =	vmul.f32 v12, v12;
	v42 =	vmul.f32 v13, v13  }
0x55: {  	v40 =	vld [tilespmem:s29+$0xFFFFFFF0];
	v35 =	vsub.f32 v23, v4;
	v14 =	vmul.f32 v14, v14;
	v15 =	vmul.f32 v15, v15  }
0x56: {  	v44 =	vld [tilespmem:s29+$0xFFFFFF80];
	v46 =	vmul.f32 v16, v16;
	v48 =	vmul.f32 v17, v17;
	v13 =	vsub.f32 v43, v6  }
0x57: {  	v25 =	vld [tilespmem:s18+$0xFFFFFFE0];
	v49 =	vmul.f32 v18, v18;
	v12 =	vsub.f32 v45, v4;
	v16 =	vsub.f32 v47, v5  }
0x58: {  	v34 =	vld [tilespmem:s18+$0xFFFFFFF0];
	v53 =	vmul.f32 v19, v19;
	v55 =	vmul.f32 v20, v20;
	v18 =	vsub.f32 v50, v6  }
0x59: {  	v29 =	vld [tilespmem:s29+$0xFFFFFFE0];
	v17 =	vsub.f32 v52, v4;
	v19 =	vsub.f32 v54, v5;
	v24 =	vmul.f32 v61, v61  }
0x5a: {  	v32 =	vld [tilespmem:s12+$0xFFFFFFF0];
	v26 =	vmul.f32 v22, v22;
	v52 =	vsub.f32 v40, v6;
	v7 =	vadd.f32 v8, v7  }
0x5b: {  	v38 =	vld [tilespmem:s18+$0x0];
	v10 =	vadd.f32 v11, v10;
	v11 =	vsub.f32 v44, v6;
	v12 =	vmul.f32 v12, v12  }
0x5c: {  	v43 =	vld [tilespmem:s12+$0x10];
	v16 =	vmul.f32 v16, v16;
	v60 =	vmul.f32 v18, v18;
	v18 =	vsub.f32 v25, v5  }
0x5d: {  	v45 =	vld [tilespmem:s18+$0x10];
	v63 =	vmul.f32 v17, v17;
	v44 =	vsub.f32 v34, v5;
	v7 =	vadd.f32 v9, v7  }
0x5e: {  	v47 =	vld [tilespmem:s12+$0x20];
	v19 =	vmul.f32 v19, v19;
	v9 =	vadd.f32 v42, v41;
	v10 =	vadd.f32 v14, v10  }
0x5f: {  	v37 =	vmul.f32 v33, v33;
	v12 =	vadd.f32 v53, v12;
	v58 =	vadd.f32 v16, v55  }
0x60: {  	v51 =	vld [tilespmem:s29+$0xFFFFFFA0];
	v39 =	vmul.f32 v35, v35;
	v16 =	vadd.f32 v24, v63;
	v31 =	vadd.f32 v19, v26  }
0x61: {  	v13 =	vmul.f32 v13, v13;
	v42 =	vsub.f32 v29, v6;
	v14 =	vsub.f32 v32, v4  }
0x62: {  	v56 =	vld [tilespmem:s18+$0x30];
	v11 =	vmul.f32 v11, v11;
	v19 =	vsub.f32 v38, v5;
	v17 =	vsub.f32 v43, v4  }
0x63: {  	v8 =	vld [tilespmem:s12+$0xFFFFFF70];
	v18 =	vmul.f32 v18, v18;
	v55 =	vsub.f32 v45, v5;
	v57 =	vsub.f32 v47, v4  }
0x64: {  	v38 =	vimm.s32 $0x0;
	v9 =	vadd.f32 v15, v9;
	v15 =	vadd.f32 v49, v48  }
0x65: {  	v59 =	vld [tilespmem:s12+$0xFFFFFFD0];
	vm2 =	vlt.f32 v7, $1.000000000e+00;
	v7 =	vsub.f32 v51, v6;
	v12 =	vadd.f32 v60, v12  }
0x66: {  	v54 =	vld [tilespmem:s12+$0x30];
	vm0 =	vlt.f32 v10, $1.000000000e+00;
	v10 =	vmul.f32 v28, v28;
	v14 =	vmul.f32 v14, v14  }
0x67: {  	v40 =	vld [tilespmem:s12+$0x70];
	v48 =	vmul.f32 v44, v44;
	v19 =	vmul.f32 v19, v19;
	v28 =	vsub.f32 v56, v5  }
0x68: {  	v53 =	vld [tilespmem:s29+$0x20];
	v8 =	vsub.f32 v8, v4;
	v60 =	vmul.f32 v55, v55;
	v62 =	vmul.f32 v57, v57  }
0x69: {  	v11 =	vadd.f32 v11, v15;
	v7 =	vmul.f32 v7, v7;
	vm9 =	vlt.f32 v9, $1.000000000e+00  }
0x6a: {  	v36 =	vld [tilespmem:s12+$0x0];
	v15 =	vsub.f32 v59, v4;
	v9 =	vmul.f32 v30, v30;
	v10 =	vadd.f32 v10, v16  }
0x6b: {  	v41 =	vld [tilespmem:s29+$0x0];
	vm12 =	vlt.f32 v12, $1.000000000e+00;
	v14 =	vadd.f32 v48, v14;
	v12 =	vmul.f32 v52, v52  }
0x6c: {  	v51 =	vld [tilespmem:s29+$0x10];
	v59 =	vmul.f32 v17, v17;
	v16 =	vsub.f32 v54, v4;
	v33 =	vmul.f32 v28, v28  }
0x6d: {  	v44 =	vld [tilespmem:s12+$0x80];
	v17 =	vsub.f32 v40, v4;
	v8 =	vmul.f32 v8, v8;
	v26 =	vsub.f32 v53, v6  }
0x6e: {  	v29 =	vld [tilespmem:s18+$0x50];
	v7 =	vadd.f32 v7, v58;
	v15 =	vmul.f32 v15, v15;
	v9 =	vadd.f32 v9, v31  }
0x6f: {  	v57 =	vld [tilespmem:s12+$0xA0];
	vm11 =	vlt.f32 v11, $1.000000000e+00;
	v11 =	vmul.f32 v42, v42;
	v12 =	vadd.f32 v12, v14  }
0x70: {  	vm14 =	vlt.f32 v10, $1.000000000e+00;
	v14 =	vadd.f32 v60, v59;
	v8 =	vadd.f32 v46, v8  }
0x71: {  	v49 =	vld [tilespmem:s18+$0x20];
	v32 =	vmul.f32 v16, v16;
	v46 =	vsub.f32 v36, v4;
	v24 =	vsub.f32 v51, v6  }
0x72: {  	v25 =	vld [tilespmem:s29+$0x40];
	v56 =	vsub.f32 v44, v4;
	v44 =	vmpcnt.ones.xlane vm12;
	v15 =	vadd.f32 v37, v15  }
0x73: {  	v52 =	vld [tilespmem:s29+$0x80];
	vm13 =	vlt.f32 v7, $1.000000000e+00;
	v7 =	vsub.f32 v41, v6;
	vm15 =	vlt.f32 v9, $1.000000000e+00  }
0x74: {  	v27 =	vld [tilespmem:s29+$0xFFFFFFD0];
	v9 =	vmul.f32 v26, v26;
	v41 =	vsub.f32 v29, v5;
	v28 =	vsub.f32 v57, v4  }
0x75: {  	v58 =	vld [tilespmem:s12+$0x40];
	vm5 =	vlt.f32 v12, $1.000000000e+00;
	v8 =	vadd.f32 v13, v8;
	v13 =	vadd.f32 v18, v39  }
0x76: {  	v61 =	vld [tilespmem:s18+$0x40];
	v50 =	vmul.f32 v46, v46;
	v18 =	vsub.f32 v49, v5;
	v10 =	vmul.f32 v24, v24  }
0x77: {  	v31 =	vld [tilespmem:s12+$0x60];
	v39 =	vsub.f32 v25, v6;
	v25 =	vimm.s32 $0x0;
	v7 =	vmul.f32 v7, v7  }
0x78: {  	v42 =	vld [tilespmem:s18+$0x70];
	v26 =	vsub.f32 v52, v6;
	v46 =	vmul.f32 v41, v41;
	v16 =	vmul.f32 v28, v28  }
0x79: {  	v36 =	vld [tilespmem:s29+$0x50];
	vm10 =	vlt.f32 v8, $1.000000000e+00;
	v8 =	vsub.f32 v27, v6;
	v11 =	vadd.f32 v11, v13  }
0x7a: {  	v41 =	vmpcnt.ones.xlane vm9;
	v13 =	vadd.f32 v19, v50;
	v30 =	vsub.f32 v58, v4  }
0x7b: {  	v18 =	vmul.f32 v18, v18;
	v19 =	vsub.f32 v61, v5;
	v10 =	vadd.f32 v10, v14  }
0x7c: {  	v34 =	vld [tilespmem:s18+$0x60];
	v14 =	vadd.f32 v33, v32;
	v43 =	vsub.f32 v31, v4;
	v50 =	vimm.s32 $0x0  }
0x7d: {  	v54 =	vsub.f32 v42, v5;
	v58 =	vmul.f32 v17, v17;
	v61 =	vmul.f32 v56, v56  }
0x7e: {  	v49 =	vld [tilespmem:s29+$0x70];
	v12 =	vsel vm5, $0xFFFFFFFF, v50;
	v51 =	vsub.f32 v36, v6;
	v36 =	vmpcnt.ones.xlane vm2  }
0x7f: {  	v24 =	vld [tilespmem:s29+$0xA0];
	v42 =	vmpcnt.ones.xlane vm10;
	v8 =	vmul.f32 v8, v8;
	v7 =	vadd.f32 v7, v13  }
0x80: {  	v13 =	vadd.f32 v18, v62;
	v35 =	vmul.f32 v30, v30;
	v19 =	vmul.f32 v19, v19  }
0x81: {  	vm1 =	vlt.f32 v11, $1.000000000e+00;
	v18 =	vsub.f32 v34, v5;
	v48 =	vmul.f32 v43, v43  }
0x82: {  	v47 =	vld [tilespmem:s18+$0x80];
	v59 =	vmul.f32 v54, v54;
	vm7 =	vlt.f32 v10, $1.000000000e+00;
	v43 =	vmpcnt.ones.xlane vm11  }
0x83: {  	v27 =	vld [tilespmem:s12+$0x50];
	[tilespmem:$0x1FFB0] =	vst v12;
	v11 =	vsel vm1, $0xFFFFFFFF, v38;
	v12 =	vmul.f32 v51, v51;
	v21 =	vsub.f32 v49, v6  }
0x84: {  	v55 =	vld [tilespmem:s18+$0x90];
	v17 =	vsub.f32 v24, v6;
	(v2sf) =	vpush v36, $0x0;
	v49 =	vmpcnt.ones.xlane vm15  }
0x85: {  	v31 =	vld [tilespmem:s18+$0xB0];
	v51 =	vmpcnt.ones.xlane vm1;
	v56 =	vmpcnt.ones.xlane vm7;
	v8 =	vadd.f32 v8, v15  }
0x86: {  	v37 =	vld [tilespmem:s29+$0x60];
	v9 =	vadd.f32 v9, v13;
	[tilespmem:$0x1FFA0] =	vst v11;
	v13 =	vadd.f32 v19, v35;
	v11 =	vmul.f32 v39, v39  }
0x87: {  	v18 =	vmul.f32 v18, v18;
	vm3 =	vlt.f32 v7, $1.000000000e+00;
	v7 =	vimm.s32 $0x0  }
0x88: {  	v60 =	vld [tilespmem:s18+$0xA0];
	v19 =	vsub.f32 v47, v5;
	v39 =	vmpcnt.ones.xlane vm0;
	v15 =	vsub.f32 v27, v4  }
0x89: {  	v62 =	vld [tilespmem:s29+$0x90];
	v7 =	vsel vm3, $0xFFFFFFFF, v7;
	v27 =	vsub.f32 v55, v5;
	v34 =	vmul.f32 v17, v17  }
0x8a: {  	v30 =	vld [tilespmem:s12+$0xB0];
	v40 =	vsub.f32 v31, v5;
	v55 =	vmpcnt.ones.xlane vm3;
	vm4 =	vlt.f32 v8, $1.000000000e+00  }
0x8b: {  	v8 =	vimm.s32 $0x0;
	v11 =	vadd.f32 v11, v13;
	[tilespmem:$0x1FFC0] =	vst v7;
	v7 =	vsub.f32 v37, v6  }
0x8c: {  	v63 =	vld [tilespmem:s29+$0x30];
	v13 =	vadd.f32 v18, v48;
	v19 =	vmul.f32 v19, v19;
	vm8 =	vlt.f32 v9, $1.000000000e+00  }
0x8d: {  	v18 =	vsub.f32 v60, v5;
	(v2sf) =	vpush v39, $0x0;
	v48 =	vmpcnt.ones.xlane vm14  }
0x8e: {  	v38 =	vld [tilespmem:s18+$0xC0];
	v8 =	vsel vm4, $0xFFFFFFFF, v8;
	v45 =	vmul.f32 v15, v15;
	v9 =	vsel vm8, $0xFFFFFFFF, v25  }
0x8f: {  	v47 =	vld [tilespmem:s29+$0xC0];
	v29 =	vsub.f32 v62, v6;
	v15 =	vmul.f32 v27, v27;
	v37 =	vsub.f32 v30, v4  }
0x90: {  	(v2sf) =	vpush v41, $0x0;
	v50 =	vmpcnt.ones.xlane vm4;
	v57 =	vmpcnt.ones.xlane vm8  }
0x91: {  	[tilespmem:$0x1FF90] =	vst v8;
	v8 =	vsub.f32 v63, v6;
	v7 =	vmul.f32 v7, v7;
	v63 =	vimm.s32 $0x0  }
0x92: {  	[tilespmem:$0x1FFE0] =	vst v9;
	v18 =	vmul.f32 v18, v18;
	v9 =	vmul.f32 v26, v26;
	(v2sf) =	vpush v42, $0x0  }
0x93: {  	v17 =	vsub.f32 v38, v5;
	vm3 =	vlt.f32 v11, $1.000000000e+00;
	v10 =	vsel vm7, $0xFFFFFFFF, v63  }
0x94: {  	v35 =	vld [tilespmem:s12+$0xC0];
	v32 =	vmul.f32 v29, v29;
	(v2sf) =	vpush v43, $0x0;
	v54 =	vsub.f32 v47, v6  }
0x95: {  	v11 =	vmpcnt.ones.xlane vm3;
	v8 =	vmul.f32 v8, v8;
	v7 =	vadd.f32 v7, v13  }
0x96: {  	v13 =	vadd.f32 v19, v61;
	v33 =	vadd.f32 v18, v16;
	v16 =	vmul.f32 v37, v37  }
0x97: {  	v19 =	vmul.f32 v40, v40;
	(v2sf) =	vpush v44, $0x0;
	v8 =	vadd.f32 v8, v14  }
0x98: {  	v53 =	vld [tilespmem:s12+$0x90];
	v14 =	vadd.f32 v46, v45;
	v9 =	vadd.f32 v9, v13;
	v46 =	vmpcnt.ones.xlane vm13  }
0x99: {  	[tilespmem:$0x1FFD0] =	vst v10;
	v10 =	vmul.f32 v21, v21;
	v13 =	vsub.f32 v35, v4;
	v16 =	vadd.f32 v19, v16  }
0x9a: {  	v17 =	vmul.f32 v17, v17;
	v12 =	vadd.f32 v12, v14;
	(v2sf) =	vpush v46, $0x0  }
0x9b: {  	vm6 =	vlt.f32 v8, $1.000000000e+00;
	v8 =	vimm.s32 $0x0;
	(v2sf) =	vpush v48, $0x0  }
0x9c: {  	v14 =	vadd.f32 v59, v58;
	v8 =	vsel vm6, $0xFFFFFFFF, v8;
	(v2sf) =	vpush v49, $0x0  }
0x9d: {  	v45 =	vld [tilespmem:s29+$0xB0];
	[tilespmem:$0x1FFF0] =	vst v8;
	v8 =	vsub.f32 v53, v4;
	v53 =	vmpcnt.ones.xlane vm5;
	(v2sf) =	vpush v50, $0x0  }
0x9e: {  	v19 =	vmul.f32 v54, v54;
	v13 =	vmul.f32 v13, v13;
	(v2sf) =	vpush v51, $0x0  }
0x9f: {  	vm8 =	vlt.f32 v9, $1.000000000e+00;
	v10 =	vadd.f32 v10, v14;
	(v2sf) =	vpush v53, $0x0  }
0xa0: {  	v58 =	vmpcnt.ones.xlane vm6;
	v13 =	vadd.f32 v17, v13;
	(v2sf) =	vpush v55, $0x0  }
0xa1: {  	vm4 =	vlt.f32 v12, $1.000000000e+00;
	v8 =	vmul.f32 v8, v8;
	(v2sf) =	vpush v56, $0x0  }
0xa2: {  	vm5 =	vlt.f32 v7, $1.000000000e+00;
	v52 =	vsub.f32 v45, v6;
	(v2sf) =	vpush v57, $0x0  }
0xa3: {  	v12 =	vmpcnt.ones.xlane vm4;
	v8 =	vadd.f32 v15, v8;
	(v2sf) =	vpush v58, $0x0  }
0xa4: {  	v7 =	vmpcnt.ones.xlane vm5;
	vm6 =	vlt.f32 v10, $1.000000000e+00;
	(v2sf) =	vpush v11, $0x0  }
0xa5: {  	v10 =	vmpcnt.ones.xlane vm6;
	v8 =	vadd.f32 v32, v8;
	(v2sf) =	vpush v12, $0x0  }
0xa6: {  	s2 =	spop (v2sf);
	v17 =	vmul.f32 v52, v52;
	(v2sf) =	vpush v7, $0x0;
	v7 =	vmpcnt.ones.xlane vm8  }
0xa7: {  	s23 =	sadd.s32 $0xFFFFFE80, s19;
	v14 =	vadd.f32 v34, v33;
	s21 =	spop (v2sf);
	vm7 =	vlt.f32 v8, $1.000000000e+00;
	(v2sf) =	vpush v10, $0x0  }
0xa8: {  	s22 =	spop (v2sf);
	v8 =	vadd.f32 v17, v16;
	(v2sf) =	vpush v7, $0x0;
	v7 =	vor.u32 s23, v0;
	s23 =	sadd.s32 $0xFFFFFE90, s19  }
0xa9: {  	s2 =	sadd.s32 s0, s2;
	v59 =	vmpcnt.ones.xlane vm7;
	[tilespmem:s0+$0xEE60] =	vst.msk vm2, v7;
	v7 =	vor.u32 s23, v0;
	s23 =	sadd.s32 $0xFFFFFEA0, s19;
	vm2 =	vlt.f32 v14, $1.000000000e+00  }
0xaa: {  	s21 =	sadd.s32 s21, s2;
	vm1 =	vlt.f32 v8, $1.000000000e+00;
	[tilespmem:s2+$0xEE60] =	vst.msk vm0, v7;
	v7 =	vmpcnt.ones.xlane vm2;
	v61 =	vor.u32 s23, v0;
	s23 =	sadd.s32 $0xFFFFFEB0, s19  }
0xab: {  	s20 =	spop (v2sf);
	s22 =	sadd.s32 s22, s21;
	v8 =	vmpcnt.ones.xlane vm1;
	(v2sf) =	vpush v59, $0x0;
	[tilespmem:s21+$0xEE60] =	vst.msk vm9, v61;
	v62 =	vor.u32 s23, v0;
	s23 =	sadd.s32 $0xFFFFFEC0, s19  }
0xac: {  	s20 =	sadd.s32 s20, s22;
	s0 =	spop (v2sf);
	[tilespmem:s22+$0xEE60] =	vst.msk vm10, v62;
	(v2sf) =	vpush v7, $0x0;
	v63 =	vor.u32 s23, v0;
	s23 =	sadd.s32 $0xFFFFFED0, s19  }
0xad: {  	v60 =	vadd.f32 v19, v13;
	s2 =	spop (v2sf);
	s0 =	sadd.s32 s0, s20;
	[tilespmem:s20+$0xEE60] =	vst.msk vm11, v63;
	(v2sf) =	vpush v8, $0x0;
	v8 =	vor.u32 s23, v0  }
0xae: {  	[tilespmem:s0+$0xEE60] =	vst.msk vm12, v8;
	v8 =	vld [tilespmem:$0x1FF90]  }
0xaf: {  	vm0 =	vlt.f32 v60, $1.000000000e+00  }
0xb0: {  	v7 =	vmpcnt.ones.xlane vm0  }
0xb1: {  	s23 =	sadd.s32 $0xFFFFFEE0, s19  }
0xb2: {  	s21 =	spop (v2sf);
	s2 =	sadd.s32 s2, s0;
	(v2sf) =	vpush v7, $0x0;
	v7 =	vor.u32 s23, v0  }
0xb3: {  	[tilespmem:s2+$0xEE60] =	vst.msk vm13, v7;
	vm13 =	vnez.u8 v8;
	v8 =	vld [tilespmem:$0x1FFA0];
	_ =	sdelay $0x2  }
0xb4: {  	s23 =	sadd.s32 $0xFFFFFEF0, s19  }
0xb5: {  	s21 =	sadd.s32 s21, s2;
	v7 =	vor.u32 s23, v0  }
0xb6: {  	[tilespmem:s21+$0xEE60] =	vst.msk vm14, v7;
	vm14 =	vnez.u8 v8;
	v8 =	vld [tilespmem:$0x1FFB0];
	_ =	sdelay $0x2  }
0xb7: {  	s22 =	spop (v2sf);
	s23 =	sadd.s32 $0xFFFFFF00, s19  }
0xb8: {  	s22 =	sadd.s32 s22, s21;
	v7 =	vor.u32 s23, v0  }
0xb9: {  	[tilespmem:s22+$0xEE60] =	vst.msk vm15, v7;
	vm15 =	vnez.u8 v8;
	v8 =	vld [tilespmem:$0x1FFC0];
	_ =	sdelay $0x4  }
0xba: {  	vm12 =	vnez.u8 v8;
	v8 =	vld [tilespmem:$0x1FFD0];
	_ =	sdelay $0x2  }
0xbb: {  	s20 =	spop (v2sf);
	s23 =	sadd.s32 $0xFFFFFF10, s19  }
0xbc: {  	s20 =	sadd.s32 s20, s22;
	v7 =	vor.u32 s23, v0  }
0xbd: {  	[tilespmem:s20+$0xEE60] =	vst.msk vm13, v7;
	vm13 =	vnez.u8 v8;
	v8 =	vld [tilespmem:$0x1FFE0]  }
0xbe: {  	s0 =	spop (v2sf)  }
0xbf: {  	s2 =	spop (v2sf);
	s0 =	sadd.s32 s0, s20  }
0xc0: {  	s21 =	spop (v2sf);
	s2 =	sadd.s32 s2, s0;
	s23 =	sadd.s32 $0xFFFFFF20, s19  }
0xc1: {  	s22 =	spop (v2sf);
	s21 =	sadd.s32 s21, s2;
	v7 =	vor.u32 s23, v0  }
0xc2: {  	s22 =	sadd.s32 s22, s21;
	s20 =	spop (v2sf);
	s23 =	sadd.s32 $0xFFFFFF30, s19;
	[tilespmem:s0+$0xEE60] =	vst.msk vm14, v7;
	vm14 =	vnez.u8 v8;
	v8 =	vld [tilespmem:$0x1FFF0]  }
0xc3: {  	s20 =	sadd.s32 s20, s22;
	s0 =	spop (v2sf);
	v7 =	vor.u32 s23, v0;
	s23 =	sadd.s32 $0xFFFFFF40, s19  }
0xc4: {  	s0 =	sadd.s32 s0, s20;
	[tilespmem:s2+$0xEE60] =	vst.msk vm15, v7;
	s2 =	spop (v2sf);
	v7 =	vor.u32 s23, v0;
	s23 =	sadd.s32 $0xFFFFFF50, s19  }
0xc5: {  	s2 =	sadd.s32 s2, s0;
	[tilespmem:s21+$0xEE60] =	vst.msk vm12, v7;
	s21 =	spop (v2sf);
	v7 =	vor.u32 s23, v0;
	s23 =	sadd.s32 $0xFFFFFF60, s19  }
0xc6: {  	s21 =	sadd.s32 s21, s2;
	[tilespmem:s22+$0xEE60] =	vst.msk vm13, v7;
	s22 =	spop (v2sf);
	v7 =	vor.u32 s23, v0;
	s23 =	sadd.s32 $0xFFFFFF70, s19  }
0xc7: {  	s22 =	sadd.s32 s22, s21;
	[tilespmem:s20+$0xEE60] =	vst.msk vm14, v7;
	s20 =	spop (v2sf);
	v7 =	vor.u32 s23, v0;
	s23 =	sadd.s32 $0xFFFFFF80, s19;
	vm15 =	vnez.u8 v8  }
0xc8: {  	s20 =	sadd.s32 s20, s22;
	[tilespmem:s0+$0xEE60] =	vst.msk vm15, v7;
	s0 =	spop (v2sf);
	v7 =	vor.u32 s23, v0;
	s23 =	sadd.s32 $0xFFFFFF90, s19  }
0xc9: {  	[tilespmem:s2+$0xEE60] =	vst.msk vm3, v7;
	s2 =	spop (v2sf);
	v7 =	vor.u32 s23, v0;
	s23 =	sadd.s32 $0xFFFFFFA0, s19;
	s0 =	sadd.s32 s0, s20  }
0xca: {  	[tilespmem:s21+$0xEE60] =	vst.msk vm4, v7;
	s21 =	spop (v2sf);
	v7 =	vor.u32 s23, v0;
	s23 =	sadd.s32 $0xFFFFFFB0, s19;
	s2 =	sadd.s32 s2, s0  }
0xcb: {  	[tilespmem:s22+$0xEE60] =	vst.msk vm5, v7;
	s22 =	spop (v2sf);
	v7 =	vor.u32 s23, v0;
	s23 =	sadd.s32 $0xFFFFFFC0, s19;
	s21 =	sadd.s32 s21, s2  }
0xcc: {  	[tilespmem:s20+$0xEE60] =	vst.msk vm6, v7;
	s20 =	spop (v2sf);
	v7 =	vor.u32 s23, v0;
	s22 =	sadd.s32 s22, s21  }
0xcd: {  	[tilespmem:s0+$0xEE60] =	vst.msk vm8, v7;
	s0 =	spop (v2sf);
	s20 =	sadd.s32 s20, s22  }
0xce: {  	p0 =	sgt.u32 s31, $0x30;
	s0 =	sadd.s32 s0, s20  }
0xcf: {  	p1 =	slt.s32 @!p0 s0, $0x200  }
0xd0: {  	s23 =	sadd.s32 $0xFFFFFFD0, s19;
	p0 =	por p0, !p1  }
.Ltmp5:
0xd1: {  	v7 =	vor.u32 s23, v0;
	s23 =	sadd.s32 $0xFFFFFFE0, s19;
	(pc) =	sbr.rel @!p0 .LBB2_4-.Ltmp5, $4  }
0xd2: {  	[tilespmem:s2+$0xEE60] =	vst.msk vm7, v7;
	v7 =	vor.u32 s23, v0;
	s23 =	sadd.s32 $0xFFFFFFF0, s19  }
0xd3: {  	[tilespmem:s21+$0xEE60] =	vst.msk vm2, v7;
	v7 =	vor.u32 s23, v0  }
0xd4: {  	s31 =	sadd.s32 $0x1, s31;
	s18 =	sadd.s32 $0x190, s18;
	[tilespmem:s22+$0xEE60] =	vst.msk vm1, v7;
	v7 =	vor.u32 s19, v0  }
0xd5: {  	s12 =	sadd.s32 $0x190, s12;
	s29 =	sadd.s32 $0x190, s29;
	s19 =	sadd.s32 $0x190, s19;
	[tilespmem:s20+$0xEE60] =	vst.msk vm0, v7  }
0xd6: {  	v7 =	vld [tilespmem:$0xEE60];
	_ =	sdelay $0x4  }
0xd7: {  	(v2sf) =	vpush v7, $0x0;
	_ =	sdelay $0xc  }
0xd8: {  	p0 =	seq.s32 s11, $0x1  }
0xd9: {  	v8 =	vld @!p0 [tilespmem:$0xEE70]  }
0xda: {  	p1 =	sgt.s32 s0, $0x0;
	s12 =	smov.u32 s13;
	v9 =	vld @!p0 [tilespmem:$0xEE80];
	s2 =	spop (v2sf)  }
0xdb: {  	v5 =	vmov s0;
	v6 =	vlaneseq.u32 @!p0;
	v10 =	vld @!p0 [tilespmem:$0xEE90];
	s12 =	smov.u32 @p1 s2  }
0xdc: {  	v12 =	vld @!p0 [tilespmem:$0xEEA0];
	vm0 =	vgt.s32 @!p0 v5, v6;
	v11 =	vor.u32 @!p0 $0x10, v6;
	v4 =	vmov s12  }
0xdd: {  	v13 =	vld @!p0 [tilespmem:$0xEEB0];
	v7 =	vsel @!p0 vm0, v7, v4;
	vm0 =	vgt.s32 @!p0 v5, v11;
	v11 =	vor.u32 @!p0 $0x20, v6  }
0xde: {  	[tilespmem:$0xF200] =	vst @!p0 v7;
	v7 =	vsel @!p0 vm0, v8, v4;
	vm0 =	vgt.s32 @!p0 v5, v11;
	v8 =	vor.u32 @!p0 $0x30, v6;
	v11 =	vld @!p0 [tilespmem:$0xEEC0]  }
0xdf: {  	[tilespmem:$0xF210] =	vst @!p0 v7;
	v7 =	vsel @!p0 vm0, v9, v4;
	vm0 =	vgt.s32 @!p0 v5, v8;
	v8 =	vor.u32 @!p0 $0x40, v6;
	v9 =	vld @!p0 [tilespmem:$0xEED0]  }
0xe0: {  	[tilespmem:$0xF220] =	vst @!p0 v7;
	v7 =	vsel @!p0 vm0, v10, v4;
	vm0 =	vgt.s32 @!p0 v5, v8;
	v8 =	vor.u32 @!p0 $0x50, v6  }
0xe1: {  	[tilespmem:$0xF230] =	vst @!p0 v7;
	v7 =	vsel @!p0 vm0, v12, v4;
	vm0 =	vgt.s32 @!p0 v5, v8;
	v8 =	vor.u32 @!p0 $0x60, v6  }
0xe2: {  	[tilespmem:$0xF240] =	vst @!p0 v7;
	v7 =	vsel @!p0 vm0, v13, v4;
	vm0 =	vgt.s32 @!p0 v5, v8;
	v8 =	vor.u32 @!p0 $0x70, v6  }
0xe3: {  	[tilespmem:$0xF250] =	vst @!p0 v7;
	v7 =	vsel @!p0 vm0, v11, v4;
	vm0 =	vgt.s32 @!p0 v5, v8  }
0xe4: {  	[tilespmem:$0xF260] =	vst @!p0 v7;
	v7 =	vsel @!p0 vm0, v9, v4  }
0xe5: {  	s0 =	simm.s32 @!p0 $0x80;
	s2 =	simm.s32 @!p0 $0xF200;
	s12 =	simm.s32 @!p0 $0xF600;
	[tilespmem:$0xF270] =	vst @!p0 v7  }
0xe6: {  	[tilespmem:s12], [sflag:$0x1] =	stream.indirect.gather @!p0 [hbm4b:s1+s0], $0x8, s2, s0, $0xb8;
	[tilespmem:$0x13600] =	vst v63  }
0xe7: {  	v7 =	vld @!p0 [tilespmem:$0xEEE0]  }
0xe8: {  	v8 =	vld @!p0 [tilespmem:$0xEEF0]  }
0xe9: {  	v9 =	vld @!p0 [tilespmem:$0xEF00]  }
0xea: {  	v10 =	vor.u32 @!p0 $0x80, v6;
	v11 =	vld @!p0 [tilespmem:$0xEF10]  }
0xeb: {  	vm0 =	vgt.s32 @!p0 v5, v10;
	v10 =	vor.u32 @!p0 $0x90, v6;
	v12 =	vld @!p0 [tilespmem:$0xEF20]  }
0xec: {  	v13 =	vld @!p0 [tilespmem:$0xEF30];
	v7 =	vsel @!p0 vm0, v7, v4;
	vm0 =	vgt.s32 @!p0 v5, v10;
	v10 =	vor.u32 @!p0 $0xA0, v6  }
0xed: {  	[tilespmem:$0xF280] =	vst @!p0 v7;
	v7 =	vsel @!p0 vm0, v8, v4;
	vm0 =	vgt.s32 @!p0 v5, v10;
	v8 =	vor.u32 @!p0 $0xB0, v6;
	v10 =	vld @!p0 [tilespmem:$0xEF40]  }
0xee: {  	[tilespmem:$0xF290] =	vst @!p0 v7;
	v7 =	vsel @!p0 vm0, v9, v4;
	vm0 =	vgt.s32 @!p0 v5, v8;
	v8 =	vor.u32 @!p0 $0xC0, v6;
	v9 =	vld @!p0 [tilespmem:$0xEF50]  }
0xef: {  	[tilespmem:$0xF2A0] =	vst @!p0 v7;
	v7 =	vsel @!p0 vm0, v11, v4;
	vm0 =	vgt.s32 @!p0 v5, v8;
	v8 =	vor.u32 @!p0 $0xD0, v6  }
0xf0: {  	[tilespmem:$0xF2B0] =	vst @!p0 v7;
	v7 =	vsel @!p0 vm0, v12, v4;
	vm0 =	vgt.s32 @!p0 v5, v8;
	v8 =	vor.u32 @!p0 $0xE0, v6  }
0xf1: {  	[tilespmem:$0xF2C0] =	vst @!p0 v7;
	v7 =	vsel @!p0 vm0, v13, v4;
	vm0 =	vgt.s32 @!p0 v5, v8;
	v8 =	vor.u32 @!p0 $0xF0, v6  }
0xf2: {  	[tilespmem:$0xF2D0] =	vst @!p0 v7;
	v7 =	vsel @!p0 vm0, v10, v4;
	vm0 =	vgt.s32 @!p0 v5, v8  }
0xf3: {  	[tilespmem:$0xF2E0] =	vst @!p0 v7;
	v7 =	vsel @!p0 vm0, v9, v4  }
0xf4: {  	s2 =	simm.s32 @!p0 $0xF280;
	s12 =	simm.s32 @!p0 $0xFA00;
	[tilespmem:$0xF2F0] =	vst @!p0 v7  }
0xf5: {  	[tilespmem:s12], [sflag:$0x1] =	stream.indirect.gather @!p0 [hbm4b:s1+s0], $0x8, s2, s0, $0xb8;
	[tilespmem:$0x13600] =	vst v63  }
0xf6: {  	v7 =	vld @!p0 [tilespmem:$0xEF60]  }
0xf7: {  	v8 =	vld @!p0 [tilespmem:$0xEF70]  }
0xf8: {  	v9 =	vld @!p0 [tilespmem:$0xEF80]  }
0xf9: {  	v10 =	vor.u32 @!p0 $0x100, v6;
	v11 =	vld @!p0 [tilespmem:$0xEF90]  }
0xfa: {  	vm0 =	vgt.s32 @!p0 v5, v10;
	v10 =	vor.u32 @!p0 $0x110, v6;
	v12 =	vld @!p0 [tilespmem:$0xEFA0]  }
0xfb: {  	v13 =	vld @!p0 [tilespmem:$0xEFB0];
	v7 =	vsel @!p0 vm0, v7, v4;
	vm0 =	vgt.s32 @!p0 v5, v10;
	v10 =	vor.u32 @!p0 $0x120, v6  }
0xfc: {  	[tilespmem:$0xF300] =	vst @!p0 v7;
	v7 =	vsel @!p0 vm0, v8, v4;
	vm0 =	vgt.s32 @!p0 v5, v10;
	v8 =	vor.u32 @!p0 $0x130, v6;
	v10 =	vld @!p0 [tilespmem:$0xEFC0]  }
0xfd: {  	[tilespmem:$0xF310] =	vst @!p0 v7;
	v7 =	vsel @!p0 vm0, v9, v4;
	vm0 =	vgt.s32 @!p0 v5, v8;
	v8 =	vor.u32 @!p0 $0x140, v6;
	v9 =	vld @!p0 [tilespmem:$0xEFD0]  }
0xfe: {  	[tilespmem:$0xF320] =	vst @!p0 v7;
	v7 =	vsel @!p0 vm0, v11, v4;
	vm0 =	vgt.s32 @!p0 v5, v8;
	v8 =	vor.u32 @!p0 $0x150, v6  }
0xff: {  	[tilespmem:$0xF330] =	vst @!p0 v7;
	v7 =	vsel @!p0 vm0, v12, v4;
	vm0 =	vgt.s32 @!p0 v5, v8;
	v8 =	vor.u32 @!p0 $0x160, v6  }
0x100: {  	[tilespmem:$0xF340] =	vst @!p0 v7;
	v7 =	vsel @!p0 vm0, v13, v4;
	vm0 =	vgt.s32 @!p0 v5, v8;
	v8 =	vor.u32 @!p0 $0x170, v6  }
0x101: {  	[tilespmem:$0xF350] =	vst @!p0 v7;
	v7 =	vsel @!p0 vm0, v10, v4;
	vm0 =	vgt.s32 @!p0 v5, v8  }
0x102: {  	[tilespmem:$0xF360] =	vst @!p0 v7;
	v7 =	vsel @!p0 vm0, v9, v4  }
0x103: {  	s2 =	simm.s32 @!p0 $0xF300;
	s12 =	simm.s32 @!p0 $0xFE00;
	[tilespmem:$0xF370] =	vst @!p0 v7  }
0x104: {  	[tilespmem:s12], [sflag:$0x1] =	stream.indirect.gather @!p0 [hbm4b:s1+s0], $0x8, s2, s0, $0xb8;
	[tilespmem:$0x13600] =	vst v63  }
0x105: {  	v7 =	vld @!p0 [tilespmem:$0xEFE0]  }
0x106: {  	v8 =	vld @!p0 [tilespmem:$0xEFF0]  }
0x107: {  	v9 =	vld @!p0 [tilespmem:$0xF000]  }
0x108: {  	v10 =	vor.u32 @!p0 $0x180, v6;
	v11 =	vld @!p0 [tilespmem:$0xF010]  }
0x109: {  	vm0 =	vgt.s32 @!p0 v5, v10;
	v10 =	vor.u32 @!p0 $0x190, v6;
	v12 =	vld @!p0 [tilespmem:$0xF020]  }
0x10a: {  	v13 =	vld @!p0 [tilespmem:$0xF030];
	v7 =	vsel @!p0 vm0, v7, v4;
	vm0 =	vgt.s32 @!p0 v5, v10;
	v10 =	vor.u32 @!p0 $0x1A0, v6  }
0x10b: {  	[tilespmem:$0xF380] =	vst @!p0 v7;
	v7 =	vsel @!p0 vm0, v8, v4;
	vm0 =	vgt.s32 @!p0 v5, v10;
	v8 =	vor.u32 @!p0 $0x1B0, v6;
	v10 =	vld @!p0 [tilespmem:$0xF040]  }
0x10c: {  	[tilespmem:$0xF390] =	vst @!p0 v7;
	v7 =	vsel @!p0 vm0, v9, v4;
	vm0 =	vgt.s32 @!p0 v5, v8;
	v8 =	vor.u32 @!p0 $0x1C0, v6;
	v9 =	vld @!p0 [tilespmem:$0xF050]  }
0x10d: {  	[tilespmem:$0xF3A0] =	vst @!p0 v7;
	v7 =	vsel @!p0 vm0, v11, v4;
	vm0 =	vgt.s32 @!p0 v5, v8;
	v8 =	vor.u32 @!p0 $0x1D0, v6  }
0x10e: {  	[tilespmem:$0xF3B0] =	vst @!p0 v7;
	v7 =	vsel @!p0 vm0, v12, v4;
	vm0 =	vgt.s32 @!p0 v5, v8;
	v8 =	vor.u32 @!p0 $0x1E0, v6  }
0x10f: {  	v6 =	vor.u32 @!p0 $0x1F0, v6;
	[tilespmem:$0xF3C0] =	vst @!p0 v7;
	v7 =	vsel @!p0 vm0, v13, v4;
	vm0 =	vgt.s32 @!p0 v5, v8  }
0x110: {  	[tilespmem:$0xF3D0] =	vst @!p0 v7;
	v7 =	vsel @!p0 vm0, v10, v4;
	vm0 =	vgt.s32 @!p0 v5, v6  }
0x111: {  	[tilespmem:$0xF3E0] =	vst @!p0 v7;
	v6 =	vsel @!p0 vm0, v9, v4  }
0x112: {  	p1 =	seq.s32 @!p0 s11, $0x0;
	s2 =	simm.s32 @!p0 $0xF380;
	s12 =	simm.s32 @!p0 $0x10200;
	[tilespmem:$0xF3F0] =	vst @!p0 v6  }
0x113: {  	[tilespmem:s12], [sflag:$0x1] =	stream.indirect.gather @!p0 [hbm4b:s1+s0], $0x8, s2, s0, $0xb8;
	[tilespmem:$0x13600] =	vst v63  }
0x114: {  	p0 =	por p0, !p1  }
.Ltmp6:
0x115: {  	_ = 	snop;
	(pc) =	sbr.rel @!p0 .LBB2_7-.Ltmp6, $1  }
0x116: {  	_ =	sdelay $0x3  }
0x117: {  	v6 =	vld [tilespmem:$0xEE60]  }
0x118: {  	v7 =	vld [tilespmem:$0xEE70]  }
0x119: {  	v8 =	vld [tilespmem:$0xEE80]  }
0x11a: {  	v9 =	vld [tilespmem:$0xEE90]  }
0x11b: {  	vm0 =	vgt.s32 v5, v0;
	v10 =	vor.u32 $0x10, v0;
	v11 =	vld [tilespmem:$0xEEA0]  }
0x11c: {  	v34 =	vor.u32 $0x20, v0;
	v12 =	vld [tilespmem:$0xEEB0];
	vm9 =	vgt.s32 v5, v10;
	v6 =	vsel vm0, v6, v4  }
0x11d: {  	v36 =	vor.u32 $0x30, v0;
	v37 =	vld [tilespmem:$0xEEC0];
	vm10 =	vgt.s32 v5, v34;
	v35 =	vsel vm9, v7, v4;
	[tilespmem:$0xF400] =	vst v6  }
0x11e: {  	v39 =	vor.u32 $0x40, v0;
	v40 =	vld [tilespmem:$0xEED0];
	vm11 =	vgt.s32 v5, v36;
	v38 =	vsel vm10, v8, v4;
	[tilespmem:$0xF410] =	vst v35  }
0x11f: {  	v42 =	vor.u32 $0x50, v0;
	vm12 =	vgt.s32 v5, v39;
	v41 =	vsel vm11, v9, v4;
	[tilespmem:$0xF420] =	vst v38  }
0x120: {  	v44 =	vor.u32 $0x60, v0;
	vm13 =	vgt.s32 v5, v42;
	v43 =	vsel vm12, v11, v4;
	[tilespmem:$0xF430] =	vst v41  }
0x121: {  	v46 =	vor.u32 $0x70, v0;
	vm14 =	vgt.s32 v5, v44;
	v45 =	vsel vm13, v12, v4;
	[tilespmem:$0xF440] =	vst v43  }
0x122: {  	vm15 =	vgt.s32 v5, v46;
	v47 =	vsel vm14, v37, v4;
	[tilespmem:$0xF450] =	vst v45  }
0x123: {  	v48 =	vsel vm15, v40, v4;
	[tilespmem:$0xF460] =	vst v47  }
0x124: {  	s0 =	simm.s32 $0xF400;
	s2 =	simm.s32 $0x10600;
	[tilespmem:$0xF470] =	vst v48  }
0x125: {  	[tilespmem:s2], [sflag:$0x2] =	stream.indirect.gather [hbm4b:s1+s28], $0x8, s0, s28, $0xb8;
	[tilespmem:$0x13600] =	vst v63  }
0x126: {  	v49 =	vld [tilespmem:$0xEEE0]  }
0x127: {  	v50 =	vld [tilespmem:$0xEEF0]  }
0x128: {  	v51 =	vld [tilespmem:$0xEF00]  }
0x129: {  	v52 =	vor.u32 $0x80, v0;
	v53 =	vld [tilespmem:$0xEF10]  }
0x12a: {  	v54 =	vor.u32 $0x90, v0;
	vm4 =	vgt.s32 v5, v52;
	v55 =	vld [tilespmem:$0xEF20]  }
0x12b: {  	v56 =	vor.u32 $0xA0, v0;
	vm5 =	vgt.s32 v5, v54;
	v57 =	vld [tilespmem:$0xEF30];
	v6 =	vsel vm4, v49, v4  }
0x12c: {  	v59 =	vor.u32 $0xB0, v0;
	vm6 =	vgt.s32 v5, v56;
	v60 =	vld [tilespmem:$0xEF40];
	v58 =	vsel vm5, v50, v4;
	[tilespmem:$0xF480] =	vst v6  }
0x12d: {  	v62 =	vor.u32 $0xC0, v0;
	vm7 =	vgt.s32 v5, v59;
	v63 =	vld [tilespmem:$0xEF50];
	v61 =	vsel vm6, v51, v4;
	[tilespmem:$0xF490] =	vst v58  }
0x12e: {  	v13 =	vor.u32 $0xD0, v0;
	vm8 =	vgt.s32 v5, v62;
	v10 =	vsel vm7, v53, v4;
	[tilespmem:$0xF4A0] =	vst v61  }
0x12f: {  	v15 =	vor.u32 $0xE0, v0;
	vm9 =	vgt.s32 v5, v13;
	v14 =	vsel vm8, v55, v4;
	[tilespmem:$0xF4B0] =	vst v10  }
0x130: {  	v17 =	vor.u32 $0xF0, v0;
	vm10 =	vgt.s32 v5, v15;
	v16 =	vsel vm9, v57, v4;
	[tilespmem:$0xF4C0] =	vst v14  }
0x131: {  	vm11 =	vgt.s32 v5, v17;
	v18 =	vsel vm10, v60, v4;
	[tilespmem:$0xF4D0] =	vst v16  }
0x132: {  	v19 =	vsel vm11, v63, v4;
	[tilespmem:$0xF4E0] =	vst v18  }
0x133: {  	s20 =	simm.s32 $0xF480;
	s21 =	simm.s32 $0x10A00;
	[tilespmem:$0xF4F0] =	vst v19  }
0x134: {  	[tilespmem:s21], [sflag:$0x2] =	stream.indirect.gather [hbm4b:s1+s28], $0x8, s20, s28, $0xb8;
	[tilespmem:$0x13600] =	vst v63  }
0x135: {  	v20 =	vld [tilespmem:$0xEF60]  }
0x136: {  	v21 =	vld [tilespmem:$0xEF70]  }
0x137: {  	v22 =	vld [tilespmem:$0xEF80]  }
0x138: {  	v23 =	vor.u32 $0x100, v0;
	v24 =	vld [tilespmem:$0xEF90]  }
0x139: {  	v25 =	vor.u32 $0x110, v0;
	vm12 =	vgt.s32 v5, v23;
	v26 =	vld [tilespmem:$0xEFA0]  }
0x13a: {  	v27 =	vor.u32 $0x120, v0;
	vm13 =	vgt.s32 v5, v25;
	v28 =	vld [tilespmem:$0xEFB0];
	v6 =	vsel vm12, v20, v4  }
0x13b: {  	v30 =	vor.u32 $0x130, v0;
	vm14 =	vgt.s32 v5, v27;
	v31 =	vld [tilespmem:$0xEFC0];
	v29 =	vsel vm13, v21, v4;
	[tilespmem:$0xF500] =	vst v6  }
0x13c: {  	v33 =	vor.u32 $0x140, v0;
	vm15 =	vgt.s32 v5, v30;
	v34 =	vld [tilespmem:$0xEFD0];
	v32 =	vsel vm14, v22, v4;
	[tilespmem:$0xF510] =	vst v29  }
0x13d: {  	v36 =	vor.u32 $0x150, v0;
	vm4 =	vgt.s32 v5, v33;
	v35 =	vsel vm15, v24, v4;
	[tilespmem:$0xF520] =	vst v32  }
0x13e: {  	v38 =	vor.u32 $0x160, v0;
	vm5 =	vgt.s32 v5, v36;
	v37 =	vsel vm4, v26, v4;
	[tilespmem:$0xF530] =	vst v35  }
0x13f: {  	v40 =	vor.u32 $0x170, v0;
	vm6 =	vgt.s32 v5, v38;
	v39 =	vsel vm5, v28, v4;
	[tilespmem:$0xF540] =	vst v37  }
0x140: {  	vm7 =	vgt.s32 v5, v40;
	v41 =	vsel vm6, v31, v4;
	[tilespmem:$0xF550] =	vst v39  }
0x141: {  	v42 =	vsel vm7, v34, v4;
	[tilespmem:$0xF560] =	vst v41  }
0x142: {  	s22 =	simm.s32 $0xF500;
	s23 =	simm.s32 $0x10E00;
	[tilespmem:$0xF570] =	vst v42  }
0x143: {  	[tilespmem:s23], [sflag:$0x2] =	stream.indirect.gather [hbm4b:s1+s28], $0x8, s22, s28, $0xb8;
	[tilespmem:$0x13600] =	vst v63  }
0x144: {  	v43 =	vld [tilespmem:$0xEFE0]  }
0x145: {  	v44 =	vld [tilespmem:$0xEFF0]  }
0x146: {  	v45 =	vld [tilespmem:$0xF000]  }
0x147: {  	v46 =	vor.u32 $0x180, v0;
	v47 =	vld [tilespmem:$0xF010]  }
0x148: {  	v48 =	vor.u32 $0x190, v0;
	vm8 =	vgt.s32 v5, v46;
	v49 =	vld [tilespmem:$0xF020]  }
0x149: {  	vm9 =	vgt.s32 v5, v48;
	v50 =	vor.u32 $0x1A0, v0;
	v51 =	vld [tilespmem:$0xF030];
	v6 =	vsel vm8, v43, v4  }
0x14a: {  	v53 =	vor.u32 $0x1B0, v0;
	vm10 =	vgt.s32 v5, v50;
	v54 =	vld [tilespmem:$0xF040];
	v52 =	vsel vm9, v44, v4;
	[tilespmem:$0xF580] =	vst v6  }
0x14b: {  	v56 =	vor.u32 $0x1C0, v0;
	vm11 =	vgt.s32 v5, v53;
	v57 =	vld [tilespmem:$0xF050];
	v55 =	vsel vm10, v45, v4;
	[tilespmem:$0xF590] =	vst v52  }
0x14c: {  	v59 =	vor.u32 $0x1D0, v0;
	vm12 =	vgt.s32 v5, v56;
	v58 =	vsel vm11, v47, v4;
	[tilespmem:$0xF5A0] =	vst v55  }
0x14d: {  	v61 =	vor.u32 $0x1E0, v0;
	vm13 =	vgt.s32 v5, v59;
	v60 =	vsel vm12, v49, v4;
	[tilespmem:$0xF5B0] =	vst v58  }
0x14e: {  	v63 =	vor.u32 $0x1F0, v0;
	vm14 =	vgt.s32 v5, v61;
	v62 =	vsel vm13, v51, v4;
	[tilespmem:$0xF5C0] =	vst v60  }
0x14f: {  	vm15 =	vgt.s32 v5, v63;
	v9 =	vsel vm14, v54, v4;
	[tilespmem:$0xF5D0] =	vst v62  }
0x150: {  	v4 =	vsel vm15, v57, v4;
	[tilespmem:$0xF5E0] =	vst v9  }
0x151: {  	s29 =	simm.s32 $0xF580;
	s31 =	simm.s32 $0x11200;
	[tilespmem:$0xF5F0] =	vst v4  }
0x152: {  	[tilespmem:s31], [sflag:$0x2] =	stream.indirect.gather [hbm4b:s1+s28], $0x8, s29, s28, $0xb8;
	[tilespmem:$0x13600] =	vst v63  }
.LBB2_7:
0x153: {  	p0 =	sgt.u32 s10, $0x1  }
.Ltmp7:
0x154: {  	_ = 	snop;
	(pc) =	sbr.rel @!p0 .LBB2_8-.Ltmp7, $1  }
0x155: {  	_ =	sdelay $0x3  }
.LBB2_10:
0x156: {  	_ =	swait.ge [sflag:s24], $0x600  }
0x157: {  	[sflag:s24] =	ssyncset.done $0x0  }
0x158: {  	s11 =	sadd.s32 $0xFFFFFFFF, s10;
	[sflag:s24] =	ssyncadd.s32 $0xFFFFFA00  }
0x159: {  	s0 =	sand.u32 $0x1, s11;
	_ =	swait.ge [sflag:s24], $0xA00  }
0x15a: {  	s2 =	simm.s32 $0x2;
	p0 =	seq.s32 s0, $0x1;
	[sflag:s24] =	ssyncset.done $0x0  }
0x15b: {  	s0 =	sand.u32 $0x1, s11;
	s2 =	simm.s32 @!p0 $0x1;
	[sflag:s24] =	ssyncadd.s32 $0xFFFFF600  }
.LBB2_11:
0x15c: {  	s12 =	sshll.u32 s0, $0x9  }
0x15d: {  	s20 =	simm.s32 $0x0;
	v8 =	vor.u32 s12, v0  }
0x15e: {  	v4 =	vor.u32 s20, v8  }
0x15f: {  	v10 =	vshll.u32 v4, $0x3  }
0x160: {  	_ =	swait.ge [sflag:s2], $0x1000;
	v4 =	vor.u32 $0x1, v10  }
0x161: {  	s18 =	sshll.u32 s11, $0x4;
	[sflag:s2] =	ssyncset.done $0x0  }
0x162: {  	s21 =	sand.u32 $0x3FFFFFF0, s18;
	[sflag:s2] =	ssyncadd.s32 $0xFFFFF000  }
0x163: {  	s22 =	smul.u32 $0x600, s0;
	v13 =	vld [tilespmem:s21+$0xEA60]  }
0x164: {  	v11 =	vld.idx.msk [tilespmem:v10+s25+$0x0], $0xffff  }
0x165: {  	v9 =	vmov s22;
	v14 =	vld.idx.msk [tilespmem:v4+s25+$0x0], $0xffff;
	v4 =	vmov s20  }
0x166: {  	v12 =	vor.u32 $0x2, v10;
	v15 =	vor.u32 $0x5, v10;
	v5 =	vmul.u32 $0x3, v4  }
0x167: {  	v16 =	vor.u32 $0x3, v10;
	v17 =	vor.u32 $0x7, v10;
	v19 =	vor.u32 $0x6, v10  }
0x168: {  	v6 =	vbroadcast v13, $0x0;
	v7 =	vbroadcast v13, $0x1;
	v18 =	vadd.s32 v5, v9  }
0x169: {  	v20 =	vor.u32 $0x4, v10;
	v4 =	vbroadcast v13, $0x3;
	v18 =	vbroadcast v18, $0x0  }
0x16a: {  	v5 =	vbroadcast v13, $0x4;
	v10 =	vsub.f32 v11, v6;
	v22 =	vsub.f32 v14, v7  }
0x16b: {  	v21 =	vld.idx.msk [tilespmem:v12+s25+$0x0], $0xffff;
	v23 =	vadd.s32 v1, v18  }
0x16c: {  	v12 =	vld.idx.msk [tilespmem:v16+s25+$0x0], $0xffff;
	v16 =	vmul.f32 v10, v4;
	v25 =	vadd.s32 v2, v18;
	v24 =	vmul.f32 v22, v5  }
0x16d: {  	s23 =	smul.u32 $0x2800, s0;
	v14 =	vld.idx.msk [tilespmem:v17+s25+$0x0], $0xffff;
	v63 =	vmul.f32 v10, v5;
	v18 =	vadd.s32 v3, v18;
	v17 =	vmul.f32 v22, v4  }
0x16e: {  	v11 =	vld.idx.msk [tilespmem:v15+s25+$0x0], $0xffff;
	v10 =	vbroadcast v13, $0x2;
	v16 =	vadd.f32 v24, v16  }
0x16f: {  	s2 =	sshrl.u32 s23, $0x2;
	v15 =	vld.idx.msk [tilespmem:v19+s25+$0x0], $0xffff;
	v17 =	vsub.f32 v17, v63  }
0x170: {  	s23 =	simm.s32 $0x20;
	s31 =	sadd.s32 $0x12200, s2;
	s29 =	sadd.s32 $0x12400, s2;
	v13 =	vld.idx.msk [tilespmem:v20+s25+$0x0], $0xffff;
	v19 =	vsub.f32 v21, v10;
	[tilespmem:v23+s26+$0x0] =	vst.idx.msk $0xffff, v16  }
0x171: {  	s22 =	sadd.s32 $0x12600, s2;
	s21 =	simm.s32 $0x10;
	s18 =	sadd.s32 $0x12800, s2;
	[tilespmem:v25+s26+$0x0] =	vst.idx.msk $0xffff, v17  }
0x172: {  	s12 =	sadd.s32 $0x12A00, s2;
	s2 =	smov.u32 s22;
	s19 =	smov.u32 s22;
	v16 =	vor.u32 s21, v8;
	[tilespmem:v18+s26+$0x0] =	vst.idx.msk $0xffff, v19  }
.LBB2_12:
0x173: {  	p0 =	sne.s32 s23, $0x1F0  }
0x174: {  	v16 =	vshll.u32 v16, $0x3;
	[tilespmem:s2+$0x400] =	vst v14;
	s19 =	sadd.s32 $0x10, s19;
	s20 =	smov.u32 s23;
	s23 =	sadd.s32 $0x10, s23  }
0x175: {  	v14 =	vor.u32 $0x1, v16;
	v17 =	vor.u32 $0x2, v16;
	v18 =	vor.u32 $0x7, v16;
	[tilespmem:s2+$0x200] =	vst v15  }
0x176: {  	v15 =	vor.u32 $0x3, v16;
	v19 =	vor.u32 $0x4, v16;
	v20 =	vor.u32 $0x6, v16;
	[tilespmem:s2+$0x0] =	vst v11  }
0x177: {  	v11 =	vor.u32 $0x5, v16;
	[tilespmem:s2+$0xFFFFFC00] =	vst v12  }
0x178: {  	[tilespmem:s2+$0xFFFFFE00] =	vst v13;
	s2 =	smov.u32 s19  }
0x179: {  	v12 =	vld.idx.msk [tilespmem:v16+s25+$0x0], $0xffff  }
0x17a: {  	v13 =	vld.idx.msk [tilespmem:v14+s25+$0x0], $0xffff  }
0x17b: {  	v14 =	vmov s21;
	s21 =	smov.u32 s20  }
0x17c: {  	v14 =	vmul.u32 $0x3, v14;
	_ =	sdelay $0x1  }
0x17d: {  	v14 =	vadd.s32 v14, v9  }
0x17e: {  	v16 =	vsub.f32 v12, v6;
	v21 =	vbroadcast v14, $0x0  }
0x17f: {  	v13 =	vsub.f32 v13, v7;
	v17 =	vld.idx.msk [tilespmem:v17+s25+$0x0], $0xffff  }
0x180: {  	v22 =	vadd.s32 v1, v21;
	v11 =	vld.idx.msk [tilespmem:v11+s25+$0x0], $0xffff  }
0x181: {  	v23 =	vmul.f32 v16, v4;
	v25 =	vadd.s32 v2, v21;
	v24 =	vmul.f32 v13, v5;
	v12 =	vld.idx.msk [tilespmem:v15+s25+$0x0], $0xffff  }
0x182: {  	v16 =	vmul.f32 v16, v5;
	v21 =	vadd.s32 v3, v21;
	v14 =	vld.idx.msk [tilespmem:v18+s25+$0x0], $0xffff;
	v18 =	vmul.f32 v13, v4  }
.Ltmp8:
0x183: {  	v15 =	vld.idx.msk [tilespmem:v20+s25+$0x0], $0xffff;
	v20 =	vadd.f32 v24, v23;
	(pc) =	sbr.rel @p0 .LBB2_12-.Ltmp8, $4  }
0x184: {  	v13 =	vld.idx.msk [tilespmem:v19+s25+$0x0], $0xffff;
	v16 =	vsub.f32 v18, v16  }
0x185: {  	v17 =	vsub.f32 v17, v10;
	[tilespmem:v22+s26+$0x0] =	vst.idx.msk $0xffff, v20  }
0x186: {  	[tilespmem:v25+s26+$0x0] =	vst.idx.msk $0xffff, v16  }
0x187: {  	v16 =	vor.u32 s21, v8;
	[tilespmem:v21+s26+$0x0] =	vst.idx.msk $0xffff, v17  }
0x188: {  	v8 =	vshll.u32 v16, $0x3;
	[tilespmem:s2+$0x400] =	vst v14  }
0x189: {  	[tilespmem:s2+$0x200] =	vst v15;
	v51 =	vor.u32 $0x1, v8  }
0x18a: {  	[tilespmem:s2+$0x0] =	vst v11  }
0x18b: {  	[tilespmem:s2+$0xFFFFFC00] =	vst v12  }
0x18c: {  	[tilespmem:s2+$0xFFFFFE00] =	vst v13  }
0x18d: {  	v11 =	vld.idx.msk [tilespmem:v8+s25+$0x0], $0xffff  }
0x18e: {  	v53 =	vmov s21;
	v13 =	vld.idx.msk [tilespmem:v51+s25+$0x0], $0xffff  }
0x18f: {  	v52 =	vor.u32 $0x2, v8;
	v14 =	vmul.u32 $0x3, v53  }
0x190: {  	v54 =	vor.u32 $0x5, v8  }
0x191: {  	v16 =	vor.u32 $0x3, v8;
	v9 =	vadd.s32 v14, v9  }
0x192: {  	v17 =	vor.u32 $0x7, v8;
	v9 =	vbroadcast v9, $0x0  }
0x193: {  	v55 =	vor.u32 $0x6, v8;
	v6 =	vsub.f32 v11, v6;
	v7 =	vsub.f32 v13, v7  }
0x194: {  	v8 =	vor.u32 $0x4, v8;
	v56 =	vld.idx.msk [tilespmem:v52+s25+$0x0], $0xffff;
	v58 =	vadd.s32 v1, v9  }
0x195: {  	v57 =	vld.idx.msk [tilespmem:v54+s25+$0x0], $0xffff;
	v19 =	vadd.s32 v2, v9;
	v60 =	vmul.f32 v6, v4;
	v18 =	vmul.f32 v7, v5  }
0x196: {  	v59 =	vld.idx.msk [tilespmem:v16+s25+$0x0], $0xffff;
	v61 =	vadd.s32 v3, v9;
	v4 =	vmul.f32 v7, v4;
	v5 =	vmul.f32 v6, v5  }
0x197: {  	v17 =	vld.idx.msk [tilespmem:v17+s25+$0x0], $0xffff;
	v63 =	vadd.f32 v18, v60  }
0x198: {  	v62 =	vld.idx.msk [tilespmem:v55+s25+$0x0], $0xffff;
	v4 =	vsub.f32 v4, v5  }
0x199: {  	v8 =	vld.idx.msk [tilespmem:v8+s25+$0x0], $0xffff;
	v5 =	vsub.f32 v56, v10;
	[tilespmem:v58+s26+$0x0] =	vst.idx.msk $0xffff, v63  }
0x19a: {  	[tilespmem:v19+s26+$0x0] =	vst.idx.msk $0xffff, v4  }
0x19b: {  	s21 =	sadd.s32 $0x10, s19;
	s11 =	sadd.s32 s7, s11;
	[tilespmem:v61+s26+$0x0] =	vst.idx.msk $0xffff, v5  }
0x19c: {  	s23 =	sshll.u32 s11, $0x3;
	[tilespmem:s21+$0x400] =	vst v17  }
0x19d: {  	s0 =	smul.u32 $0x1800, s0;
	s19 =	sor.u32 s5, s23;
	[tilespmem:s21+$0x200] =	vst v62  }
0x19e: {  	s19 =	smul.u32 $0xC0, s19;
	[tilespmem:s21+$0x0] =	vst v57  }
0x19f: {  	s0 =	sshrl.u32 s0, $0x2;
	[tilespmem:s21+$0xFFFFFC00] =	vst v59  }
0x1a0: {  	s20 =	sadd.s32 s9, s11;
	s0 =	sadd.s32 $0x11600, s0;
	s19 =	sadd.s32 s3, s19;
	[tilespmem:s21+$0xFFFFFE00] =	vst v8  }
0x1a1: {  	[hbm4b:s19+s4] =	stream.linear.scatter [tilespmem:s0], [sflag:$0x3], $0x600, $0x38;
	[tilespmem:$0x13600] =	vst v63  }
0x1a2: {  	s0 =	sshll.u32 s20, $0x6  }
0x1a3: {  	s0 =	sand.u32 $0x1FFFFFC0, s0  }
0x1a4: {  	s21 =	sadd.s32 s14, s11;
	s0 =	sadd.s32 s6, s0  }
0x1a5: {  	[hbm4b:s0+s4] =	stream.linear.scatter [tilespmem:s31], [sflag:$0x3], $0x200, $0x38;
	[tilespmem:$0x13600] =	vst v63  }
0x1a6: {  	s0 =	sshll.u32 s21, $0x6  }
0x1a7: {  	s0 =	sand.u32 $0x1FFFFFC0, s0  }
0x1a8: {  	s23 =	sadd.s32 s15, s11;
	s0 =	sadd.s32 s6, s0  }
0x1a9: {  	[hbm4b:s0+s4] =	stream.linear.scatter [tilespmem:s29], [sflag:$0x3], $0x200, $0x38;
	[tilespmem:$0x13600] =	vst v63  }
0x1aa: {  	s0 =	sshll.u32 s23, $0x6  }
0x1ab: {  	s0 =	sand.u32 $0x1FFFFFC0, s0  }
0x1ac: {  	s29 =	sadd.s32 s16, s11;
	s0 =	sadd.s32 s6, s0  }
0x1ad: {  	[hbm4b:s0+s4] =	stream.linear.scatter [tilespmem:s22], [sflag:$0x3], $0x200, $0x38;
	[tilespmem:$0x13600] =	vst v63  }
0x1ae: {  	s0 =	sshll.u32 s29, $0x6  }
0x1af: {  	s0 =	sand.u32 $0x1FFFFFC0, s0  }
0x1b0: {  	s0 =	sadd.s32 s6, s0  }
0x1b1: {  	[hbm4b:s0+s4] =	stream.linear.scatter [tilespmem:s18], [sflag:$0x3], $0x200, $0x38;
	[tilespmem:$0x13600] =	vst v63  }
.Ltmp9:
0x1b2: {  	s31 =	sadd.s32 s17, s11;
	(pc) =	sbr.rel .LBB2_14-.Ltmp9, $4  }
0x1b3: {  	s0 =	sshll.u32 s31, $0x6  }
0x1b4: {  	s0 =	sand.u32 $0x1FFFFFC0, s0  }
0x1b5: {  	s0 =	sadd.s32 s6, s0  }
0x1b6: {  	[hbm4b:s0+s4] =	stream.linear.scatter [tilespmem:s12], [sflag:$0x3], $0x200, $0x38;
	[tilespmem:$0x13600] =	vst v63  }
.LBB2_8:
0x1b7: {  	p0 =	seq.s32 s10, $0x0  }
.Ltmp10:
0x1b8: {  	_ = 	snop;
	(pc) =	sbr.rel @p0 .LBB2_14-.Ltmp10, $1  }
0x1b9: {  	_ =	sdelay $0x3  }
.Ltmp11:
0x1ba: {  	(pc) =	sbr.rel .LBB2_11-.Ltmp11, $2  }
0x1bb: {  	_ =	sdelay $0x2  }
0x1bc: {  	s0 =	simm.s32 $0x0;
	s2 =	simm.s32 $0x1;
	s11 =	simm.s32 $0x0  }
.LBB2_16:
0x1bd: {  	_ =	sfence.sel $0x180000  }
0x1be: {  	[bflag:$0x0] =	sbarrier.arrive $0xFFFF  }
0x1bf: {  	_ =	strace $0x90000047  }
0x1c0: {  	s0 =	stileid.u32;
	[bflag:$0x2] =	sbarrier.arrive $0xFFFF  }
0x1c1: {  	p0 =	sne.s32 s0, $0x0;
	s0 =	rddreg [dreg:$0x3]  }
0x1c2: {  	s0 =	sadd.s32 @!p0 $0x100000, s0  }
0x1c3: {  	[sflag:s0] =	ssyncadd.tile.s32 @!p0 $0x1;
	_ =	shalt  }
.Lfunc_end2:
_tile_overlayer_lowered:
.L_overlay_start_2:
0x1c4: {  	(tag) =	ssettag $0x2  }
0x1c5: {  	s0 =	rddreg [dreg:$0x0];
	s2 =	stileid.u32  }
0x1c6: {  	s1 =	rddreg [dreg:$0x1];
	p0 =	sne.s32 s2, $0x0  }
0x1c7: {  	s3 =	rddreg [dreg:$0x2];
	[bflag:$0x3] =	sbarrier.arrive $0xFFFF;
	s2 =	simm.s32 @!p0 $0x1C04  }
0x1c8: {  	[timem:s3], [sflag:s2] =	dma.local @!p0 [hbm:s0], s1  }
0x1c9: {  	s0 =	simm.s32 @!p0 $0x4  }
0x1ca: {  	_ =	swait.ge @!p0 [sflag:s0], s1  }
0x1cb: {  	s1 =	ssub.s32 @!p0 $0x0, s1;
	[sflag:s0] =	ssyncset.done @!p0 $0x0  }
0x1cc: {  	[sflag:s0] =	ssyncadd.s32 @!p0 s1  }
0x1cd: {  	[bflag:$0x3] =	sbarrier.arrive $0xFFFF  }
0x1ce: {  	_ =	shalt  }

</sc_bundles>
